<compile_context>
chip_gen: v7x
topology: tpu7x:2x2x1
jax: 0.10.2.dev20260603
libtpu: 0.0.44.dev20260713+nightly
codegen_flags: <defaults>
</compile_context>

<pallas_src>
import functools

import jax
import jax.numpy as jnp
from jax import lax
from jax.experimental import pallas as pl
from jax.experimental.pallas import tpu as pltpu
from jax.experimental.pallas import tpu_sc as plsc

VOCAB = 1000000
DIM = 64
PAD_IDX = 0
B = 4096
L = 200
TOTAL = B * L
NC, NS, LANES = 2, 16, 16
NW = NC * NS
PER_W = TOTAL // NW
IDXR = 4
IDXW = 128
CHUNK = IDXR * IDXW
CHUNKS = PER_W // CHUNK
IROWS = PER_W // IDXW
NBUF = 2


PAIR = 12800
N_TBLK = -(-VOCAB // (2 * PAIR))
VROWS = N_TBLK * 2 * PAIR


def _tp_body(a_ref, b_ref, o_ref):
    o_ref[:, 0:DIM] = jnp.transpose(a_ref[...])
    o_ref[:, DIM:2 * DIM] = jnp.transpose(b_ref[...])


_tc_transpose = pl.pallas_call(
    _tp_body,
    grid=(N_TBLK,),
    in_specs=[pl.BlockSpec((DIM, PAIR), lambda i: (0, jnp.minimum(2 * i, VOCAB // PAIR))),
              pl.BlockSpec((DIM, PAIR), lambda i: (0, jnp.minimum(2 * i + 1, VOCAB // PAIR)))],
    out_specs=pl.BlockSpec((PAIR, 2 * DIM), lambda i: (i, 0)),
    out_shape=jax.ShapeDtypeStruct((N_TBLK * PAIR, 2 * DIM), jnp.float32),
)


LBLK = B // 128


def _fmt_body(i_ref, o_ref):
    y = jnp.transpose(i_ref[...], (1, 2, 0))
    o_ref[...] = y.reshape(L, DIM // 8, 1, 8, 128)


_tc_format = pl.pallas_call(
    _fmt_body,
    grid=(LBLK,),
    compiler_params=pltpu.CompilerParams(vmem_limit_bytes=100 * 1024 * 1024),
    in_specs=[pl.BlockSpec((128, L // 2, 128), lambda i: (i, 0, 0))],
    out_specs=pl.BlockSpec((L, DIM // 8, 1, 8, 128), lambda i: (0, 0, i, 0, 0)),
    out_shape=jax.ShapeDtypeStruct((L, DIM // 8, LBLK, 8, 128), jnp.float32),
)


@functools.partial(
    pl.kernel,
    out_type=jax.ShapeDtypeStruct((TOTAL, DIM), jnp.float32),
    mesh=plsc.VectorSubcoreMesh(core_axis_name="c", subcore_axis_name="s"),
    compiler_params=pltpu.CompilerParams(use_tc_tiling_on_sc=False),
    scratch_types=(
        [pltpu.VMEM((PER_W,), jnp.int32)]
        + [pltpu.VMEM((CHUNK, DIM), jnp.float32) for _ in range(NBUF)]
        + [pltpu.SemaphoreType.DMA for _ in range(2 * NBUF)]
    ),
)
def _emb_gather(idx_hbm, table_hbm, out_hbm, idx_v, *rest):
    rows = rest[:NBUF]
    gsem = rest[NBUF:2 * NBUF]
    wsem = rest[2 * NBUF:3 * NBUF]

    wid = lax.axis_index("s") * NC + lax.axis_index("c")
    base = wid * PER_W

    pltpu.sync_copy(idx_hbm.at[pl.ds(base, PER_W)], idx_v)

    def g_copy(j, b):
        return pltpu.make_async_copy(
            table_hbm.at[idx_v.at[pl.ds(j * CHUNK, CHUNK)]], rows[b], gsem[b])

    def w_copy(j, b):
        return pltpu.make_async_copy(
            rows[b], out_hbm.at[pl.ds(base + j * CHUNK, CHUNK)], wsem[b])

    for b in range(NBUF):
        g_copy(b, b).start()

    zero16 = jnp.zeros((LANES,), jnp.float32)
    iota16 = lax.iota(jnp.int32, LANES)

    def _lane_min(r):
        for sh in (8, 4, 2, 1):
            perm = jnp.bitwise_xor(iota16, sh).reshape(LANES, 1)
            g = lax.gather(
                r, perm,
                lax.GatherDimensionNumbers(
                    offset_dims=(), collapsed_slice_dims=(0,),
                    start_index_map=(0,)),
                slice_sizes=(1,),
                mode=lax.GatherScatterMode.PROMISE_IN_BOUNDS)
            r = jnp.minimum(r, g)
        return r[0]

    def step(g, carry):
        for b in range(NBUF):
            j = g * NBUF + b
            g_copy(j, b).wait()
            groups = [idx_v[pl.ds(j * CHUNK + grp * LANES, LANES)]
                      for grp in range(CHUNK // LANES)]
            cmin = groups[0]
            for idxg in groups[1:]:
                cmin = jnp.minimum(cmin, idxg)

            @pl.when(_lane_min(cmin) == PAD_IDX)
            def _fix(j=j, b=b):
                def zero_group(grp, c):
                    idxg = idx_v[pl.ds(j * CHUNK + grp * LANES, LANES)]
                    for lane in range(LANES):
                        @pl.when(idxg[lane] == PAD_IDX)
                        def _(r=grp * LANES + lane):
                            for col in range(0, DIM, LANES):
                                rows[b][r, pl.ds(col, LANES)] = zero16
                    return c

                lax.fori_loop(0, CHUNK // LANES, zero_group, 0)
            w_copy(j, b).start()

            @pl.when(j < CHUNKS - NBUF)
            def _next(j=j, b=b):
                w_copy(j, b).wait()
                g_copy(j + NBUF, b).start()
        return carry

    lax.fori_loop(0, CHUNKS // NBUF, step, 0)
    for b in range(NBUF):
        w_copy(CHUNKS - NBUF + b, b).wait()


def kernel(source, table):
    tt = table.T
    tlin = _tc_transpose(tt, tt).reshape(VROWS, DIM)
    i = source.astype(jnp.int32)
    blk = i // (2 * PAIR)
    r = i % (2 * PAIR)
    v = blk * (2 * PAIR) + 2 * (r % PAIR) + r // PAIR
    idx = v.reshape(TOTAL)
    out = _emb_gather(idx, tlin)
    out5d = _tc_format(out.reshape(B, L // 2, 128))
    return out5d.transpose(2, 4, 0, 1, 3).reshape(B, L, DIM)

# --- scband reference (transcript-rebuilt; emitter-appended) ---
"""Pipeline reference for scband-embeddings-11115375362842 (READ-ONLY COPY).

The authoritative reference and input builder live on the scoring server;
editing this copy changes nothing except your own understanding.
"""

import jax, jax.numpy as jnp
import numpy as np

VOCAB = 1000000
DIM = 64
PAD_IDX = 0
B = 4096
L = 200

def setup_inputs(seed: int = 0) -> dict:
    key = jax.random.key(seed)
    k1, k2 = jax.random.split(key)
    source = jax.random.randint(k1, (B, L), 0, VOCAB, dtype=jnp.int64)
    table = jax.random.normal(k2, (VOCAB, DIM), dtype=jnp.float32)
    return {"source": source, "table": table}

def reference(source, table):
    # nn.Embedding with padding_idx: row PAD_IDX is zero
    tbl = table.at[PAD_IDX].set(0.0)
    out = jnp.take(tbl, source, axis=0)
    return out

if __name__ == "__main__":
    import jax
    _d = setup_inputs()
    print(jax.jit(kernel)(*tuple(_d.values())))

</pallas_src>

<mosaic_0001>
#map = affine_map<(d0, d1) -> (0)>
#map1 = affine_map<(d0, d1) -> (0, 0)>
module attributes {stable_mosaic.version = 14 : i64} {
  func.func @_emb_gather(%arg0: i32, %arg1: i32, %arg2: memref<819200xi32, #tpu.memory_space<hbm>>, %arg3: memref<1024000x64xf32, #tpu.memory_space<hbm>>, %arg4: memref<819200x64xf32, #tpu.memory_space<hbm>>, %arg5: memref<25600xi32, #tpu.memory_space<vmem>>, %arg6: memref<512x64xf32, #tpu.memory_space<vmem>>, %arg7: memref<512x64xf32, #tpu.memory_space<vmem>>, %arg8: memref<!tpu.dma_semaphore, #tpu.memory_space<semaphore_mem>>, %arg9: memref<!tpu.dma_semaphore, #tpu.memory_space<semaphore_mem>>, %arg10: memref<!tpu.dma_semaphore, #tpu.memory_space<semaphore_mem>>, %arg11: memref<!tpu.dma_semaphore, #tpu.memory_space<semaphore_mem>>) attributes {dimension_semantics = [#tpu.dimension_semantics<core_parallel>, #tpu.dimension_semantics<subcore_parallel>], iteration_bounds = array<i64: 2, 16>, scalar_prefetch = 0 : i64, scratch_operands = 7 : i64, tpu.core_type = #tpu.core_type<sc_vector_subcore>, window_params = [{transform_indices = #map}, {transform_indices = #map1}, {transform_indices = #map1}]} {
    %mul3A = arith.constant 2 : i32
    %mul3A_0 = arith.muli %arg1, %mul3A : i32
    %add3A = arith.addi %mul3A_0, %arg0 : i32
    %mul3A_1 = arith.constant 25600 : i32
    %mul3A_2 = arith.muli %add3A, %mul3A_1 : i32
    "tpu.region"() ({
      %run_scoped3A = tpu.sem_alloc : memref<!tpu.dma_semaphore, #tpu.memory_space<semaphore_mem>>
      %dma_start3A_29 = tpu.memref_slice %arg2[%mul3A_2] : memref<819200xi32, #tpu.memory_space<hbm>> -> memref<25600xi32, #tpu.memory_space<hbm>>
      %dma_start3A_30 = tpu.memref_slice %arg2[%mul3A_2] : memref<819200xi32, #tpu.memory_space<hbm>> -> memref<25600xi32, #tpu.memory_space<hbm>>
      tpu.enqueue_dma source(%dma_start3A_30 : memref<25600xi32, #tpu.memory_space<hbm>>) target(%arg5 : memref<25600xi32, #tpu.memory_space<vmem>>) target_semaphore(%run_scoped3A : memref<!tpu.dma_semaphore, #tpu.memory_space<semaphore_mem>>)
      %dma_wait3A_31 = tpu.memref_slice %arg2[%mul3A_2] : memref<819200xi32, #tpu.memory_space<hbm>> -> memref<25600xi32, #tpu.memory_space<hbm>>
      %dma_wait3A_32 = tpu.memref_slice %arg2[%mul3A_2] : memref<819200xi32, #tpu.memory_space<hbm>> -> memref<25600xi32, #tpu.memory_space<hbm>>
      tpu.wait_dma2 semaphore(%run_scoped3A : memref<!tpu.dma_semaphore, #tpu.memory_space<semaphore_mem>>) src(%dma_wait3A_32 : memref<25600xi32, #tpu.memory_space<hbm>>) dst(%arg5 : memref<25600xi32, #tpu.memory_space<vmem>>)
      tpu.yield
    }) : () -> ()
    %dma_start3A = arith.constant 0 : i32
    %dma_start3A_3 = tpu.memref_slice %arg5[%dma_start3A] : memref<25600xi32, #tpu.memory_space<vmem>> -> memref<512xi32, #tpu.memory_space<vmem>>
    %dma_start3A_4 = arith.constant 0 : i32
    %dma_start3A_5 = arith.constant 0 : i32
    %dma_start3A_6 = tpu.memref_slice %arg3[%dma_start3A_4, %dma_start3A_5] : memref<1024000x64xf32, #tpu.memory_space<hbm>> -> memref<1024000x64xf32, #tpu.memory_space<hbm>>
    tpu.enqueue_indirect_dma source(%dma_start3A_6 : memref<1024000x64xf32, #tpu.memory_space<hbm>>) target(%arg6 : memref<512x64xf32, #tpu.memory_space<vmem>>) offsets(%dma_start3A_3 : memref<512xi32, #tpu.memory_space<vmem>>) semaphore(%arg8 : memref<!tpu.dma_semaphore, #tpu.memory_space<semaphore_mem>>)
    %dma_start3A_7 = arith.constant 512 : i32
    %dma_start3A_8 = tpu.memref_slice %arg5[%dma_start3A_7] : memref<25600xi32, #tpu.memory_space<vmem>> -> memref<512xi32, #tpu.memory_space<vmem>>
    %dma_start3A_9 = arith.constant 0 : i32
    %dma_start3A_10 = arith.constant 0 : i32
    %dma_start3A_11 = tpu.memref_slice %arg3[%dma_start3A_9, %dma_start3A_10] : memref<1024000x64xf32, #tpu.memory_space<hbm>> -> memref<1024000x64xf32, #tpu.memory_space<hbm>>
    tpu.enqueue_indirect_dma source(%dma_start3A_11 : memref<1024000x64xf32, #tpu.memory_space<hbm>>) target(%arg7 : memref<512x64xf32, #tpu.memory_space<vmem>>) offsets(%dma_start3A_8 : memref<512xi32, #tpu.memory_space<vmem>>) semaphore(%arg9 : memref<!tpu.dma_semaphore, #tpu.memory_space<semaphore_mem>>)
    %broadcast_in_dim3A = arith.constant 0.000000e+00 : f32
    %broadcast_in_dim3A_12 = vector.broadcast %broadcast_in_dim3A : f32 to vector<16xf32>
    %iota3A = tpu.iota {dimensions = array<i32: 0>} : vector<16xi32>
    %scan3A = arith.constant 0 : i32
    %scan3A_13 = arith.constant 0 : i32
    %scan3A_14 = arith.constant 25 : i32
    %scan3A_15 = arith.addi %scan3A_13, %scan3A_14 : i32
    %scan3A_16 = arith.constant 1 : i32
    scf.for %scan3A_29 = %scan3A_13 to %scan3A_15 step %scan3A_16  : i32 {
      %mul3A_30 = arith.constant 2 : i32
      %mul3A_31 = arith.muli %scan3A_29, %mul3A_30 : i32
      %add3A_32 = arith.constant 0 : i32
      %add3A_33 = arith.addi %mul3A_31, %add3A_32 : i32
      %mul3A_34 = arith.constant 512 : i32
      %mul3A_35 = arith.muli %add3A_33, %mul3A_34 : i32
      %dma_wait3A_36 = tpu.memref_slice %arg5[%mul3A_35] : memref<25600xi32, #tpu.memory_space<vmem>> -> memref<512xi32, #tpu.memory_space<vmem>>
      %dma_wait3A_37 = arith.constant 0 : i32
      %dma_wait3A_38 = arith.constant 0 : i32
      %dma_wait3A_39 = tpu.memref_slice %arg3[%dma_wait3A_37, %dma_wait3A_38] : memref<1024000x64xf32, #tpu.memory_space<hbm>> -> memref<1024000x64xf32, #tpu.memory_space<hbm>>
      tpu.wait_indirect_dma semaphore(%arg8 : memref<!tpu.dma_semaphore, #tpu.memory_space<semaphore_mem>>) src(%dma_wait3A_39 : memref<1024000x64xf32, #tpu.memory_space<hbm>>) dst(%arg6 : memref<512x64xf32, #tpu.memory_space<vmem>>)
      %mul3A_40 = arith.constant 512 : i32
      %mul3A_41 = arith.muli %add3A_33, %mul3A_40 : i32
      %add3A_42 = arith.constant 0 : i32
      %add3A_43 = arith.addi %mul3A_41, %add3A_42 : i32
      %get3A = arith.index_cast %add3A_43 : i32 to index
      %get3A_44 = tpu.vector_load %arg5[%get3A] {strides = array<i32>} : memref<25600xi32, #tpu.memory_space<vmem>>, vector<16xi32>,
      %get3A_45 = vector.shape_cast %get3A_44 : vector<16xi32> to vector<16xi32>
      %mul3A_46 = arith.constant 512 : i32
      %mul3A_47 = arith.muli %add3A_33, %mul3A_46 : i32
      %add3A_48 = arith.constant 16 : i32
      %add3A_49 = arith.addi %mul3A_47, %add3A_48 : i32
      %get3A_50 = arith.index_cast %add3A_49 : i32 to index
      %get3A_51 = tpu.vector_load %arg5[%get3A_50] {strides = array<i32>} : memref<25600xi32, #tpu.memory_space<vmem>>, vector<16xi32>,
      %get3A_52 = vector.shape_cast %get3A_51 : vector<16xi32> to vector<16xi32>
      %mul3A_53 = arith.constant 512 : i32
      %mul3A_54 = arith.muli %add3A_33, %mul3A_53 : i32
      %add3A_55 = arith.constant 32 : i32
      %add3A_56 = arith.addi %mul3A_54, %add3A_55 : i32
      %get3A_57 = arith.index_cast %add3A_56 : i32 to index
      %get3A_58 = tpu.vector_load %arg5[%get3A_57] {strides = array<i32>} : memref<25600xi32, #tpu.memory_space<vmem>>, vector<16xi32>,
      %get3A_59 = vector.shape_cast %get3A_58 : vector<16xi32> to vector<16xi32>
      %mul3A_60 = arith.constant 512 : i32
      %mul3A_61 = arith.muli %add3A_33, %mul3A_60 : i32
      %add3A_62 = arith.constant 48 : i32
      %add3A_63 = arith.addi %mul3A_61, %add3A_62 : i32
      %get3A_64 = arith.index_cast %add3A_63 : i32 to index
      %get3A_65 = tpu.vector_load %arg5[%get3A_64] {strides = array<i32>} : memref<25600xi32, #tpu.memory_space<vmem>>, vector<16xi32>,
      %get3A_66 = vector.shape_cast %get3A_65 : vector<16xi32> to vector<16xi32>
      %mul3A_67 = arith.constant 512 : i32
      %mul3A_68 = arith.muli %add3A_33, %mul3A_67 : i32
      %add3A_69 = arith.constant 64 : i32
      %add3A_70 = arith.addi %mul3A_68, %add3A_69 : i32
      %get3A_71 = arith.index_cast %add3A_70 : i32 to index
      %get3A_72 = tpu.vector_load %arg5[%get3A_71] {strides = array<i32>} : memref<25600xi32, #tpu.memory_space<vmem>>, vector<16xi32>,
      %get3A_73 = vector.shape_cast %get3A_72 : vector<16xi32> to vector<16xi32>
      %mul3A_74 = arith.constant 512 : i32
      %mul3A_75 = arith.muli %add3A_33, %mul3A_74 : i32
      %add3A_76 = arith.constant 80 : i32
      %add3A_77 = arith.addi %mul3A_75, %add3A_76 : i32
      %get3A_78 = arith.index_cast %add3A_77 : i32 to index
      %get3A_79 = tpu.vector_load %arg5[%get3A_78] {strides = array<i32>} : memref<25600xi32, #tpu.memory_space<vmem>>, vector<16xi32>,
      %get3A_80 = vector.shape_cast %get3A_79 : vector<16xi32> to vector<16xi32>
      %mul3A_81 = arith.constant 512 : i32
      %mul3A_82 = arith.muli %add3A_33, %mul3A_81 : i32
      %add3A_83 = arith.constant 96 : i32
      %add3A_84 = arith.addi %mul3A_82, %add3A_83 : i32
      %get3A_85 = arith.index_cast %add3A_84 : i32 to index
      %get3A_86 = tpu.vector_load %arg5[%get3A_85] {strides = array<i32>} : memref<25600xi32, #tpu.memory_space<vmem>>, vector<16xi32>,
      %get3A_87 = vector.shape_cast %get3A_86 : vector<16xi32> to vector<16xi32>
      %mul3A_88 = arith.constant 512 : i32
      %mul3A_89 = arith.muli %add3A_33, %mul3A_88 : i32
      %add3A_90 = arith.constant 112 : i32
      %add3A_91 = arith.addi %mul3A_89, %add3A_90 : i32
      %get3A_92 = arith.index_cast %add3A_91 : i32 to index
      %get3A_93 = tpu.vector_load %arg5[%get3A_92] {strides = array<i32>} : memref<25600xi32, #tpu.memory_space<vmem>>, vector<16xi32>,
      %get3A_94 = vector.shape_cast %get3A_93 : vector<16xi32> to vector<16xi32>
      %mul3A_95 = arith.constant 512 : i32
      %mul3A_96 = arith.muli %add3A_33, %mul3A_95 : i32
      %add3A_97 = arith.constant 128 : i32
      %add3A_98 = arith.addi %mul3A_96, %add3A_97 : i32
      %get3A_99 = arith.index_cast %add3A_98 : i32 to index
      %get3A_100 = tpu.vector_load %arg5[%get3A_99] {strides = array<i32>} : memref<25600xi32, #tpu.memory_space<vmem>>, vector<16xi32>,
      %get3A_101 = vector.shape_cast %get3A_100 : vector<16xi32> to vector<16xi32>
      %mul3A_102 = arith.constant 512 : i32
      %mul3A_103 = arith.muli %add3A_33, %mul3A_102 : i32
      %add3A_104 = arith.constant 144 : i32
      %add3A_105 = arith.addi %mul3A_103, %add3A_104 : i32
      %get3A_106 = arith.index_cast %add3A_105 : i32 to index
      %get3A_107 = tpu.vector_load %arg5[%get3A_106] {strides = array<i32>} : memref<25600xi32, #tpu.memory_space<vmem>>, vector<16xi32>,
      %get3A_108 = vector.shape_cast %get3A_107 : vector<16xi32> to vector<16xi32>
      %mul3A_109 = arith.constant 512 : i32
      %mul3A_110 = arith.muli %add3A_33, %mul3A_109 : i32
      %add3A_111 = arith.constant 160 : i32
      %add3A_112 = arith.addi %mul3A_110, %add3A_111 : i32
      %get3A_113 = arith.index_cast %add3A_112 : i32 to index
      %get3A_114 = tpu.vector_load %arg5[%get3A_113] {strides = array<i32>} : memref<25600xi32, #tpu.memory_space<vmem>>, vector<16xi32>,
      %get3A_115 = vector.shape_cast %get3A_114 : vector<16xi32> to vector<16xi32>
      %mul3A_116 = arith.constant 512 : i32
      %mul3A_117 = arith.muli %add3A_33, %mul3A_116 : i32
      %add3A_118 = arith.constant 176 : i32
      %add3A_119 = arith.addi %mul3A_117, %add3A_118 : i32
      %get3A_120 = arith.index_cast %add3A_119 : i32 to index
      %get3A_121 = tpu.vector_load %arg5[%get3A_120] {strides = array<i32>} : memref<25600xi32, #tpu.memory_space<vmem>>, vector<16xi32>,
      %get3A_122 = vector.shape_cast %get3A_121 : vector<16xi32> to vector<16xi32>
      %mul3A_123 = arith.constant 512 : i32
      %mul3A_124 = arith.muli %add3A_33, %mul3A_123 : i32
      %add3A_125 = arith.constant 192 : i32
      %add3A_126 = arith.addi %mul3A_124, %add3A_125 : i32
      %get3A_127 = arith.index_cast %add3A_126 : i32 to index
      %get3A_128 = tpu.vector_load %arg5[%get3A_127] {strides = array<i32>} : memref<25600xi32, #tpu.memory_space<vmem>>, vector<16xi32>,
      %get3A_129 = vector.shape_cast %get3A_128 : vector<16xi32> to vector<16xi32>
      %mul3A_130 = arith.constant 512 : i32
      %mul3A_131 = arith.muli %add3A_33, %mul3A_130 : i32
      %add3A_132 = arith.constant 208 : i32
      %add3A_133 = arith.addi %mul3A_131, %add3A_132 : i32
      %get3A_134 = arith.index_cast %add3A_133 : i32 to index
      %get3A_135 = tpu.vector_load %arg5[%get3A_134] {strides = array<i32>} : memref<25600xi32, #tpu.memory_space<vmem>>, vector<16xi32>,
      %get3A_136 = vector.shape_cast %get3A_135 : vector<16xi32> to vector<16xi32>
      %mul3A_137 = arith.constant 512 : i32
      %mul3A_138 = arith.muli %add3A_33, %mul3A_137 : i32
      %add3A_139 = arith.constant 224 : i32
      %add3A_140 = arith.addi %mul3A_138, %add3A_139 : i32
      %get3A_141 = arith.index_cast %add3A_140 : i32 to index
      %get3A_142 = tpu.vector_load %arg5[%get3A_141] {strides = array<i32>} : memref<25600xi32, #tpu.memory_space<vmem>>, vector<16xi32>,
      %get3A_143 = vector.shape_cast %get3A_142 : vector<16xi32> to vector<16xi32>
      %mul3A_144 = arith.constant 512 : i32
      %mul3A_145 = arith.muli %add3A_33, %mul3A_144 : i32
      %add3A_146 = arith.constant 240 : i32
      %add3A_147 = arith.addi %mul3A_145, %add3A_146 : i32
      %get3A_148 = arith.index_cast %add3A_147 : i32 to index
      %get3A_149 = tpu.vector_load %arg5[%get3A_148] {strides = array<i32>} : memref<25600xi32, #tpu.memory_space<vmem>>, vector<16xi32>,
      %get3A_150 = vector.shape_cast %get3A_149 : vector<16xi32> to vector<16xi32>
      %mul3A_151 = arith.constant 512 : i32
      %mul3A_152 = arith.muli %add3A_33, %mul3A_151 : i32
      %add3A_153 = arith.constant 256 : i32
      %add3A_154 = arith.addi %mul3A_152, %add3A_153 : i32
      %get3A_155 = arith.index_cast %add3A_154 : i32 to index
      %get3A_156 = tpu.vector_load %arg5[%get3A_155] {strides = array<i32>} : memref<25600xi32, #tpu.memory_space<vmem>>, vector<16xi32>,
      %get3A_157 = vector.shape_cast %get3A_156 : vector<16xi32> to vector<16xi32>
      %mul3A_158 = arith.constant 512 : i32
      %mul3A_159 = arith.muli %add3A_33, %mul3A_158 : i32
      %add3A_160 = arith.constant 272 : i32
      %add3A_161 = arith.addi %mul3A_159, %add3A_160 : i32
      %get3A_162 = arith.index_cast %add3A_161 : i32 to index
      %get3A_163 = tpu.vector_load %arg5[%get3A_162] {strides = array<i32>} : memref<25600xi32, #tpu.memory_space<vmem>>, vector<16xi32>,
      %get3A_164 = vector.shape_cast %get3A_163 : vector<16xi32> to vector<16xi32>
      %mul3A_165 = arith.constant 512 : i32
      %mul3A_166 = arith.muli %add3A_33, %mul3A_165 : i32
      %add3A_167 = arith.constant 288 : i32
      %add3A_168 = arith.addi %mul3A_166, %add3A_167 : i32
      %get3A_169 = arith.index_cast %add3A_168 : i32 to index
      %get3A_170 = tpu.vector_load %arg5[%get3A_169] {strides = array<i32>} : memref<25600xi32, #tpu.memory_space<vmem>>, vector<16xi32>,
      %get3A_171 = vector.shape_cast %get3A_170 : vector<16xi32> to vector<16xi32>
      %mul3A_172 = arith.constant 512 : i32
      %mul3A_173 = arith.muli %add3A_33, %mul3A_172 : i32
      %add3A_174 = arith.constant 304 : i32
      %add3A_175 = arith.addi %mul3A_173, %add3A_174 : i32
      %get3A_176 = arith.index_cast %add3A_175 : i32 to index
      %get3A_177 = tpu.vector_load %arg5[%get3A_176] {strides = array<i32>} : memref<25600xi32, #tpu.memory_space<vmem>>, vector<16xi32>,
      %get3A_178 = vector.shape_cast %get3A_177 : vector<16xi32> to vector<16xi32>
      %mul3A_179 = arith.constant 512 : i32
      %mul3A_180 = arith.muli %add3A_33, %mul3A_179 : i32
      %add3A_181 = arith.constant 320 : i32
      %add3A_182 = arith.addi %mul3A_180, %add3A_181 : i32
      %get3A_183 = arith.index_cast %add3A_182 : i32 to index
      %get3A_184 = tpu.vector_load %arg5[%get3A_183] {strides = array<i32>} : memref<25600xi32, #tpu.memory_space<vmem>>, vector<16xi32>,
      %get3A_185 = vector.shape_cast %get3A_184 : vector<16xi32> to vector<16xi32>
      %mul3A_186 = arith.constant 512 : i32
      %mul3A_187 = arith.muli %add3A_33, %mul3A_186 : i32
      %add3A_188 = arith.constant 336 : i32
      %add3A_189 = arith.addi %mul3A_187, %add3A_188 : i32
      %get3A_190 = arith.index_cast %add3A_189 : i32 to index
      %get3A_191 = tpu.vector_load %arg5[%get3A_190] {strides = array<i32>} : memref<25600xi32, #tpu.memory_space<vmem>>, vector<16xi32>,
      %get3A_192 = vector.shape_cast %get3A_191 : vector<16xi32> to vector<16xi32>
      %mul3A_193 = arith.constant 512 : i32
      %mul3A_194 = arith.muli %add3A_33, %mul3A_193 : i32
      %add3A_195 = arith.constant 352 : i32
      %add3A_196 = arith.addi %mul3A_194, %add3A_195 : i32
      %get3A_197 = arith.index_cast %add3A_196 : i32 to index
      %get3A_198 = tpu.vector_load %arg5[%get3A_197] {strides = array<i32>} : memref<25600xi32, #tpu.memory_space<vmem>>, vector<16xi32>,
      %get3A_199 = vector.shape_cast %get3A_198 : vector<16xi32> to vector<16xi32>
      %mul3A_200 = arith.constant 512 : i32
      %mul3A_201 = arith.muli %add3A_33, %mul3A_200 : i32
      %add3A_202 = arith.constant 368 : i32
      %add3A_203 = arith.addi %mul3A_201, %add3A_202 : i32
      %get3A_204 = arith.index_cast %add3A_203 : i32 to index
      %get3A_205 = tpu.vector_load %arg5[%get3A_204] {strides = array<i32>} : memref<25600xi32, #tpu.memory_space<vmem>>, vector<16xi32>,
      %get3A_206 = vector.shape_cast %get3A_205 : vector<16xi32> to vector<16xi32>
      %mul3A_207 = arith.constant 512 : i32
      %mul3A_208 = arith.muli %add3A_33, %mul3A_207 : i32
      %add3A_209 = arith.constant 384 : i32
      %add3A_210 = arith.addi %mul3A_208, %add3A_209 : i32
      %get3A_211 = arith.index_cast %add3A_210 : i32 to index
      %get3A_212 = tpu.vector_load %arg5[%get3A_211] {strides = array<i32>} : memref<25600xi32, #tpu.memory_space<vmem>>, vector<16xi32>,
      %get3A_213 = vector.shape_cast %get3A_212 : vector<16xi32> to vector<16xi32>
      %mul3A_214 = arith.constant 512 : i32
      %mul3A_215 = arith.muli %add3A_33, %mul3A_214 : i32
      %add3A_216 = arith.constant 400 : i32
      %add3A_217 = arith.addi %mul3A_215, %add3A_216 : i32
      %get3A_218 = arith.index_cast %add3A_217 : i32 to index
      %get3A_219 = tpu.vector_load %arg5[%get3A_218] {strides = array<i32>} : memref<25600xi32, #tpu.memory_space<vmem>>, vector<16xi32>,
      %get3A_220 = vector.shape_cast %get3A_219 : vector<16xi32> to vector<16xi32>
      %mul3A_221 = arith.constant 512 : i32
      %mul3A_222 = arith.muli %add3A_33, %mul3A_221 : i32
      %add3A_223 = arith.constant 416 : i32
      %add3A_224 = arith.addi %mul3A_222, %add3A_223 : i32
      %get3A_225 = arith.index_cast %add3A_224 : i32 to index
      %get3A_226 = tpu.vector_load %arg5[%get3A_225] {strides = array<i32>} : memref<25600xi32, #tpu.memory_space<vmem>>, vector<16xi32>,
      %get3A_227 = vector.shape_cast %get3A_226 : vector<16xi32> to vector<16xi32>
      %mul3A_228 = arith.constant 512 : i32
      %mul3A_229 = arith.muli %add3A_33, %mul3A_228 : i32
      %add3A_230 = arith.constant 432 : i32
      %add3A_231 = arith.addi %mul3A_229, %add3A_230 : i32
      %get3A_232 = arith.index_cast %add3A_231 : i32 to index
      %get3A_233 = tpu.vector_load %arg5[%get3A_232] {strides = array<i32>} : memref<25600xi32, #tpu.memory_space<vmem>>, vector<16xi32>,
      %get3A_234 = vector.shape_cast %get3A_233 : vector<16xi32> to vector<16xi32>
      %mul3A_235 = arith.constant 512 : i32
      %mul3A_236 = arith.muli %add3A_33, %mul3A_235 : i32
      %add3A_237 = arith.constant 448 : i32
      %add3A_238 = arith.addi %mul3A_236, %add3A_237 : i32
      %get3A_239 = arith.index_cast %add3A_238 : i32 to index
      %get3A_240 = tpu.vector_load %arg5[%get3A_239] {strides = array<i32>} : memref<25600xi32, #tpu.memory_space<vmem>>, vector<16xi32>,
      %get3A_241 = vector.shape_cast %get3A_240 : vector<16xi32> to vector<16xi32>
      %mul3A_242 = arith.constant 512 : i32
      %mul3A_243 = arith.muli %add3A_33, %mul3A_242 : i32
      %add3A_244 = arith.constant 464 : i32
      %add3A_245 = arith.addi %mul3A_243, %add3A_244 : i32
      %get3A_246 = arith.index_cast %add3A_245 : i32 to index
      %get3A_247 = tpu.vector_load %arg5[%get3A_246] {strides = array<i32>} : memref<25600xi32, #tpu.memory_space<vmem>>, vector<16xi32>,
      %get3A_248 = vector.shape_cast %get3A_247 : vector<16xi32> to vector<16xi32>
      %mul3A_249 = arith.constant 512 : i32
      %mul3A_250 = arith.muli %add3A_33, %mul3A_249 : i32
      %add3A_251 = arith.constant 480 : i32
      %add3A_252 = arith.addi %mul3A_250, %add3A_251 : i32
      %get3A_253 = arith.index_cast %add3A_252 : i32 to index
      %get3A_254 = tpu.vector_load %arg5[%get3A_253] {strides = array<i32>} : memref<25600xi32, #tpu.memory_space<vmem>>, vector<16xi32>,
      %get3A_255 = vector.shape_cast %get3A_254 : vector<16xi32> to vector<16xi32>
      %mul3A_256 = arith.constant 512 : i32
      %mul3A_257 = arith.muli %add3A_33, %mul3A_256 : i32
      %add3A_258 = arith.constant 496 : i32
      %add3A_259 = arith.addi %mul3A_257, %add3A_258 : i32
      %get3A_260 = arith.index_cast %add3A_259 : i32 to index
      %get3A_261 = tpu.vector_load %arg5[%get3A_260] {strides = array<i32>} : memref<25600xi32, #tpu.memory_space<vmem>>, vector<16xi32>,
      %get3A_262 = vector.shape_cast %get3A_261 : vector<16xi32> to vector<16xi32>
      %min3A = arith.minsi %get3A_45, %get3A_52 : vector<16xi32>
      %min3A_263 = arith.minsi %min3A, %get3A_59 : vector<16xi32>
      %min3A_264 = arith.minsi %min3A_263, %get3A_66 : vector<16xi32>
      %min3A_265 = arith.minsi %min3A_264, %get3A_73 : vector<16xi32>
      %min3A_266 = arith.minsi %min3A_265, %get3A_80 : vector<16xi32>
      %min3A_267 = arith.minsi %min3A_266, %get3A_87 : vector<16xi32>
      %min3A_268 = arith.minsi %min3A_267, %get3A_94 : vector<16xi32>
      %min3A_269 = arith.minsi %min3A_268, %get3A_101 : vector<16xi32>
      %min3A_270 = arith.minsi %min3A_269, %get3A_108 : vector<16xi32>
      %min3A_271 = arith.minsi %min3A_270, %get3A_115 : vector<16xi32>
      %min3A_272 = arith.minsi %min3A_271, %get3A_122 : vector<16xi32>
      %min3A_273 = arith.minsi %min3A_272, %get3A_129 : vector<16xi32>
      %min3A_274 = arith.minsi %min3A_273, %get3A_136 : vector<16xi32>
      %min3A_275 = arith.minsi %min3A_274, %get3A_143 : vector<16xi32>
      %min3A_276 = arith.minsi %min3A_275, %get3A_150 : vector<16xi32>
      %min3A_277 = arith.minsi %min3A_276, %get3A_157 : vector<16xi32>
      %min3A_278 = arith.minsi %min3A_277, %get3A_164 : vector<16xi32>
      %min3A_279 = arith.minsi %min3A_278, %get3A_171 : vector<16xi32>
      %min3A_280 = arith.minsi %min3A_279, %get3A_178 : vector<16xi32>
      %min3A_281 = arith.minsi %min3A_280, %get3A_185 : vector<16xi32>
      %min3A_282 = arith.minsi %min3A_281, %get3A_192 : vector<16xi32>
      %min3A_283 = arith.minsi %min3A_282, %get3A_199 : vector<16xi32>
      %min3A_284 = arith.minsi %min3A_283, %get3A_206 : vector<16xi32>
      %min3A_285 = arith.minsi %min3A_284, %get3A_213 : vector<16xi32>
      %min3A_286 = arith.minsi %min3A_285, %get3A_220 : vector<16xi32>
      %min3A_287 = arith.minsi %min3A_286, %get3A_227 : vector<16xi32>
      %min3A_288 = arith.minsi %min3A_287, %get3A_234 : vector<16xi32>
      %min3A_289 = arith.minsi %min3A_288, %get3A_241 : vector<16xi32>
      %min3A_290 = arith.minsi %min3A_289, %get3A_248 : vector<16xi32>
      %min3A_291 = arith.minsi %min3A_290, %get3A_255 : vector<16xi32>
      %min3A_292 = arith.minsi %min3A_291, %get3A_262 : vector<16xi32>
      %xor3A = arith.constant 8 : i32
      %xor3A_293 = vector.broadcast %xor3A : i32 to vector<16xi32>
      %xor3A_294 = arith.xori %iota3A, %xor3A_293 : vector<16xi32>
      %reshape3A = vector.shape_cast %xor3A_294 : vector<16xi32> to vector<16x1xi32>
      %gather3A = vector.shape_cast %reshape3A : vector<16x1xi32> to vector<16xi32>
      %gather3A_295 = tpu.dynamic_gather %min3A_292[%gather3A] in [0] : vector<16xi32>, vector<16xi32> -> vector<16xi32>
      %min3A_296 = arith.minsi %min3A_292, %gather3A_295 : vector<16xi32>
      %xor3A_297 = arith.constant 4 : i32
      %xor3A_298 = vector.broadcast %xor3A_297 : i32 to vector<16xi32>
      %xor3A_299 = arith.xori %iota3A, %xor3A_298 : vector<16xi32>
      %reshape3A_300 = vector.shape_cast %xor3A_299 : vector<16xi32> to vector<16x1xi32>
      %gather3A_301 = vector.shape_cast %reshape3A_300 : vector<16x1xi32> to vector<16xi32>
      %gather3A_302 = tpu.dynamic_gather %min3A_296[%gather3A_301] in [0] : vector<16xi32>, vector<16xi32> -> vector<16xi32>
      %min3A_303 = arith.minsi %min3A_296, %gather3A_302 : vector<16xi32>
      %xor3A_304 = arith.constant 2 : i32
      %xor3A_305 = vector.broadcast %xor3A_304 : i32 to vector<16xi32>
      %xor3A_306 = arith.xori %iota3A, %xor3A_305 : vector<16xi32>
      %reshape3A_307 = vector.shape_cast %xor3A_306 : vector<16xi32> to vector<16x1xi32>
      %gather3A_308 = vector.shape_cast %reshape3A_307 : vector<16x1xi32> to vector<16xi32>
      %gather3A_309 = tpu.dynamic_gather %min3A_303[%gather3A_308] in [0] : vector<16xi32>, vector<16xi32> -> vector<16xi32>
      %min3A_310 = arith.minsi %min3A_303, %gather3A_309 : vector<16xi32>
      %xor3A_311 = arith.constant 1 : i32
      %xor3A_312 = vector.broadcast %xor3A_311 : i32 to vector<16xi32>
      %xor3A_313 = arith.xori %iota3A, %xor3A_312 : vector<16xi32>
      %reshape3A_314 = vector.shape_cast %xor3A_313 : vector<16xi32> to vector<16x1xi32>
      %gather3A_315 = vector.shape_cast %reshape3A_314 : vector<16x1xi32> to vector<16xi32>
      %gather3A_316 = tpu.dynamic_gather %min3A_310[%gather3A_315] in [0] : vector<16xi32>, vector<16xi32> -> vector<16xi32>
      %min3A_317 = arith.minsi %min3A_310, %gather3A_316 : vector<16xi32>
      %slice3A = vector.extract_strided_slice %min3A_317 {offsets = [0], sizes = [1], strides = [1]} : vector<16xi32> to vector<1xi32>
      %squeeze3A = vector.extract %slice3A[0] : i32 from vector<1xi32>
      %eq3A = arith.constant 0 : i32
      %eq3A_318 = arith.cmpi eq, %squeeze3A, %eq3A : i32
      %convert_element_type3A = arith.extui %eq3A_318 : i1 to i32
      %cond3A = arith.constant 0 : i32
      %cond3A_319 = arith.cmpi ne, %convert_element_type3A, %cond3A : i32
      scf.if %cond3A_319 {
        %scan3A_643 = arith.constant 0 : i32
        %scan3A_644 = arith.constant 0 : i32
        %scan3A_645 = arith.constant 32 : i32
        %scan3A_646 = arith.addi %scan3A_644, %scan3A_645 : i32
        %scan3A_647 = arith.constant 1 : i32
        scf.for %scan3A_649 = %scan3A_644 to %scan3A_646 step %scan3A_647  : i32 {
          %mul3A_650 = arith.constant 512 : i32
          %mul3A_651 = arith.muli %add3A_33, %mul3A_650 : i32
          %mul3A_652 = arith.constant 16 : i32
          %mul3A_653 = arith.muli %scan3A_649, %mul3A_652 : i32
          %add3A_654 = arith.addi %mul3A_651, %mul3A_653 : i32
          %get3A_655 = arith.index_cast %add3A_654 : i32 to index
          %get3A_656 = tpu.vector_load %arg5[%get3A_655] {strides = array<i32>} : memref<25600xi32, #tpu.memory_space<vmem>>, vector<16xi32>,
          %get3A_657 = vector.shape_cast %get3A_656 : vector<16xi32> to vector<16xi32>
          %slice3A_658 = vector.extract_strided_slice %get3A_657 {offsets = [0], sizes = [1], strides = [1]} : vector<16xi32> to vector<1xi32>
          %squeeze3A_659 = vector.extract %slice3A_658[0] : i32 from vector<1xi32>
          %eq3A_660 = arith.constant 0 : i32
          %eq3A_661 = arith.cmpi eq, %squeeze3A_659, %eq3A_660 : i32
          %mul3A_662 = arith.constant 16 : i32
          %mul3A_663 = arith.muli %scan3A_649, %mul3A_662 : i32
          %add3A_664 = arith.constant 0 : i32
          %add3A_665 = arith.addi %mul3A_663, %add3A_664 : i32
          %convert_element_type3A_666 = arith.extui %eq3A_661 : i1 to i32
          %cond3A_667 = arith.constant 0 : i32
          %cond3A_668 = arith.cmpi ne, %convert_element_type3A_666, %cond3A_667 : i32
          scf.if %cond3A_668 {
            %swap3A = arith.index_cast %add3A_665 : i32 to index
            %swap3A_834 = arith.constant 0 : index
            %swap3A_835 = tpu.vector_load %arg6[%swap3A, %swap3A_834] {strides = array<i32>} : memref<512x64xf32, #tpu.memory_space<vmem>>, vector<1x16xf32>,
            %swap3A_836 = vector.shape_cast %swap3A_835 : vector<1x16xf32> to vector<16xf32>
            %swap3A_837 = vector.shape_cast %broadcast_in_dim3A_12 : vector<16xf32> to vector<1x16xf32>
            tpu.vector_store %arg6[%swap3A, %swap3A_834], %swap3A_837 {strides = array<i32>} : memref<512x64xf32, #tpu.memory_space<vmem>>, vector<1x16xf32>,
            %swap3A_838 = arith.index_cast %add3A_665 : i32 to index
            %swap3A_839 = arith.constant 16 : index
            %swap3A_840 = tpu.vector_load %arg6[%swap3A_838, %swap3A_839] {strides = array<i32>} : memref<512x64xf32, #tpu.memory_space<vmem>>, vector<1x16xf32>,
            %swap3A_841 = vector.shape_cast %swap3A_840 : vector<1x16xf32> to vector<16xf32>
            %swap3A_842 = vector.shape_cast %broadcast_in_dim3A_12 : vector<16xf32> to vector<1x16xf32>
            tpu.vector_store %arg6[%swap3A_838, %swap3A_839], %swap3A_842 {strides = array<i32>} : memref<512x64xf32, #tpu.memory_space<vmem>>, vector<1x16xf32>,
            %swap3A_843 = arith.index_cast %add3A_665 : i32 to index
            %swap3A_844 = arith.constant 32 : index
            %swap3A_845 = tpu.vector_load %arg6[%swap3A_843, %swap3A_844] {strides = array<i32>} : memref<512x64xf32, #tpu.memory_space<vmem>>, vector<1x16xf32>,
            %swap3A_846 = vector.shape_cast %swap3A_845 : vector<1x16xf32> to vector<16xf32>
            %swap3A_847 = vector.shape_cast %broadcast_in_dim3A_12 : vector<16xf32> to vector<1x16xf32>
            tpu.vector_store %arg6[%swap3A_843, %swap3A_844], %swap3A_847 {strides = array<i32>} : memref<512x64xf32, #tpu.memory_space<vmem>>, vector<1x16xf32>,
            %swap3A_848 = arith.index_cast %add3A_665 : i32 to index
            %swap3A_849 = arith.constant 48 : index
            %swap3A_850 = tpu.vector_load %arg6[%swap3A_848, %swap3A_849] {strides = array<i32>} : memref<512x64xf32, #tpu.memory_space<vmem>>, vector<1x16xf32>,
            %swap3A_851 = vector.shape_cast %swap3A_850 : vector<1x16xf32> to vector<16xf32>
            %swap3A_852 = vector.shape_cast %broadcast_in_dim3A_12 : vector<16xf32> to vector<1x16xf32>
            tpu.vector_store %arg6[%swap3A_848, %swap3A_849], %swap3A_852 {strides = array<i32>} : memref<512x64xf32, #tpu.memory_space<vmem>>, vector<1x16xf32>,
          } else {
          }
          %slice3A_669 = vector.extract_strided_slice %get3A_657 {offsets = [1], sizes = [1], strides = [1]} : vector<16xi32> to vector<1xi32>
          %squeeze3A_670 = vector.extract %slice3A_669[0] : i32 from vector<1xi32>
          %eq3A_671 = arith.constant 0 : i32
          %eq3A_672 = arith.cmpi eq, %squeeze3A_670, %eq3A_671 : i32
          %mul3A_673 = arith.constant 16 : i32
          %mul3A_674 = arith.muli %scan3A_649, %mul3A_673 : i32
          %add3A_675 = arith.constant 1 : i32
          %add3A_676 = arith.addi %mul3A_674, %add3A_675 : i32
          %convert_element_type3A_677 = arith.extui %eq3A_672 : i1 to i32
          %cond3A_678 = arith.constant 0 : i32
          %cond3A_679 = arith.cmpi ne, %convert_element_type3A_677, %cond3A_678 : i32
          scf.if %cond3A_679 {
            %swap3A = arith.index_cast %add3A_676 : i32 to index
            %swap3A_834 = arith.constant 0 : index
            %swap3A_835 = tpu.vector_load %arg6[%swap3A, %swap3A_834] {strides = array<i32>} : memref<512x64xf32, #tpu.memory_space<vmem>>, vector<1x16xf32>,
            %swap3A_836 = vector.shape_cast %swap3A_835 : vector<1x16xf32> to vector<16xf32>
            %swap3A_837 = vector.shape_cast %broadcast_in_dim3A_12 : vector<16xf32> to vector<1x16xf32>
            tpu.vector_store %arg6[%swap3A, %swap3A_834], %swap3A_837 {strides = array<i32>} : memref<512x64xf32, #tpu.memory_space<vmem>>, vector<1x16xf32>,
            %swap3A_838 = arith.index_cast %add3A_676 : i32 to index
            %swap3A_839 = arith.constant 16 : index
            %swap3A_840 = tpu.vector_load %arg6[%swap3A_838, %swap3A_839] {strides = array<i32>} : memref<512x64xf32, #tpu.memory_space<vmem>>, vector<1x16xf32>,
            %swap3A_841 = vector.shape_cast %swap3A_840 : vector<1x16xf32> to vector<16xf32>
            %swap3A_842 = vector.shape_cast %broadcast_in_dim3A_12 : vector<16xf32> to vector<1x16xf32>
            tpu.vector_store %arg6[%swap3A_838, %swap3A_839], %swap3A_842 {strides = array<i32>} : memref<512x64xf32, #tpu.memory_space<vmem>>, vector<1x16xf32>,
            %swap3A_843 = arith.index_cast %add3A_676 : i32 to index
            %swap3A_844 = arith.constant 32 : index
            %swap3A_845 = tpu.vector_load %arg6[%swap3A_843, %swap3A_844] {strides = array<i32>} : memref<512x64xf32, #tpu.memory_space<vmem>>, vector<1x16xf32>,
            %swap3A_846 = vector.shape_cast %swap3A_845 : vector<1x16xf32> to vector<16xf32>
            %swap3A_847 = vector.shape_cast %broadcast_in_dim3A_12 : vector<16xf32> to vector<1x16xf32>
            tpu.vector_store %arg6[%swap3A_843, %swap3A_844], %swap3A_847 {strides = array<i32>} : memref<512x64xf32, #tpu.memory_space<vmem>>, vector<1x16xf32>,
            %swap3A_848 = arith.index_cast %add3A_676 : i32 to index
            %swap3A_849 = arith.constant 48 : index
            %swap3A_850 = tpu.vector_load %arg6[%swap3A_848, %swap3A_849] {strides = array<i32>} : memref<512x64xf32, #tpu.memory_space<vmem>>, vector<1x16xf32>,
            %swap3A_851 = vector.shape_cast %swap3A_850 : vector<1x16xf32> to vector<16xf32>
            %swap3A_852 = vector.shape_cast %broadcast_in_dim3A_12 : vector<16xf32> to vector<1x16xf32>
            tpu.vector_store %arg6[%swap3A_848, %swap3A_849], %swap3A_852 {strides = array<i32>} : memref<512x64xf32, #tpu.memory_space<vmem>>, vector<1x16xf32>,
          } else {
          }
          %slice3A_680 = vector.extract_strided_slice %get3A_657 {offsets = [2], sizes = [1], strides = [1]} : vector<16xi32> to vector<1xi32>
          %squeeze3A_681 = vector.extract %slice3A_680[0] : i32 from vector<1xi32>
          %eq3A_682 = arith.constant 0 : i32
          %eq3A_683 = arith.cmpi eq, %squeeze3A_681, %eq3A_682 : i32
          %mul3A_684 = arith.constant 16 : i32
          %mul3A_685 = arith.muli %scan3A_649, %mul3A_684 : i32
          %add3A_686 = arith.constant 2 : i32
          %add3A_687 = arith.addi %mul3A_685, %add3A_686 : i32
          %convert_element_type3A_688 = arith.extui %eq3A_683 : i1 to i32
          %cond3A_689 = arith.constant 0 : i32
          %cond3A_690 = arith.cmpi ne, %convert_element_type3A_688, %cond3A_689 : i32
          scf.if %cond3A_690 {
            %swap3A = arith.index_cast %add3A_687 : i32 to index
            %swap3A_834 = arith.constant 0 : index
            %swap3A_835 = tpu.vector_load %arg6[%swap3A, %swap3A_834] {strides = array<i32>} : memref<512x64xf32, #tpu.memory_space<vmem>>, vector<1x16xf32>,
            %swap3A_836 = vector.shape_cast %swap3A_835 : vector<1x16xf32> to vector<16xf32>
            %swap3A_837 = vector.shape_cast %broadcast_in_dim3A_12 : vector<16xf32> to vector<1x16xf32>
            tpu.vector_store %arg6[%swap3A, %swap3A_834], %swap3A_837 {strides = array<i32>} : memref<512x64xf32, #tpu.memory_space<vmem>>, vector<1x16xf32>,
            %swap3A_838 = arith.index_cast %add3A_687 : i32 to index
            %swap3A_839 = arith.constant 16 : index
            %swap3A_840 = tpu.vector_load %arg6[%swap3A_838, %swap3A_839] {strides = array<i32>} : memref<512x64xf32, #tpu.memory_space<vmem>>, vector<1x16xf32>,
            %swap3A_841 = vector.shape_cast %swap3A_840 : vector<1x16xf32> to vector<16xf32>
            %swap3A_842 = vector.shape_cast %broadcast_in_dim3A_12 : vector<16xf32> to vector<1x16xf32>
            tpu.vector_store %arg6[%swap3A_838, %swap3A_839], %swap3A_842 {strides = array<i32>} : memref<512x64xf32, #tpu.memory_space<vmem>>, vector<1x16xf32>,
            %swap3A_843 = arith.index_cast %add3A_687 : i32 to index
            %swap3A_844 = arith.constant 32 : index
            %swap3A_845 = tpu.vector_load %arg6[%swap3A_843, %swap3A_844] {strides = array<i32>} : memref<512x64xf32, #tpu.memory_space<vmem>>, vector<1x16xf32>,
            %swap3A_846 = vector.shape_cast %swap3A_845 : vector<1x16xf32> to vector<16xf32>
            %swap3A_847 = vector.shape_cast %broadcast_in_dim3A_12 : vector<16xf32> to vector<1x16xf32>
            tpu.vector_store %arg6[%swap3A_843, %swap3A_844], %swap3A_847 {strides = array<i32>} : memref<512x64xf32, #tpu.memory_space<vmem>>, vector<1x16xf32>,
            %swap3A_848 = arith.index_cast %add3A_687 : i32 to index
            %swap3A_849 = arith.constant 48 : index
            %swap3A_850 = tpu.vector_load %arg6[%swap3A_848, %swap3A_849] {strides = array<i32>} : memref<512x64xf32, #tpu.memory_space<vmem>>, vector<1x16xf32>,
            %swap3A_851 = vector.shape_cast %swap3A_850 : vector<1x16xf32> to vector<16xf32>
            %swap3A_852 = vector.shape_cast %broadcast_in_dim3A_12 : vector<16xf32> to vector<1x16xf32>
            tpu.vector_store %arg6[%swap3A_848, %swap3A_849], %swap3A_852 {strides = array<i32>} : memref<512x64xf32, #tpu.memory_space<vmem>>, vector<1x16xf32>,
          } else {
          }
          %slice3A_691 = vector.extract_strided_slice %get3A_657 {offsets = [3], sizes = [1], strides = [1]} : vector<16xi32> to vector<1xi32>
          %squeeze3A_692 = vector.extract %slice3A_691[0] : i32 from vector<1xi32>
          %eq3A_693 = arith.constant 0 : i32
          %eq3A_694 = arith.cmpi eq, %squeeze3A_692, %eq3A_693 : i32
          %mul3A_695 = arith.constant 16 : i32
          %mul3A_696 = arith.muli %scan3A_649, %mul3A_695 : i32
          %add3A_697 = arith.constant 3 : i32
          %add3A_698 = arith.addi %mul3A_696, %add3A_697 : i32
          %convert_element_type3A_699 = arith.extui %eq3A_694 : i1 to i32
          %cond3A_700 = arith.constant 0 : i32
          %cond3A_701 = arith.cmpi ne, %convert_element_type3A_699, %cond3A_700 : i32
          scf.if %cond3A_701 {
            %swap3A = arith.index_cast %add3A_698 : i32 to index
            %swap3A_834 = arith.constant 0 : index
            %swap3A_835 = tpu.vector_load %arg6[%swap3A, %swap3A_834] {strides = array<i32>} : memref<512x64xf32, #tpu.memory_space<vmem>>, vector<1x16xf32>,
            %swap3A_836 = vector.shape_cast %swap3A_835 : vector<1x16xf32> to vector<16xf32>
            %swap3A_837 = vector.shape_cast %broadcast_in_dim3A_12 : vector<16xf32> to vector<1x16xf32>
            tpu.vector_store %arg6[%swap3A, %swap3A_834], %swap3A_837 {strides = array<i32>} : memref<512x64xf32, #tpu.memory_space<vmem>>, vector<1x16xf32>,
            %swap3A_838 = arith.index_cast %add3A_698 : i32 to index
            %swap3A_839 = arith.constant 16 : index
            %swap3A_840 = tpu.vector_load %arg6[%swap3A_838, %swap3A_839] {strides = array<i32>} : memref<512x64xf32, #tpu.memory_space<vmem>>, vector<1x16xf32>,
            %swap3A_841 = vector.shape_cast %swap3A_840 : vector<1x16xf32> to vector<16xf32>
            %swap3A_842 = vector.shape_cast %broadcast_in_dim3A_12 : vector<16xf32> to vector<1x16xf32>
            tpu.vector_store %arg6[%swap3A_838, %swap3A_839], %swap3A_842 {strides = array<i32>} : memref<512x64xf32, #tpu.memory_space<vmem>>, vector<1x16xf32>,
            %swap3A_843 = arith.index_cast %add3A_698 : i32 to index
            %swap3A_844 = arith.constant 32 : index
            %swap3A_845 = tpu.vector_load %arg6[%swap3A_843, %swap3A_844] {strides = array<i32>} : memref<512x64xf32, #tpu.memory_space<vmem>>, vector<1x16xf32>,
            %swap3A_846 = vector.shape_cast %swap3A_845 : vector<1x16xf32> to vector<16xf32>
            %swap3A_847 = vector.shape_cast %broadcast_in_dim3A_12 : vector<16xf32> to vector<1x16xf32>
            tpu.vector_store %arg6[%swap3A_843, %swap3A_844], %swap3A_847 {strides = array<i32>} : memref<512x64xf32, #tpu.memory_space<vmem>>, vector<1x16xf32>,
            %swap3A_848 = arith.index_cast %add3A_698 : i32 to index
            %swap3A_849 = arith.constant 48 : index
            %swap3A_850 = tpu.vector_load %arg6[%swap3A_848, %swap3A_849] {strides = array<i32>} : memref<512x64xf32, #tpu.memory_space<vmem>>, vector<1x16xf32>,
            %swap3A_851 = vector.shape_cast %swap3A_850 : vector<1x16xf32> to vector<16xf32>
            %swap3A_852 = vector.shape_cast %broadcast_in_dim3A_12 : vector<16xf32> to vector<1x16xf32>
            tpu.vector_store %arg6[%swap3A_848, %swap3A_849], %swap3A_852 {strides = array<i32>} : memref<512x64xf32, #tpu.memory_space<vmem>>, vector<1x16xf32>,
          } else {
          }
          %slice3A_702 = vector.extract_strided_slice %get3A_657 {offsets = [4], sizes = [1], strides = [1]} : vector<16xi32> to vector<1xi32>
          %squeeze3A_703 = vector.extract %slice3A_702[0] : i32 from vector<1xi32>
          %eq3A_704 = arith.constant 0 : i32
          %eq3A_705 = arith.cmpi eq, %squeeze3A_703, %eq3A_704 : i32
          %mul3A_706 = arith.constant 16 : i32
          %mul3A_707 = arith.muli %scan3A_649, %mul3A_706 : i32
          %add3A_708 = arith.constant 4 : i32
          %add3A_709 = arith.addi %mul3A_707, %add3A_708 : i32
          %convert_element_type3A_710 = arith.extui %eq3A_705 : i1 to i32
          %cond3A_711 = arith.constant 0 : i32
          %cond3A_712 = arith.cmpi ne, %convert_element_type3A_710, %cond3A_711 : i32
          scf.if %cond3A_712 {
            %swap3A = arith.index_cast %add3A_709 : i32 to index
            %swap3A_834 = arith.constant 0 : index
            %swap3A_835 = tpu.vector_load %arg6[%swap3A, %swap3A_834] {strides = array<i32>} : memref<512x64xf32, #tpu.memory_space<vmem>>, vector<1x16xf32>,
            %swap3A_836 = vector.shape_cast %swap3A_835 : vector<1x16xf32> to vector<16xf32>
            %swap3A_837 = vector.shape_cast %broadcast_in_dim3A_12 : vector<16xf32> to vector<1x16xf32>
            tpu.vector_store %arg6[%swap3A, %swap3A_834], %swap3A_837 {strides = array<i32>} : memref<512x64xf32, #tpu.memory_space<vmem>>, vector<1x16xf32>,
            %swap3A_838 = arith.index_cast %add3A_709 : i32 to index
            %swap3A_839 = arith.constant 16 : index
            %swap3A_840 = tpu.vector_load %arg6[%swap3A_838, %swap3A_839] {strides = array<i32>} : memref<512x64xf32, #tpu.memory_space<vmem>>, vector<1x16xf32>,
            %swap3A_841 = vector.shape_cast %swap3A_840 : vector<1x16xf32> to vector<16xf32>
            %swap3A_842 = vector.shape_cast %broadcast_in_dim3A_12 : vector<16xf32> to vector<1x16xf32>
            tpu.vector_store %arg6[%swap3A_838, %swap3A_839], %swap3A_842 {strides = array<i32>} : memref<512x64xf32, #tpu.memory_space<vmem>>, vector<1x16xf32>,
            %swap3A_843 = arith.index_cast %add3A_709 : i32 to index
            %swap3A_844 = arith.constant 32 : index
            %swap3A_845 = tpu.vector_load %arg6[%swap3A_843, %swap3A_844] {strides = array<i32>} : memref<512x64xf32, #tpu.memory_space<vmem>>, vector<1x16xf32>,
            %swap3A_846 = vector.shape_cast %swap3A_845 : vector<1x16xf32> to vector<16xf32>
            %swap3A_847 = vector.shape_cast %broadcast_in_dim3A_12 : vector<16xf32> to vector<1x16xf32>
            tpu.vector_store %arg6[%swap3A_843, %swap3A_844], %swap3A_847 {strides = array<i32>} : memref<512x64xf32, #tpu.memory_space<vmem>>, vector<1x16xf32>,
            %swap3A_848 = arith.index_cast %add3A_709 : i32 to index
            %swap3A_849 = arith.constant 48 : index
            %swap3A_850 = tpu.vector_load %arg6[%swap3A_848, %swap3A_849] {strides = array<i32>} : memref<512x64xf32, #tpu.memory_space<vmem>>, vector<1x16xf32>,
            %swap3A_851 = vector.shape_cast %swap3A_850 : vector<1x16xf32> to vector<16xf32>
            %swap3A_852 = vector.shape_cast %broadcast_in_dim3A_12 : vector<16xf32> to vector<1x16xf32>
            tpu.vector_store %arg6[%swap3A_848, %swap3A_849], %swap3A_852 {strides = array<i32>} : memref<512x64xf32, #tpu.memory_space<vmem>>, vector<1x16xf32>,
          } else {
          }
          %slice3A_713 = vector.extract_strided_slice %get3A_657 {offsets = [5], sizes = [1], strides = [1]} : vector<16xi32> to vector<1xi32>
          %squeeze3A_714 = vector.extract %slice3A_713[0] : i32 from vector<1xi32>
          %eq3A_715 = arith.constant 0 : i32
          %eq3A_716 = arith.cmpi eq, %squeeze3A_714, %eq3A_715 : i32
          %mul3A_717 = arith.constant 16 : i32
          %mul3A_718 = arith.muli %scan3A_649, %mul3A_717 : i32
          %add3A_719 = arith.constant 5 : i32
          %add3A_720 = arith.addi %mul3A_718, %add3A_719 : i32
          %convert_element_type3A_721 = arith.extui %eq3A_716 : i1 to i32
          %cond3A_722 = arith.constant 0 : i32
          %cond3A_723 = arith.cmpi ne, %convert_element_type3A_721, %cond3A_722 : i32
          scf.if %cond3A_723 {
            %swap3A = arith.index_cast %add3A_720 : i32 to index
            %swap3A_834 = arith.constant 0 : index
            %swap3A_835 = tpu.vector_load %arg6[%swap3A, %swap3A_834] {strides = array<i32>} : memref<512x64xf32, #tpu.memory_space<vmem>>, vector<1x16xf32>,
            %swap3A_836 = vector.shape_cast %swap3A_835 : vector<1x16xf32> to vector<16xf32>
            %swap3A_837 = vector.shape_cast %broadcast_in_dim3A_12 : vector<16xf32> to vector<1x16xf32>
            tpu.vector_store %arg6[%swap3A, %swap3A_834], %swap3A_837 {strides = array<i32>} : memref<512x64xf32, #tpu.memory_space<vmem>>, vector<1x16xf32>,
            %swap3A_838 = arith.index_cast %add3A_720 : i32 to index
            %swap3A_839 = arith.constant 16 : index
            %swap3A_840 = tpu.vector_load %arg6[%swap3A_838, %swap3A_839] {strides = array<i32>} : memref<512x64xf32, #tpu.memory_space<vmem>>, vector<1x16xf32>,
            %swap3A_841 = vector.shape_cast %swap3A_840 : vector<1x16xf32> to vector<16xf32>
            %swap3A_842 = vector.shape_cast %broadcast_in_dim3A_12 : vector<16xf32> to vector<1x16xf32>
            tpu.vector_store %arg6[%swap3A_838, %swap3A_839], %swap3A_842 {strides = array<i32>} : memref<512x64xf32, #tpu.memory_space<vmem>>, vector<1x16xf32>,
            %swap3A_843 = arith.index_cast %add3A_720 : i32 to index
            %swap3A_844 = arith.constant 32 : index
            %swap3A_845 = tpu.vector_load %arg6[%swap3A_843, %swap3A_844] {strides = array<i32>} : memref<512x64xf32, #tpu.memory_space<vmem>>, vector<1x16xf32>,
            %swap3A_846 = vector.shape_cast %swap3A_845 : vector<1x16xf32> to vector<16xf32>
            %swap3A_847 = vector.shape_cast %broadcast_in_dim3A_12 : vector<16xf32> to vector<1x16xf32>
            tpu.vector_store %arg6[%swap3A_843, %swap3A_844], %swap3A_847 {strides = array<i32>} : memref<512x64xf32, #tpu.memory_space<vmem>>, vector<1x16xf32>,
            %swap3A_848 = arith.index_cast %add3A_720 : i32 to index
            %swap3A_849 = arith.constant 48 : index
            %swap3A_850 = tpu.vector_load %arg6[%swap3A_848, %swap3A_849] {strides = array<i32>} : memref<512x64xf32, #tpu.memory_space<vmem>>, vector<1x16xf32>,
            %swap3A_851 = vector.shape_cast %swap3A_850 : vector<1x16xf32> to vector<16xf32>
            %swap3A_852 = vector.shape_cast %broadcast_in_dim3A_12 : vector<16xf32> to vector<1x16xf32>
            tpu.vector_store %arg6[%swap3A_848, %swap3A_849], %swap3A_852 {strides = array<i32>} : memref<512x64xf32, #tpu.memory_space<vmem>>, vector<1x16xf32>,
          } else {
          }
          %slice3A_724 = vector.extract_strided_slice %get3A_657 {offsets = [6], sizes = [1], strides = [1]} : vector<16xi32> to vector<1xi32>
          %squeeze3A_725 = vector.extract %slice3A_724[0] : i32 from vector<1xi32>
          %eq3A_726 = arith.constant 0 : i32
          %eq3A_727 = arith.cmpi eq, %squeeze3A_725, %eq3A_726 : i32
          %mul3A_728 = arith.constant 16 : i32
          %mul3A_729 = arith.muli %scan3A_649, %mul3A_728 : i32
          %add3A_730 = arith.constant 6 : i32
          %add3A_731 = arith.addi %mul3A_729, %add3A_730 : i32
          %convert_element_type3A_732 = arith.extui %eq3A_727 : i1 to i32
          %cond3A_733 = arith.constant 0 : i32
          %cond3A_734 = arith.cmpi ne, %convert_element_type3A_732, %cond3A_733 : i32
          scf.if %cond3A_734 {
            %swap3A = arith.index_cast %add3A_731 : i32 to index
            %swap3A_834 = arith.constant 0 : index
            %swap3A_835 = tpu.vector_load %arg6[%swap3A, %swap3A_834] {strides = array<i32>} : memref<512x64xf32, #tpu.memory_space<vmem>>, vector<1x16xf32>,
            %swap3A_836 = vector.shape_cast %swap3A_835 : vector<1x16xf32> to vector<16xf32>
            %swap3A_837 = vector.shape_cast %broadcast_in_dim3A_12 : vector<16xf32> to vector<1x16xf32>
            tpu.vector_store %arg6[%swap3A, %swap3A_834], %swap3A_837 {strides = array<i32>} : memref<512x64xf32, #tpu.memory_space<vmem>>, vector<1x16xf32>,
            %swap3A_838 = arith.index_cast %add3A_731 : i32 to index
            %swap3A_839 = arith.constant 16 : index
            %swap3A_840 = tpu.vector_load %arg6[%swap3A_838, %swap3A_839] {strides = array<i32>} : memref<512x64xf32, #tpu.memory_space<vmem>>, vector<1x16xf32>,
            %swap3A_841 = vector.shape_cast %swap3A_840 : vector<1x16xf32> to vector<16xf32>
            %swap3A_842 = vector.shape_cast %broadcast_in_dim3A_12 : vector<16xf32> to vector<1x16xf32>
            tpu.vector_store %arg6[%swap3A_838, %swap3A_839], %swap3A_842 {strides = array<i32>} : memref<512x64xf32, #tpu.memory_space<vmem>>, vector<1x16xf32>,
            %swap3A_843 = arith.index_cast %add3A_731 : i32 to index
            %swap3A_844 = arith.constant 32 : index
            %swap3A_845 = tpu.vector_load %arg6[%swap3A_843, %swap3A_844] {strides = array<i32>} : memref<512x64xf32, #tpu.memory_space<vmem>>, vector<1x16xf32>,
            %swap3A_846 = vector.shape_cast %swap3A_845 : vector<1x16xf32> to vector<16xf32>
            %swap3A_847 = vector.shape_cast %broadcast_in_dim3A_12 : vector<16xf32> to vector<1x16xf32>
            tpu.vector_store %arg6[%swap3A_843, %swap3A_844], %swap3A_847 {strides = array<i32>} : memref<512x64xf32, #tpu.memory_space<vmem>>, vector<1x16xf32>,
            %swap3A_848 = arith.index_cast %add3A_731 : i32 to index
            %swap3A_849 = arith.constant 48 : index
            %swap3A_850 = tpu.vector_load %arg6[%swap3A_848, %swap3A_849] {strides = array<i32>} : memref<512x64xf32, #tpu.memory_space<vmem>>, vector<1x16xf32>,
            %swap3A_851 = vector.shape_cast %swap3A_850 : vector<1x16xf32> to vector<16xf32>
            %swap3A_852 = vector.shape_cast %broadcast_in_dim3A_12 : vector<16xf32> to vector<1x16xf32>
            tpu.vector_store %arg6[%swap3A_848, %swap3A_849], %swap3A_852 {strides = array<i32>} : memref<512x64xf32, #tpu.memory_space<vmem>>, vector<1x16xf32>,
          } else {
          }
          %slice3A_735 = vector.extract_strided_slice %get3A_657 {offsets = [7], sizes = [1], strides = [1]} : vector<16xi32> to vector<1xi32>
          %squeeze3A_736 = vector.extract %slice3A_735[0] : i32 from vector<1xi32>
          %eq3A_737 = arith.constant 0 : i32
          %eq3A_738 = arith.cmpi eq, %squeeze3A_736, %eq3A_737 : i32
          %mul3A_739 = arith.constant 16 : i32
          %mul3A_740 = arith.muli %scan3A_649, %mul3A_739 : i32
          %add3A_741 = arith.constant 7 : i32
          %add3A_742 = arith.addi %mul3A_740, %add3A_741 : i32
          %convert_element_type3A_743 = arith.extui %eq3A_738 : i1 to i32
          %cond3A_744 = arith.constant 0 : i32
          %cond3A_745 = arith.cmpi ne, %convert_element_type3A_743, %cond3A_744 : i32
          scf.if %cond3A_745 {
            %swap3A = arith.index_cast %add3A_742 : i32 to index
            %swap3A_834 = arith.constant 0 : index
            %swap3A_835 = tpu.vector_load %arg6[%swap3A, %swap3A_834] {strides = array<i32>} : memref<512x64xf32, #tpu.memory_space<vmem>>, vector<1x16xf32>,
            %swap3A_836 = vector.shape_cast %swap3A_835 : vector<1x16xf32> to vector<16xf32>
            %swap3A_837 = vector.shape_cast %broadcast_in_dim3A_12 : vector<16xf32> to vector<1x16xf32>
            tpu.vector_store %arg6[%swap3A, %swap3A_834], %swap3A_837 {strides = array<i32>} : memref<512x64xf32, #tpu.memory_space<vmem>>, vector<1x16xf32>,
            %swap3A_838 = arith.index_cast %add3A_742 : i32 to index
            %swap3A_839 = arith.constant 16 : index
            %swap3A_840 = tpu.vector_load %arg6[%swap3A_838, %swap3A_839] {strides = array<i32>} : memref<512x64xf32, #tpu.memory_space<vmem>>, vector<1x16xf32>,
            %swap3A_841 = vector.shape_cast %swap3A_840 : vector<1x16xf32> to vector<16xf32>
            %swap3A_842 = vector.shape_cast %broadcast_in_dim3A_12 : vector<16xf32> to vector<1x16xf32>
            tpu.vector_store %arg6[%swap3A_838, %swap3A_839], %swap3A_842 {strides = array<i32>} : memref<512x64xf32, #tpu.memory_space<vmem>>, vector<1x16xf32>,
            %swap3A_843 = arith.index_cast %add3A_742 : i32 to index
            %swap3A_844 = arith.constant 32 : index
            %swap3A_845 = tpu.vector_load %arg6[%swap3A_843, %swap3A_844] {strides = array<i32>} : memref<512x64xf32, #tpu.memory_space<vmem>>, vector<1x16xf32>,
            %swap3A_846 = vector.shape_cast %swap3A_845 : vector<1x16xf32> to vector<16xf32>
            %swap3A_847 = vector.shape_cast %broadcast_in_dim3A_12 : vector<16xf32> to vector<1x16xf32>
            tpu.vector_store %arg6[%swap3A_843, %swap3A_844], %swap3A_847 {strides = array<i32>} : memref<512x64xf32, #tpu.memory_space<vmem>>, vector<1x16xf32>,
            %swap3A_848 = arith.index_cast %add3A_742 : i32 to index
            %swap3A_849 = arith.constant 48 : index
            %swap3A_850 = tpu.vector_load %arg6[%swap3A_848, %swap3A_849] {strides = array<i32>} : memref<512x64xf32, #tpu.memory_space<vmem>>, vector<1x16xf32>,
            %swap3A_851 = vector.shape_cast %swap3A_850 : vector<1x16xf32> to vector<16xf32>
            %swap3A_852 = vector.shape_cast %broadcast_in_dim3A_12 : vector<16xf32> to vector<1x16xf32>
            tpu.vector_store %arg6[%swap3A_848, %swap3A_849], %swap3A_852 {strides = array<i32>} : memref<512x64xf32, #tpu.memory_space<vmem>>, vector<1x16xf32>,
          } else {
          }
          %slice3A_746 = vector.extract_strided_slice %get3A_657 {offsets = [8], sizes = [1], strides = [1]} : vector<16xi32> to vector<1xi32>
          %squeeze3A_747 = vector.extract %slice3A_746[0] : i32 from vector<1xi32>
          %eq3A_748 = arith.constant 0 : i32
          %eq3A_749 = arith.cmpi eq, %squeeze3A_747, %eq3A_748 : i32
          %mul3A_750 = arith.constant 16 : i32
          %mul3A_751 = arith.muli %scan3A_649, %mul3A_750 : i32
          %add3A_752 = arith.constant 8 : i32
          %add3A_753 = arith.addi %mul3A_751, %add3A_752 : i32
          %convert_element_type3A_754 = arith.extui %eq3A_749 : i1 to i32
          %cond3A_755 = arith.constant 0 : i32
          %cond3A_756 = arith.cmpi ne, %convert_element_type3A_754, %cond3A_755 : i32
          scf.if %cond3A_756 {
            %swap3A = arith.index_cast %add3A_753 : i32 to index
            %swap3A_834 = arith.constant 0 : index
            %swap3A_835 = tpu.vector_load %arg6[%swap3A, %swap3A_834] {strides = array<i32>} : memref<512x64xf32, #tpu.memory_space<vmem>>, vector<1x16xf32>,
            %swap3A_836 = vector.shape_cast %swap3A_835 : vector<1x16xf32> to vector<16xf32>
            %swap3A_837 = vector.shape_cast %broadcast_in_dim3A_12 : vector<16xf32> to vector<1x16xf32>
            tpu.vector_store %arg6[%swap3A, %swap3A_834], %swap3A_837 {strides = array<i32>} : memref<512x64xf32, #tpu.memory_space<vmem>>, vector<1x16xf32>,
            %swap3A_838 = arith.index_cast %add3A_753 : i32 to index
            %swap3A_839 = arith.constant 16 : index
            %swap3A_840 = tpu.vector_load %arg6[%swap3A_838, %swap3A_839] {strides = array<i32>} : memref<512x64xf32, #tpu.memory_space<vmem>>, vector<1x16xf32>,
            %swap3A_841 = vector.shape_cast %swap3A_840 : vector<1x16xf32> to vector<16xf32>
            %swap3A_842 = vector.shape_cast %broadcast_in_dim3A_12 : vector<16xf32> to vector<1x16xf32>
            tpu.vector_store %arg6[%swap3A_838, %swap3A_839], %swap3A_842 {strides = array<i32>} : memref<512x64xf32, #tpu.memory_space<vmem>>, vector<1x16xf32>,
            %swap3A_843 = arith.index_cast %add3A_753 : i32 to index
            %swap3A_844 = arith.constant 32 : index
            %swap3A_845 = tpu.vector_load %arg6[%swap3A_843, %swap3A_844] {strides = array<i32>} : memref<512x64xf32, #tpu.memory_space<vmem>>, vector<1x16xf32>,
            %swap3A_846 = vector.shape_cast %swap3A_845 : vector<1x16xf32> to vector<16xf32>
            %swap3A_847 = vector.shape_cast %broadcast_in_dim3A_12 : vector<16xf32> to vector<1x16xf32>
            tpu.vector_store %arg6[%swap3A_843, %swap3A_844], %swap3A_847 {strides = array<i32>} : memref<512x64xf32, #tpu.memory_space<vmem>>, vector<1x16xf32>,
            %swap3A_848 = arith.index_cast %add3A_753 : i32 to index
            %swap3A_849 = arith.constant 48 : index
            %swap3A_850 = tpu.vector_load %arg6[%swap3A_848, %swap3A_849] {strides = array<i32>} : memref<512x64xf32, #tpu.memory_space<vmem>>, vector<1x16xf32>,
            %swap3A_851 = vector.shape_cast %swap3A_850 : vector<1x16xf32> to vector<16xf32>
            %swap3A_852 = vector.shape_cast %broadcast_in_dim3A_12 : vector<16xf32> to vector<1x16xf32>
            tpu.vector_store %arg6[%swap3A_848, %swap3A_849], %swap3A_852 {strides = array<i32>} : memref<512x64xf32, #tpu.memory_space<vmem>>, vector<1x16xf32>,
          } else {
          }
          %slice3A_757 = vector.extract_strided_slice %get3A_657 {offsets = [9], sizes = [1], strides = [1]} : vector<16xi32> to vector<1xi32>
          %squeeze3A_758 = vector.extract %slice3A_757[0] : i32 from vector<1xi32>
          %eq3A_759 = arith.constant 0 : i32
          %eq3A_760 = arith.cmpi eq, %squeeze3A_758, %eq3A_759 : i32
          %mul3A_761 = arith.constant 16 : i32
          %mul3A_762 = arith.muli %scan3A_649, %mul3A_761 : i32
          %add3A_763 = arith.constant 9 : i32
          %add3A_764 = arith.addi %mul3A_762, %add3A_763 : i32
          %convert_element_type3A_765 = arith.extui %eq3A_760 : i1 to i32
          %cond3A_766 = arith.constant 0 : i32
          %cond3A_767 = arith.cmpi ne, %convert_element_type3A_765, %cond3A_766 : i32
          scf.if %cond3A_767 {
            %swap3A = arith.index_cast %add3A_764 : i32 to index
            %swap3A_834 = arith.constant 0 : index
            %swap3A_835 = tpu.vector_load %arg6[%swap3A, %swap3A_834] {strides = array<i32>} : memref<512x64xf32, #tpu.memory_space<vmem>>, vector<1x16xf32>,
            %swap3A_836 = vector.shape_cast %swap3A_835 : vector<1x16xf32> to vector<16xf32>
            %swap3A_837 = vector.shape_cast %broadcast_in_dim3A_12 : vector<16xf32> to vector<1x16xf32>
            tpu.vector_store %arg6[%swap3A, %swap3A_834], %swap3A_837 {strides = array<i32>} : memref<512x64xf32, #tpu.memory_space<vmem>>, vector<1x16xf32>,
            %swap3A_838 = arith.index_cast %add3A_764 : i32 to index
            %swap3A_839 = arith.constant 16 : index
            %swap3A_840 = tpu.vector_load %arg6[%swap3A_838, %swap3A_839] {strides = array<i32>} : memref<512x64xf32, #tpu.memory_space<vmem>>, vector<1x16xf32>,
            %swap3A_841 = vector.shape_cast %swap3A_840 : vector<1x16xf32> to vector<16xf32>
            %swap3A_842 = vector.shape_cast %broadcast_in_dim3A_12 : vector<16xf32> to vector<1x16xf32>
            tpu.vector_store %arg6[%swap3A_838, %swap3A_839], %swap3A_842 {strides = array<i32>} : memref<512x64xf32, #tpu.memory_space<vmem>>, vector<1x16xf32>,
            %swap3A_843 = arith.index_cast %add3A_764 : i32 to index
            %swap3A_844 = arith.constant 32 : index
            %swap3A_845 = tpu.vector_load %arg6[%swap3A_843, %swap3A_844] {strides = array<i32>} : memref<512x64xf32, #tpu.memory_space<vmem>>, vector<1x16xf32>,
            %swap3A_846 = vector.shape_cast %swap3A_845 : vector<1x16xf32> to vector<16xf32>
            %swap3A_847 = vector.shape_cast %broadcast_in_dim3A_12 : vector<16xf32> to vector<1x16xf32>
            tpu.vector_store %arg6[%swap3A_843, %swap3A_844], %swap3A_847 {strides = array<i32>} : memref<512x64xf32, #tpu.memory_space<vmem>>, vector<1x16xf32>,
            %swap3A_848 = arith.index_cast %add3A_764 : i32 to index
            %swap3A_849 = arith.constant 48 : index
            %swap3A_850 = tpu.vector_load %arg6[%swap3A_848, %swap3A_849] {strides = array<i32>} : memref<512x64xf32, #tpu.memory_space<vmem>>, vector<1x16xf32>,
            %swap3A_851 = vector.shape_cast %swap3A_850 : vector<1x16xf32> to vector<16xf32>
            %swap3A_852 = vector.shape_cast %broadcast_in_dim3A_12 : vector<16xf32> to vector<1x16xf32>
            tpu.vector_store %arg6[%swap3A_848, %swap3A_849], %swap3A_852 {strides = array<i32>} : memref<512x64xf32, #tpu.memory_space<vmem>>, vector<1x16xf32>,
          } else {
          }
          %slice3A_768 = vector.extract_strided_slice %get3A_657 {offsets = [10], sizes = [1], strides = [1]} : vector<16xi32> to vector<1xi32>
          %squeeze3A_769 = vector.extract %slice3A_768[0] : i32 from vector<1xi32>
          %eq3A_770 = arith.constant 0 : i32
          %eq3A_771 = arith.cmpi eq, %squeeze3A_769, %eq3A_770 : i32
          %mul3A_772 = arith.constant 16 : i32
          %mul3A_773 = arith.muli %scan3A_649, %mul3A_772 : i32
          %add3A_774 = arith.constant 10 : i32
          %add3A_775 = arith.addi %mul3A_773, %add3A_774 : i32
          %convert_element_type3A_776 = arith.extui %eq3A_771 : i1 to i32
          %cond3A_777 = arith.constant 0 : i32
          %cond3A_778 = arith.cmpi ne, %convert_element_type3A_776, %cond3A_777 : i32
          scf.if %cond3A_778 {
            %swap3A = arith.index_cast %add3A_775 : i32 to index
            %swap3A_834 = arith.constant 0 : index
            %swap3A_835 = tpu.vector_load %arg6[%swap3A, %swap3A_834] {strides = array<i32>} : memref<512x64xf32, #tpu.memory_space<vmem>>, vector<1x16xf32>,
            %swap3A_836 = vector.shape_cast %swap3A_835 : vector<1x16xf32> to vector<16xf32>
            %swap3A_837 = vector.shape_cast %broadcast_in_dim3A_12 : vector<16xf32> to vector<1x16xf32>
            tpu.vector_store %arg6[%swap3A, %swap3A_834], %swap3A_837 {strides = array<i32>} : memref<512x64xf32, #tpu.memory_space<vmem>>, vector<1x16xf32>,
            %swap3A_838 = arith.index_cast %add3A_775 : i32 to index
            %swap3A_839 = arith.constant 16 : index
            %swap3A_840 = tpu.vector_load %arg6[%swap3A_838, %swap3A_839] {strides = array<i32>} : memref<512x64xf32, #tpu.memory_space<vmem>>, vector<1x16xf32>,
            %swap3A_841 = vector.shape_cast %swap3A_840 : vector<1x16xf32> to vector<16xf32>
            %swap3A_842 = vector.shape_cast %broadcast_in_dim3A_12 : vector<16xf32> to vector<1x16xf32>
            tpu.vector_store %arg6[%swap3A_838, %swap3A_839], %swap3A_842 {strides = array<i32>} : memref<512x64xf32, #tpu.memory_space<vmem>>, vector<1x16xf32>,
            %swap3A_843 = arith.index_cast %add3A_775 : i32 to index
            %swap3A_844 = arith.constant 32 : index
            %swap3A_845 = tpu.vector_load %arg6[%swap3A_843, %swap3A_844] {strides = array<i32>} : memref<512x64xf32, #tpu.memory_space<vmem>>, vector<1x16xf32>,
            %swap3A_846 = vector.shape_cast %swap3A_845 : vector<1x16xf32> to vector<16xf32>
            %swap3A_847 = vector.shape_cast %broadcast_in_dim3A_12 : vector<16xf32> to vector<1x16xf32>
            tpu.vector_store %arg6[%swap3A_843, %swap3A_844], %swap3A_847 {strides = array<i32>} : memref<512x64xf32, #tpu.memory_space<vmem>>, vector<1x16xf32>,
            %swap3A_848 = arith.index_cast %add3A_775 : i32 to index
            %swap3A_849 = arith.constant 48 : index
            %swap3A_850 = tpu.vector_load %arg6[%swap3A_848, %swap3A_849] {strides = array<i32>} : memref<512x64xf32, #tpu.memory_space<vmem>>, vector<1x16xf32>,
            %swap3A_851 = vector.shape_cast %swap3A_850 : vector<1x16xf32> to vector<16xf32>
            %swap3A_852 = vector.shape_cast %broadcast_in_dim3A_12 : vector<16xf32> to vector<1x16xf32>
            tpu.vector_store %arg6[%swap3A_848, %swap3A_849], %swap3A_852 {strides = array<i32>} : memref<512x64xf32, #tpu.memory_space<vmem>>, vector<1x16xf32>,
          } else {
          }
          %slice3A_779 = vector.extract_strided_slice %get3A_657 {offsets = [11], sizes = [1], strides = [1]} : vector<16xi32> to vector<1xi32>
          %squeeze3A_780 = vector.extract %slice3A_779[0] : i32 from vector<1xi32>
          %eq3A_781 = arith.constant 0 : i32
          %eq3A_782 = arith.cmpi eq, %squeeze3A_780, %eq3A_781 : i32
          %mul3A_783 = arith.constant 16 : i32
          %mul3A_784 = arith.muli %scan3A_649, %mul3A_783 : i32
          %add3A_785 = arith.constant 11 : i32
          %add3A_786 = arith.addi %mul3A_784, %add3A_785 : i32
          %convert_element_type3A_787 = arith.extui %eq3A_782 : i1 to i32
          %cond3A_788 = arith.constant 0 : i32
          %cond3A_789 = arith.cmpi ne, %convert_element_type3A_787, %cond3A_788 : i32
          scf.if %cond3A_789 {
            %swap3A = arith.index_cast %add3A_786 : i32 to index
            %swap3A_834 = arith.constant 0 : index
            %swap3A_835 = tpu.vector_load %arg6[%swap3A, %swap3A_834] {strides = array<i32>} : memref<512x64xf32, #tpu.memory_space<vmem>>, vector<1x16xf32>,
            %swap3A_836 = vector.shape_cast %swap3A_835 : vector<1x16xf32> to vector<16xf32>
            %swap3A_837 = vector.shape_cast %broadcast_in_dim3A_12 : vector<16xf32> to vector<1x16xf32>
            tpu.vector_store %arg6[%swap3A, %swap3A_834], %swap3A_837 {strides = array<i32>} : memref<512x64xf32, #tpu.memory_space<vmem>>, vector<1x16xf32>,
            %swap3A_838 = arith.index_cast %add3A_786 : i32 to index
            %swap3A_839 = arith.constant 16 : index
            %swap3A_840 = tpu.vector_load %arg6[%swap3A_838, %swap3A_839] {strides = array<i32>} : memref<512x64xf32, #tpu.memory_space<vmem>>, vector<1x16xf32>,
            %swap3A_841 = vector.shape_cast %swap3A_840 : vector<1x16xf32> to vector<16xf32>
            %swap3A_842 = vector.shape_cast %broadcast_in_dim3A_12 : vector<16xf32> to vector<1x16xf32>
            tpu.vector_store %arg6[%swap3A_838, %swap3A_839], %swap3A_842 {strides = array<i32>} : memref<512x64xf32, #tpu.memory_space<vmem>>, vector<1x16xf32>,
            %swap3A_843 = arith.index_cast %add3A_786 : i32 to index
            %swap3A_844 = arith.constant 32 : index
            %swap3A_845 = tpu.vector_load %arg6[%swap3A_843, %swap3A_844] {strides = array<i32>} : memref<512x64xf32, #tpu.memory_space<vmem>>, vector<1x16xf32>,
            %swap3A_846 = vector.shape_cast %swap3A_845 : vector<1x16xf32> to vector<16xf32>
            %swap3A_847 = vector.shape_cast %broadcast_in_dim3A_12 : vector<16xf32> to vector<1x16xf32>
            tpu.vector_store %arg6[%swap3A_843, %swap3A_844], %swap3A_847 {strides = array<i32>} : memref<512x64xf32, #tpu.memory_space<vmem>>, vector<1x16xf32>,
            %swap3A_848 = arith.index_cast %add3A_786 : i32 to index
            %swap3A_849 = arith.constant 48 : index
            %swap3A_850 = tpu.vector_load %arg6[%swap3A_848, %swap3A_849] {strides = array<i32>} : memref<512x64xf32, #tpu.memory_space<vmem>>, vector<1x16xf32>,
            %swap3A_851 = vector.shape_cast %swap3A_850 : vector<1x16xf32> to vector<16xf32>
            %swap3A_852 = vector.shape_cast %broadcast_in_dim3A_12 : vector<16xf32> to vector<1x16xf32>
            tpu.vector_store %arg6[%swap3A_848, %swap3A_849], %swap3A_852 {strides = array<i32>} : memref<512x64xf32, #tpu.memory_space<vmem>>, vector<1x16xf32>,
          } else {
          }
          %slice3A_790 = vector.extract_strided_slice %get3A_657 {offsets = [12], sizes = [1], strides = [1]} : vector<16xi32> to vector<1xi32>
          %squeeze3A_791 = vector.extract %slice3A_790[0] : i32 from vector<1xi32>
          %eq3A_792 = arith.constant 0 : i32
          %eq3A_793 = arith.cmpi eq, %squeeze3A_791, %eq3A_792 : i32
          %mul3A_794 = arith.constant 16 : i32
          %mul3A_795 = arith.muli %scan3A_649, %mul3A_794 : i32
          %add3A_796 = arith.constant 12 : i32
          %add3A_797 = arith.addi %mul3A_795, %add3A_796 : i32
          %convert_element_type3A_798 = arith.extui %eq3A_793 : i1 to i32
          %cond3A_799 = arith.constant 0 : i32
          %cond3A_800 = arith.cmpi ne, %convert_element_type3A_798, %cond3A_799 : i32
          scf.if %cond3A_800 {
            %swap3A = arith.index_cast %add3A_797 : i32 to index
            %swap3A_834 = arith.constant 0 : index
            %swap3A_835 = tpu.vector_load %arg6[%swap3A, %swap3A_834] {strides = array<i32>} : memref<512x64xf32, #tpu.memory_space<vmem>>, vector<1x16xf32>,
            %swap3A_836 = vector.shape_cast %swap3A_835 : vector<1x16xf32> to vector<16xf32>
            %swap3A_837 = vector.shape_cast %broadcast_in_dim3A_12 : vector<16xf32> to vector<1x16xf32>
            tpu.vector_store %arg6[%swap3A, %swap3A_834], %swap3A_837 {strides = array<i32>} : memref<512x64xf32, #tpu.memory_space<vmem>>, vector<1x16xf32>,
            %swap3A_838 = arith.index_cast %add3A_797 : i32 to index
            %swap3A_839 = arith.constant 16 : index
            %swap3A_840 = tpu.vector_load %arg6[%swap3A_838, %swap3A_839] {strides = array<i32>} : memref<512x64xf32, #tpu.memory_space<vmem>>, vector<1x16xf32>,
            %swap3A_841 = vector.shape_cast %swap3A_840 : vector<1x16xf32> to vector<16xf32>
            %swap3A_842 = vector.shape_cast %broadcast_in_dim3A_12 : vector<16xf32> to vector<1x16xf32>
            tpu.vector_store %arg6[%swap3A_838, %swap3A_839], %swap3A_842 {strides = array<i32>} : memref<512x64xf32, #tpu.memory_space<vmem>>, vector<1x16xf32>,
            %swap3A_843 = arith.index_cast %add3A_797 : i32 to index
            %swap3A_844 = arith.constant 32 : index
            %swap3A_845 = tpu.vector_load %arg6[%swap3A_843, %swap3A_844] {strides = array<i32>} : memref<512x64xf32, #tpu.memory_space<vmem>>, vector<1x16xf32>,
            %swap3A_846 = vector.shape_cast %swap3A_845 : vector<1x16xf32> to vector<16xf32>
            %swap3A_847 = vector.shape_cast %broadcast_in_dim3A_12 : vector<16xf32> to vector<1x16xf32>
            tpu.vector_store %arg6[%swap3A_843, %swap3A_844], %swap3A_847 {strides = array<i32>} : memref<512x64xf32, #tpu.memory_space<vmem>>, vector<1x16xf32>,
            %swap3A_848 = arith.index_cast %add3A_797 : i32 to index
            %swap3A_849 = arith.constant 48 : index
            %swap3A_850 = tpu.vector_load %arg6[%swap3A_848, %swap3A_849] {strides = array<i32>} : memref<512x64xf32, #tpu.memory_space<vmem>>, vector<1x16xf32>,
            %swap3A_851 = vector.shape_cast %swap3A_850 : vector<1x16xf32> to vector<16xf32>
            %swap3A_852 = vector.shape_cast %broadcast_in_dim3A_12 : vector<16xf32> to vector<1x16xf32>
            tpu.vector_store %arg6[%swap3A_848, %swap3A_849], %swap3A_852 {strides = array<i32>} : memref<512x64xf32, #tpu.memory_space<vmem>>, vector<1x16xf32>,
          } else {
          }
          %slice3A_801 = vector.extract_strided_slice %get3A_657 {offsets = [13], sizes = [1], strides = [1]} : vector<16xi32> to vector<1xi32>
          %squeeze3A_802 = vector.extract %slice3A_801[0] : i32 from vector<1xi32>
          %eq3A_803 = arith.constant 0 : i32
          %eq3A_804 = arith.cmpi eq, %squeeze3A_802, %eq3A_803 : i32
          %mul3A_805 = arith.constant 16 : i32
          %mul3A_806 = arith.muli %scan3A_649, %mul3A_805 : i32
          %add3A_807 = arith.constant 13 : i32
          %add3A_808 = arith.addi %mul3A_806, %add3A_807 : i32
          %convert_element_type3A_809 = arith.extui %eq3A_804 : i1 to i32
          %cond3A_810 = arith.constant 0 : i32
          %cond3A_811 = arith.cmpi ne, %convert_element_type3A_809, %cond3A_810 : i32
          scf.if %cond3A_811 {
            %swap3A = arith.index_cast %add3A_808 : i32 to index
            %swap3A_834 = arith.constant 0 : index
            %swap3A_835 = tpu.vector_load %arg6[%swap3A, %swap3A_834] {strides = array<i32>} : memref<512x64xf32, #tpu.memory_space<vmem>>, vector<1x16xf32>,
            %swap3A_836 = vector.shape_cast %swap3A_835 : vector<1x16xf32> to vector<16xf32>
            %swap3A_837 = vector.shape_cast %broadcast_in_dim3A_12 : vector<16xf32> to vector<1x16xf32>
            tpu.vector_store %arg6[%swap3A, %swap3A_834], %swap3A_837 {strides = array<i32>} : memref<512x64xf32, #tpu.memory_space<vmem>>, vector<1x16xf32>,
            %swap3A_838 = arith.index_cast %add3A_808 : i32 to index
            %swap3A_839 = arith.constant 16 : index
            %swap3A_840 = tpu.vector_load %arg6[%swap3A_838, %swap3A_839] {strides = array<i32>} : memref<512x64xf32, #tpu.memory_space<vmem>>, vector<1x16xf32>,
            %swap3A_841 = vector.shape_cast %swap3A_840 : vector<1x16xf32> to vector<16xf32>
            %swap3A_842 = vector.shape_cast %broadcast_in_dim3A_12 : vector<16xf32> to vector<1x16xf32>
            tpu.vector_store %arg6[%swap3A_838, %swap3A_839], %swap3A_842 {strides = array<i32>} : memref<512x64xf32, #tpu.memory_space<vmem>>, vector<1x16xf32>,
            %swap3A_843 = arith.index_cast %add3A_808 : i32 to index
            %swap3A_844 = arith.constant 32 : index
            %swap3A_845 = tpu.vector_load %arg6[%swap3A_843, %swap3A_844] {strides = array<i32>} : memref<512x64xf32, #tpu.memory_space<vmem>>, vector<1x16xf32>,
            %swap3A_846 = vector.shape_cast %swap3A_845 : vector<1x16xf32> to vector<16xf32>
            %swap3A_847 = vector.shape_cast %broadcast_in_dim3A_12 : vector<16xf32> to vector<1x16xf32>
            tpu.vector_store %arg6[%swap3A_843, %swap3A_844], %swap3A_847 {strides = array<i32>} : memref<512x64xf32, #tpu.memory_space<vmem>>, vector<1x16xf32>,
            %swap3A_848 = arith.index_cast %add3A_808 : i32 to index
            %swap3A_849 = arith.constant 48 : index
            %swap3A_850 = tpu.vector_load %arg6[%swap3A_848, %swap3A_849] {strides = array<i32>} : memref<512x64xf32, #tpu.memory_space<vmem>>, vector<1x16xf32>,
            %swap3A_851 = vector.shape_cast %swap3A_850 : vector<1x16xf32> to vector<16xf32>
            %swap3A_852 = vector.shape_cast %broadcast_in_dim3A_12 : vector<16xf32> to vector<1x16xf32>
            tpu.vector_store %arg6[%swap3A_848, %swap3A_849], %swap3A_852 {strides = array<i32>} : memref<512x64xf32, #tpu.memory_space<vmem>>, vector<1x16xf32>,
          } else {
          }
          %slice3A_812 = vector.extract_strided_slice %get3A_657 {offsets = [14], sizes = [1], strides = [1]} : vector<16xi32> to vector<1xi32>
          %squeeze3A_813 = vector.extract %slice3A_812[0] : i32 from vector<1xi32>
          %eq3A_814 = arith.constant 0 : i32
          %eq3A_815 = arith.cmpi eq, %squeeze3A_813, %eq3A_814 : i32
          %mul3A_816 = arith.constant 16 : i32
          %mul3A_817 = arith.muli %scan3A_649, %mul3A_816 : i32
          %add3A_818 = arith.constant 14 : i32
          %add3A_819 = arith.addi %mul3A_817, %add3A_818 : i32
          %convert_element_type3A_820 = arith.extui %eq3A_815 : i1 to i32
          %cond3A_821 = arith.constant 0 : i32
          %cond3A_822 = arith.cmpi ne, %convert_element_type3A_820, %cond3A_821 : i32
          scf.if %cond3A_822 {
            %swap3A = arith.index_cast %add3A_819 : i32 to index
            %swap3A_834 = arith.constant 0 : index
            %swap3A_835 = tpu.vector_load %arg6[%swap3A, %swap3A_834] {strides = array<i32>} : memref<512x64xf32, #tpu.memory_space<vmem>>, vector<1x16xf32>,
            %swap3A_836 = vector.shape_cast %swap3A_835 : vector<1x16xf32> to vector<16xf32>
            %swap3A_837 = vector.shape_cast %broadcast_in_dim3A_12 : vector<16xf32> to vector<1x16xf32>
            tpu.vector_store %arg6[%swap3A, %swap3A_834], %swap3A_837 {strides = array<i32>} : memref<512x64xf32, #tpu.memory_space<vmem>>, vector<1x16xf32>,
            %swap3A_838 = arith.index_cast %add3A_819 : i32 to index
            %swap3A_839 = arith.constant 16 : index
            %swap3A_840 = tpu.vector_load %arg6[%swap3A_838, %swap3A_839] {strides = array<i32>} : memref<512x64xf32, #tpu.memory_space<vmem>>, vector<1x16xf32>,
            %swap3A_841 = vector.shape_cast %swap3A_840 : vector<1x16xf32> to vector<16xf32>
            %swap3A_842 = vector.shape_cast %broadcast_in_dim3A_12 : vector<16xf32> to vector<1x16xf32>
            tpu.vector_store %arg6[%swap3A_838, %swap3A_839], %swap3A_842 {strides = array<i32>} : memref<512x64xf32, #tpu.memory_space<vmem>>, vector<1x16xf32>,
            %swap3A_843 = arith.index_cast %add3A_819 : i32 to index
            %swap3A_844 = arith.constant 32 : index
            %swap3A_845 = tpu.vector_load %arg6[%swap3A_843, %swap3A_844] {strides = array<i32>} : memref<512x64xf32, #tpu.memory_space<vmem>>, vector<1x16xf32>,
            %swap3A_846 = vector.shape_cast %swap3A_845 : vector<1x16xf32> to vector<16xf32>
            %swap3A_847 = vector.shape_cast %broadcast_in_dim3A_12 : vector<16xf32> to vector<1x16xf32>
            tpu.vector_store %arg6[%swap3A_843, %swap3A_844], %swap3A_847 {strides = array<i32>} : memref<512x64xf32, #tpu.memory_space<vmem>>, vector<1x16xf32>,
            %swap3A_848 = arith.index_cast %add3A_819 : i32 to index
            %swap3A_849 = arith.constant 48 : index
            %swap3A_850 = tpu.vector_load %arg6[%swap3A_848, %swap3A_849] {strides = array<i32>} : memref<512x64xf32, #tpu.memory_space<vmem>>, vector<1x16xf32>,
            %swap3A_851 = vector.shape_cast %swap3A_850 : vector<1x16xf32> to vector<16xf32>
            %swap3A_852 = vector.shape_cast %broadcast_in_dim3A_12 : vector<16xf32> to vector<1x16xf32>
            tpu.vector_store %arg6[%swap3A_848, %swap3A_849], %swap3A_852 {strides = array<i32>} : memref<512x64xf32, #tpu.memory_space<vmem>>, vector<1x16xf32>,
          } else {
          }
          %slice3A_823 = vector.extract_strided_slice %get3A_657 {offsets = [15], sizes = [1], strides = [1]} : vector<16xi32> to vector<1xi32>
          %squeeze3A_824 = vector.extract %slice3A_823[0] : i32 from vector<1xi32>
          %eq3A_825 = arith.constant 0 : i32
          %eq3A_826 = arith.cmpi eq, %squeeze3A_824, %eq3A_825 : i32
          %mul3A_827 = arith.constant 16 : i32
          %mul3A_828 = arith.muli %scan3A_649, %mul3A_827 : i32
          %add3A_829 = arith.constant 15 : i32
          %add3A_830 = arith.addi %mul3A_828, %add3A_829 : i32
          %convert_element_type3A_831 = arith.extui %eq3A_826 : i1 to i32
          %cond3A_832 = arith.constant 0 : i32
          %cond3A_833 = arith.cmpi ne, %convert_element_type3A_831, %cond3A_832 : i32
          scf.if %cond3A_833 {
            %swap3A = arith.index_cast %add3A_830 : i32 to index
            %swap3A_834 = arith.constant 0 : index
            %swap3A_835 = tpu.vector_load %arg6[%swap3A, %swap3A_834] {strides = array<i32>} : memref<512x64xf32, #tpu.memory_space<vmem>>, vector<1x16xf32>,
            %swap3A_836 = vector.shape_cast %swap3A_835 : vector<1x16xf32> to vector<16xf32>
            %swap3A_837 = vector.shape_cast %broadcast_in_dim3A_12 : vector<16xf32> to vector<1x16xf32>
            tpu.vector_store %arg6[%swap3A, %swap3A_834], %swap3A_837 {strides = array<i32>} : memref<512x64xf32, #tpu.memory_space<vmem>>, vector<1x16xf32>,
            %swap3A_838 = arith.index_cast %add3A_830 : i32 to index
            %swap3A_839 = arith.constant 16 : index
            %swap3A_840 = tpu.vector_load %arg6[%swap3A_838, %swap3A_839] {strides = array<i32>} : memref<512x64xf32, #tpu.memory_space<vmem>>, vector<1x16xf32>,
            %swap3A_841 = vector.shape_cast %swap3A_840 : vector<1x16xf32> to vector<16xf32>
            %swap3A_842 = vector.shape_cast %broadcast_in_dim3A_12 : vector<16xf32> to vector<1x16xf32>
            tpu.vector_store %arg6[%swap3A_838, %swap3A_839], %swap3A_842 {strides = array<i32>} : memref<512x64xf32, #tpu.memory_space<vmem>>, vector<1x16xf32>,
            %swap3A_843 = arith.index_cast %add3A_830 : i32 to index
            %swap3A_844 = arith.constant 32 : index
            %swap3A_845 = tpu.vector_load %arg6[%swap3A_843, %swap3A_844] {strides = array<i32>} : memref<512x64xf32, #tpu.memory_space<vmem>>, vector<1x16xf32>,
            %swap3A_846 = vector.shape_cast %swap3A_845 : vector<1x16xf32> to vector<16xf32>
            %swap3A_847 = vector.shape_cast %broadcast_in_dim3A_12 : vector<16xf32> to vector<1x16xf32>
            tpu.vector_store %arg6[%swap3A_843, %swap3A_844], %swap3A_847 {strides = array<i32>} : memref<512x64xf32, #tpu.memory_space<vmem>>, vector<1x16xf32>,
            %swap3A_848 = arith.index_cast %add3A_830 : i32 to index
            %swap3A_849 = arith.constant 48 : index
            %swap3A_850 = tpu.vector_load %arg6[%swap3A_848, %swap3A_849] {strides = array<i32>} : memref<512x64xf32, #tpu.memory_space<vmem>>, vector<1x16xf32>,
            %swap3A_851 = vector.shape_cast %swap3A_850 : vector<1x16xf32> to vector<16xf32>
            %swap3A_852 = vector.shape_cast %broadcast_in_dim3A_12 : vector<16xf32> to vector<1x16xf32>
            tpu.vector_store %arg6[%swap3A_848, %swap3A_849], %swap3A_852 {strides = array<i32>} : memref<512x64xf32, #tpu.memory_space<vmem>>, vector<1x16xf32>,
          } else {
          }
        }
        %scan3A_648 = arith.constant 32 : i32
      } else {
      }
      %mul3A_320 = arith.constant 512 : i32
      %mul3A_321 = arith.muli %add3A_33, %mul3A_320 : i32
      %add3A_322 = arith.addi %mul3A_2, %mul3A_321 : i32
      %dma_start3A_323 = arith.constant 0 : i32
      %dma_start3A_324 = tpu.memref_slice %arg4[%add3A_322, %dma_start3A_323] : memref<819200x64xf32, #tpu.memory_space<hbm>> -> memref<512x64xf32, #tpu.memory_space<hbm>>
      %dma_start3A_325 = arith.constant 0 : i32
      %dma_start3A_326 = tpu.memref_slice %arg4[%add3A_322, %dma_start3A_325] : memref<819200x64xf32, #tpu.memory_space<hbm>> -> memref<512x64xf32, #tpu.memory_space<hbm>>
      tpu.enqueue_dma source(%arg6 : memref<512x64xf32, #tpu.memory_space<vmem>>) target(%dma_start3A_326 : memref<512x64xf32, #tpu.memory_space<hbm>>) target_semaphore(%arg10 : memref<!tpu.dma_semaphore, #tpu.memory_space<semaphore_mem>>)
      %lt3A = arith.constant 48 : i32
      %lt3A_327 = arith.cmpi slt, %add3A_33, %lt3A : i32
      %convert_element_type3A_328 = arith.extui %lt3A_327 : i1 to i32
      %cond3A_329 = arith.constant 0 : i32
      %cond3A_330 = arith.cmpi ne, %convert_element_type3A_328, %cond3A_329 : i32
      scf.if %cond3A_330 {
        %mul3A_643 = arith.constant 512 : i32
        %mul3A_644 = arith.muli %add3A_33, %mul3A_643 : i32
        %add3A_645 = arith.addi %mul3A_2, %mul3A_644 : i32
        %dma_wait3A_646 = arith.constant 0 : i32
        %dma_wait3A_647 = tpu.memref_slice %arg4[%add3A_645, %dma_wait3A_646] : memref<819200x64xf32, #tpu.memory_space<hbm>> -> memref<512x64xf32, #tpu.memory_space<hbm>>
        %dma_wait3A_648 = arith.constant 0 : i32
        %dma_wait3A_649 = tpu.memref_slice %arg4[%add3A_645, %dma_wait3A_648] : memref<819200x64xf32, #tpu.memory_space<hbm>> -> memref<512x64xf32, #tpu.memory_space<hbm>>
        tpu.wait_dma2 semaphore(%arg10 : memref<!tpu.dma_semaphore, #tpu.memory_space<semaphore_mem>>) src(%arg6 : memref<512x64xf32, #tpu.memory_space<vmem>>) dst(%dma_wait3A_649 : memref<512x64xf32, #tpu.memory_space<hbm>>)
        %add3A_650 = arith.constant 2 : i32
        %add3A_651 = arith.addi %add3A_33, %add3A_650 : i32
        %mul3A_652 = arith.constant 512 : i32
        %mul3A_653 = arith.muli %add3A_651, %mul3A_652 : i32
        %dma_start3A_654 = tpu.memref_slice %arg5[%mul3A_653] : memref<25600xi32, #tpu.memory_space<vmem>> -> memref<512xi32, #tpu.memory_space<vmem>>
        %dma_start3A_655 = arith.constant 0 : i32
        %dma_start3A_656 = arith.constant 0 : i32
        %dma_start3A_657 = tpu.memref_slice %arg3[%dma_start3A_655, %dma_start3A_656] : memref<1024000x64xf32, #tpu.memory_space<hbm>> -> memref<1024000x64xf32, #tpu.memory_space<hbm>>
        tpu.enqueue_indirect_dma source(%dma_start3A_657 : memref<1024000x64xf32, #tpu.memory_space<hbm>>) target(%arg6 : memref<512x64xf32, #tpu.memory_space<vmem>>) offsets(%dma_start3A_654 : memref<512xi32, #tpu.memory_space<vmem>>) semaphore(%arg8 : memref<!tpu.dma_semaphore, #tpu.memory_space<semaphore_mem>>)
      } else {
      }
      %mul3A_331 = arith.constant 2 : i32
      %mul3A_332 = arith.muli %scan3A_29, %mul3A_331 : i32
      %add3A_333 = arith.constant 1 : i32
      %add3A_334 = arith.addi %mul3A_332, %add3A_333 : i32
      %mul3A_335 = arith.constant 512 : i32
      %mul3A_336 = arith.muli %add3A_334, %mul3A_335 : i32
      %dma_wait3A_337 = tpu.memref_slice %arg5[%mul3A_336] : memref<25600xi32, #tpu.memory_space<vmem>> -> memref<512xi32, #tpu.memory_space<vmem>>
      %dma_wait3A_338 = arith.constant 0 : i32
      %dma_wait3A_339 = arith.constant 0 : i32
      %dma_wait3A_340 = tpu.memref_slice %arg3[%dma_wait3A_338, %dma_wait3A_339] : memref<1024000x64xf32, #tpu.memory_space<hbm>> -> memref<1024000x64xf32, #tpu.memory_space<hbm>>
      tpu.wait_indirect_dma semaphore(%arg9 : memref<!tpu.dma_semaphore, #tpu.memory_space<semaphore_mem>>) src(%dma_wait3A_340 : memref<1024000x64xf32, #tpu.memory_space<hbm>>) dst(%arg7 : memref<512x64xf32, #tpu.memory_space<vmem>>)
      %mul3A_341 = arith.constant 512 : i32
      %mul3A_342 = arith.muli %add3A_334, %mul3A_341 : i32
      %add3A_343 = arith.constant 0 : i32
      %add3A_344 = arith.addi %mul3A_342, %add3A_343 : i32
      %get3A_345 = arith.index_cast %add3A_344 : i32 to index
      %get3A_346 = tpu.vector_load %arg5[%get3A_345] {strides = array<i32>} : memref<25600xi32, #tpu.memory_space<vmem>>, vector<16xi32>,
      %get3A_347 = vector.shape_cast %get3A_346 : vector<16xi32> to vector<16xi32>
      %mul3A_348 = arith.constant 512 : i32
      %mul3A_349 = arith.muli %add3A_334, %mul3A_348 : i32
      %add3A_350 = arith.constant 16 : i32
      %add3A_351 = arith.addi %mul3A_349, %add3A_350 : i32
      %get3A_352 = arith.index_cast %add3A_351 : i32 to index
      %get3A_353 = tpu.vector_load %arg5[%get3A_352] {strides = array<i32>} : memref<25600xi32, #tpu.memory_space<vmem>>, vector<16xi32>,
      %get3A_354 = vector.shape_cast %get3A_353 : vector<16xi32> to vector<16xi32>
      %mul3A_355 = arith.constant 512 : i32
      %mul3A_356 = arith.muli %add3A_334, %mul3A_355 : i32
      %add3A_357 = arith.constant 32 : i32
      %add3A_358 = arith.addi %mul3A_356, %add3A_357 : i32
      %get3A_359 = arith.index_cast %add3A_358 : i32 to index
      %get3A_360 = tpu.vector_load %arg5[%get3A_359] {strides = array<i32>} : memref<25600xi32, #tpu.memory_space<vmem>>, vector<16xi32>,
      %get3A_361 = vector.shape_cast %get3A_360 : vector<16xi32> to vector<16xi32>
      %mul3A_362 = arith.constant 512 : i32
      %mul3A_363 = arith.muli %add3A_334, %mul3A_362 : i32
      %add3A_364 = arith.constant 48 : i32
      %add3A_365 = arith.addi %mul3A_363, %add3A_364 : i32
      %get3A_366 = arith.index_cast %add3A_365 : i32 to index
      %get3A_367 = tpu.vector_load %arg5[%get3A_366] {strides = array<i32>} : memref<25600xi32, #tpu.memory_space<vmem>>, vector<16xi32>,
      %get3A_368 = vector.shape_cast %get3A_367 : vector<16xi32> to vector<16xi32>
      %mul3A_369 = arith.constant 512 : i32
      %mul3A_370 = arith.muli %add3A_334, %mul3A_369 : i32
      %add3A_371 = arith.constant 64 : i32
      %add3A_372 = arith.addi %mul3A_370, %add3A_371 : i32
      %get3A_373 = arith.index_cast %add3A_372 : i32 to index
      %get3A_374 = tpu.vector_load %arg5[%get3A_373] {strides = array<i32>} : memref<25600xi32, #tpu.memory_space<vmem>>, vector<16xi32>,
      %get3A_375 = vector.shape_cast %get3A_374 : vector<16xi32> to vector<16xi32>
      %mul3A_376 = arith.constant 512 : i32
      %mul3A_377 = arith.muli %add3A_334, %mul3A_376 : i32
      %add3A_378 = arith.constant 80 : i32
      %add3A_379 = arith.addi %mul3A_377, %add3A_378 : i32
      %get3A_380 = arith.index_cast %add3A_379 : i32 to index
      %get3A_381 = tpu.vector_load %arg5[%get3A_380] {strides = array<i32>} : memref<25600xi32, #tpu.memory_space<vmem>>, vector<16xi32>,
      %get3A_382 = vector.shape_cast %get3A_381 : vector<16xi32> to vector<16xi32>
      %mul3A_383 = arith.constant 512 : i32
      %mul3A_384 = arith.muli %add3A_334, %mul3A_383 : i32
      %add3A_385 = arith.constant 96 : i32
      %add3A_386 = arith.addi %mul3A_384, %add3A_385 : i32
      %get3A_387 = arith.index_cast %add3A_386 : i32 to index
      %get3A_388 = tpu.vector_load %arg5[%get3A_387] {strides = array<i32>} : memref<25600xi32, #tpu.memory_space<vmem>>, vector<16xi32>,
      %get3A_389 = vector.shape_cast %get3A_388 : vector<16xi32> to vector<16xi32>
      %mul3A_390 = arith.constant 512 : i32
      %mul3A_391 = arith.muli %add3A_334, %mul3A_390 : i32
      %add3A_392 = arith.constant 112 : i32
      %add3A_393 = arith.addi %mul3A_391, %add3A_392 : i32
      %get3A_394 = arith.index_cast %add3A_393 : i32 to index
      %get3A_395 = tpu.vector_load %arg5[%get3A_394] {strides = array<i32>} : memref<25600xi32, #tpu.memory_space<vmem>>, vector<16xi32>,
      %get3A_396 = vector.shape_cast %get3A_395 : vector<16xi32> to vector<16xi32>
      %mul3A_397 = arith.constant 512 : i32
      %mul3A_398 = arith.muli %add3A_334, %mul3A_397 : i32
      %add3A_399 = arith.constant 128 : i32
      %add3A_400 = arith.addi %mul3A_398, %add3A_399 : i32
      %get3A_401 = arith.index_cast %add3A_400 : i32 to index
      %get3A_402 = tpu.vector_load %arg5[%get3A_401] {strides = array<i32>} : memref<25600xi32, #tpu.memory_space<vmem>>, vector<16xi32>,
      %get3A_403 = vector.shape_cast %get3A_402 : vector<16xi32> to vector<16xi32>
      %mul3A_404 = arith.constant 512 : i32
      %mul3A_405 = arith.muli %add3A_334, %mul3A_404 : i32
      %add3A_406 = arith.constant 144 : i32
      %add3A_407 = arith.addi %mul3A_405, %add3A_406 : i32
      %get3A_408 = arith.index_cast %add3A_407 : i32 to index
      %get3A_409 = tpu.vector_load %arg5[%get3A_408] {strides = array<i32>} : memref<25600xi32, #tpu.memory_space<vmem>>, vector<16xi32>,
      %get3A_410 = vector.shape_cast %get3A_409 : vector<16xi32> to vector<16xi32>
      %mul3A_411 = arith.constant 512 : i32
      %mul3A_412 = arith.muli %add3A_334, %mul3A_411 : i32
      %add3A_413 = arith.constant 160 : i32
      %add3A_414 = arith.addi %mul3A_412, %add3A_413 : i32
      %get3A_415 = arith.index_cast %add3A_414 : i32 to index
      %get3A_416 = tpu.vector_load %arg5[%get3A_415] {strides = array<i32>} : memref<25600xi32, #tpu.memory_space<vmem>>, vector<16xi32>,
      %get3A_417 = vector.shape_cast %get3A_416 : vector<16xi32> to vector<16xi32>
      %mul3A_418 = arith.constant 512 : i32
      %mul3A_419 = arith.muli %add3A_334, %mul3A_418 : i32
      %add3A_420 = arith.constant 176 : i32
      %add3A_421 = arith.addi %mul3A_419, %add3A_420 : i32
      %get3A_422 = arith.index_cast %add3A_421 : i32 to index
      %get3A_423 = tpu.vector_load %arg5[%get3A_422] {strides = array<i32>} : memref<25600xi32, #tpu.memory_space<vmem>>, vector<16xi32>,
      %get3A_424 = vector.shape_cast %get3A_423 : vector<16xi32> to vector<16xi32>
      %mul3A_425 = arith.constant 512 : i32
      %mul3A_426 = arith.muli %add3A_334, %mul3A_425 : i32
      %add3A_427 = arith.constant 192 : i32
      %add3A_428 = arith.addi %mul3A_426, %add3A_427 : i32
      %get3A_429 = arith.index_cast %add3A_428 : i32 to index
      %get3A_430 = tpu.vector_load %arg5[%get3A_429] {strides = array<i32>} : memref<25600xi32, #tpu.memory_space<vmem>>, vector<16xi32>,
      %get3A_431 = vector.shape_cast %get3A_430 : vector<16xi32> to vector<16xi32>
      %mul3A_432 = arith.constant 512 : i32
      %mul3A_433 = arith.muli %add3A_334, %mul3A_432 : i32
      %add3A_434 = arith.constant 208 : i32
      %add3A_435 = arith.addi %mul3A_433, %add3A_434 : i32
      %get3A_436 = arith.index_cast %add3A_435 : i32 to index
      %get3A_437 = tpu.vector_load %arg5[%get3A_436] {strides = array<i32>} : memref<25600xi32, #tpu.memory_space<vmem>>, vector<16xi32>,
      %get3A_438 = vector.shape_cast %get3A_437 : vector<16xi32> to vector<16xi32>
      %mul3A_439 = arith.constant 512 : i32
      %mul3A_440 = arith.muli %add3A_334, %mul3A_439 : i32
      %add3A_441 = arith.constant 224 : i32
      %add3A_442 = arith.addi %mul3A_440, %add3A_441 : i32
      %get3A_443 = arith.index_cast %add3A_442 : i32 to index
      %get3A_444 = tpu.vector_load %arg5[%get3A_443] {strides = array<i32>} : memref<25600xi32, #tpu.memory_space<vmem>>, vector<16xi32>,
      %get3A_445 = vector.shape_cast %get3A_444 : vector<16xi32> to vector<16xi32>
      %mul3A_446 = arith.constant 512 : i32
      %mul3A_447 = arith.muli %add3A_334, %mul3A_446 : i32
      %add3A_448 = arith.constant 240 : i32
      %add3A_449 = arith.addi %mul3A_447, %add3A_448 : i32
      %get3A_450 = arith.index_cast %add3A_449 : i32 to index
      %get3A_451 = tpu.vector_load %arg5[%get3A_450] {strides = array<i32>} : memref<25600xi32, #tpu.memory_space<vmem>>, vector<16xi32>,
      %get3A_452 = vector.shape_cast %get3A_451 : vector<16xi32> to vector<16xi32>
      %mul3A_453 = arith.constant 512 : i32
      %mul3A_454 = arith.muli %add3A_334, %mul3A_453 : i32
      %add3A_455 = arith.constant 256 : i32
      %add3A_456 = arith.addi %mul3A_454, %add3A_455 : i32
      %get3A_457 = arith.index_cast %add3A_456 : i32 to index
      %get3A_458 = tpu.vector_load %arg5[%get3A_457] {strides = array<i32>} : memref<25600xi32, #tpu.memory_space<vmem>>, vector<16xi32>,
      %get3A_459 = vector.shape_cast %get3A_458 : vector<16xi32> to vector<16xi32>
      %mul3A_460 = arith.constant 512 : i32
      %mul3A_461 = arith.muli %add3A_334, %mul3A_460 : i32
      %add3A_462 = arith.constant 272 : i32
      %add3A_463 = arith.addi %mul3A_461, %add3A_462 : i32
      %get3A_464 = arith.index_cast %add3A_463 : i32 to index
      %get3A_465 = tpu.vector_load %arg5[%get3A_464] {strides = array<i32>} : memref<25600xi32, #tpu.memory_space<vmem>>, vector<16xi32>,
      %get3A_466 = vector.shape_cast %get3A_465 : vector<16xi32> to vector<16xi32>
      %mul3A_467 = arith.constant 512 : i32
      %mul3A_468 = arith.muli %add3A_334, %mul3A_467 : i32
      %add3A_469 = arith.constant 288 : i32
      %add3A_470 = arith.addi %mul3A_468, %add3A_469 : i32
      %get3A_471 = arith.index_cast %add3A_470 : i32 to index
      %get3A_472 = tpu.vector_load %arg5[%get3A_471] {strides = array<i32>} : memref<25600xi32, #tpu.memory_space<vmem>>, vector<16xi32>,
      %get3A_473 = vector.shape_cast %get3A_472 : vector<16xi32> to vector<16xi32>
      %mul3A_474 = arith.constant 512 : i32
      %mul3A_475 = arith.muli %add3A_334, %mul3A_474 : i32
      %add3A_476 = arith.constant 304 : i32
      %add3A_477 = arith.addi %mul3A_475, %add3A_476 : i32
      %get3A_478 = arith.index_cast %add3A_477 : i32 to index
      %get3A_479 = tpu.vector_load %arg5[%get3A_478] {strides = array<i32>} : memref<25600xi32, #tpu.memory_space<vmem>>, vector<16xi32>,
      %get3A_480 = vector.shape_cast %get3A_479 : vector<16xi32> to vector<16xi32>
      %mul3A_481 = arith.constant 512 : i32
      %mul3A_482 = arith.muli %add3A_334, %mul3A_481 : i32
      %add3A_483 = arith.constant 320 : i32
      %add3A_484 = arith.addi %mul3A_482, %add3A_483 : i32
      %get3A_485 = arith.index_cast %add3A_484 : i32 to index
      %get3A_486 = tpu.vector_load %arg5[%get3A_485] {strides = array<i32>} : memref<25600xi32, #tpu.memory_space<vmem>>, vector<16xi32>,
      %get3A_487 = vector.shape_cast %get3A_486 : vector<16xi32> to vector<16xi32>
      %mul3A_488 = arith.constant 512 : i32
      %mul3A_489 = arith.muli %add3A_334, %mul3A_488 : i32
      %add3A_490 = arith.constant 336 : i32
      %add3A_491 = arith.addi %mul3A_489, %add3A_490 : i32
      %get3A_492 = arith.index_cast %add3A_491 : i32 to index
      %get3A_493 = tpu.vector_load %arg5[%get3A_492] {strides = array<i32>} : memref<25600xi32, #tpu.memory_space<vmem>>, vector<16xi32>,
      %get3A_494 = vector.shape_cast %get3A_493 : vector<16xi32> to vector<16xi32>
      %mul3A_495 = arith.constant 512 : i32
      %mul3A_496 = arith.muli %add3A_334, %mul3A_495 : i32
      %add3A_497 = arith.constant 352 : i32
      %add3A_498 = arith.addi %mul3A_496, %add3A_497 : i32
      %get3A_499 = arith.index_cast %add3A_498 : i32 to index
      %get3A_500 = tpu.vector_load %arg5[%get3A_499] {strides = array<i32>} : memref<25600xi32, #tpu.memory_space<vmem>>, vector<16xi32>,
      %get3A_501 = vector.shape_cast %get3A_500 : vector<16xi32> to vector<16xi32>
      %mul3A_502 = arith.constant 512 : i32
      %mul3A_503 = arith.muli %add3A_334, %mul3A_502 : i32
      %add3A_504 = arith.constant 368 : i32
      %add3A_505 = arith.addi %mul3A_503, %add3A_504 : i32
      %get3A_506 = arith.index_cast %add3A_505 : i32 to index
      %get3A_507 = tpu.vector_load %arg5[%get3A_506] {strides = array<i32>} : memref<25600xi32, #tpu.memory_space<vmem>>, vector<16xi32>,
      %get3A_508 = vector.shape_cast %get3A_507 : vector<16xi32> to vector<16xi32>
      %mul3A_509 = arith.constant 512 : i32
      %mul3A_510 = arith.muli %add3A_334, %mul3A_509 : i32
      %add3A_511 = arith.constant 384 : i32
      %add3A_512 = arith.addi %mul3A_510, %add3A_511 : i32
      %get3A_513 = arith.index_cast %add3A_512 : i32 to index
      %get3A_514 = tpu.vector_load %arg5[%get3A_513] {strides = array<i32>} : memref<25600xi32, #tpu.memory_space<vmem>>, vector<16xi32>,
      %get3A_515 = vector.shape_cast %get3A_514 : vector<16xi32> to vector<16xi32>
      %mul3A_516 = arith.constant 512 : i32
      %mul3A_517 = arith.muli %add3A_334, %mul3A_516 : i32
      %add3A_518 = arith.constant 400 : i32
      %add3A_519 = arith.addi %mul3A_517, %add3A_518 : i32
      %get3A_520 = arith.index_cast %add3A_519 : i32 to index
      %get3A_521 = tpu.vector_load %arg5[%get3A_520] {strides = array<i32>} : memref<25600xi32, #tpu.memory_space<vmem>>, vector<16xi32>,
      %get3A_522 = vector.shape_cast %get3A_521 : vector<16xi32> to vector<16xi32>
      %mul3A_523 = arith.constant 512 : i32
      %mul3A_524 = arith.muli %add3A_334, %mul3A_523 : i32
      %add3A_525 = arith.constant 416 : i32
      %add3A_526 = arith.addi %mul3A_524, %add3A_525 : i32
      %get3A_527 = arith.index_cast %add3A_526 : i32 to index
      %get3A_528 = tpu.vector_load %arg5[%get3A_527] {strides = array<i32>} : memref<25600xi32, #tpu.memory_space<vmem>>, vector<16xi32>,
      %get3A_529 = vector.shape_cast %get3A_528 : vector<16xi32> to vector<16xi32>
      %mul3A_530 = arith.constant 512 : i32
      %mul3A_531 = arith.muli %add3A_334, %mul3A_530 : i32
      %add3A_532 = arith.constant 432 : i32
      %add3A_533 = arith.addi %mul3A_531, %add3A_532 : i32
      %get3A_534 = arith.index_cast %add3A_533 : i32 to index
      %get3A_535 = tpu.vector_load %arg5[%get3A_534] {strides = array<i32>} : memref<25600xi32, #tpu.memory_space<vmem>>, vector<16xi32>,
      %get3A_536 = vector.shape_cast %get3A_535 : vector<16xi32> to vector<16xi32>
      %mul3A_537 = arith.constant 512 : i32
      %mul3A_538 = arith.muli %add3A_334, %mul3A_537 : i32
      %add3A_539 = arith.constant 448 : i32
      %add3A_540 = arith.addi %mul3A_538, %add3A_539 : i32
      %get3A_541 = arith.index_cast %add3A_540 : i32 to index
      %get3A_542 = tpu.vector_load %arg5[%get3A_541] {strides = array<i32>} : memref<25600xi32, #tpu.memory_space<vmem>>, vector<16xi32>,
      %get3A_543 = vector.shape_cast %get3A_542 : vector<16xi32> to vector<16xi32>
      %mul3A_544 = arith.constant 512 : i32
      %mul3A_545 = arith.muli %add3A_334, %mul3A_544 : i32
      %add3A_546 = arith.constant 464 : i32
      %add3A_547 = arith.addi %mul3A_545, %add3A_546 : i32
      %get3A_548 = arith.index_cast %add3A_547 : i32 to index
      %get3A_549 = tpu.vector_load %arg5[%get3A_548] {strides = array<i32>} : memref<25600xi32, #tpu.memory_space<vmem>>, vector<16xi32>,
      %get3A_550 = vector.shape_cast %get3A_549 : vector<16xi32> to vector<16xi32>
      %mul3A_551 = arith.constant 512 : i32
      %mul3A_552 = arith.muli %add3A_334, %mul3A_551 : i32
      %add3A_553 = arith.constant 480 : i32
      %add3A_554 = arith.addi %mul3A_552, %add3A_553 : i32
      %get3A_555 = arith.index_cast %add3A_554 : i32 to index
      %get3A_556 = tpu.vector_load %arg5[%get3A_555] {strides = array<i32>} : memref<25600xi32, #tpu.memory_space<vmem>>, vector<16xi32>,
      %get3A_557 = vector.shape_cast %get3A_556 : vector<16xi32> to vector<16xi32>
      %mul3A_558 = arith.constant 512 : i32
      %mul3A_559 = arith.muli %add3A_334, %mul3A_558 : i32
      %add3A_560 = arith.constant 496 : i32
      %add3A_561 = arith.addi %mul3A_559, %add3A_560 : i32
      %get3A_562 = arith.index_cast %add3A_561 : i32 to index
      %get3A_563 = tpu.vector_load %arg5[%get3A_562] {strides = array<i32>} : memref<25600xi32, #tpu.memory_space<vmem>>, vector<16xi32>,
      %get3A_564 = vector.shape_cast %get3A_563 : vector<16xi32> to vector<16xi32>
      %min3A_565 = arith.minsi %get3A_347, %get3A_354 : vector<16xi32>
      %min3A_566 = arith.minsi %min3A_565, %get3A_361 : vector<16xi32>
      %min3A_567 = arith.minsi %min3A_566, %get3A_368 : vector<16xi32>
      %min3A_568 = arith.minsi %min3A_567, %get3A_375 : vector<16xi32>
      %min3A_569 = arith.minsi %min3A_568, %get3A_382 : vector<16xi32>
      %min3A_570 = arith.minsi %min3A_569, %get3A_389 : vector<16xi32>
      %min3A_571 = arith.minsi %min3A_570, %get3A_396 : vector<16xi32>
      %min3A_572 = arith.minsi %min3A_571, %get3A_403 : vector<16xi32>
      %min3A_573 = arith.minsi %min3A_572, %get3A_410 : vector<16xi32>
      %min3A_574 = arith.minsi %min3A_573, %get3A_417 : vector<16xi32>
      %min3A_575 = arith.minsi %min3A_574, %get3A_424 : vector<16xi32>
      %min3A_576 = arith.minsi %min3A_575, %get3A_431 : vector<16xi32>
      %min3A_577 = arith.minsi %min3A_576, %get3A_438 : vector<16xi32>
      %min3A_578 = arith.minsi %min3A_577, %get3A_445 : vector<16xi32>
      %min3A_579 = arith.minsi %min3A_578, %get3A_452 : vector<16xi32>
      %min3A_580 = arith.minsi %min3A_579, %get3A_459 : vector<16xi32>
      %min3A_581 = arith.minsi %min3A_580, %get3A_466 : vector<16xi32>
      %min3A_582 = arith.minsi %min3A_581, %get3A_473 : vector<16xi32>
      %min3A_583 = arith.minsi %min3A_582, %get3A_480 : vector<16xi32>
      %min3A_584 = arith.minsi %min3A_583, %get3A_487 : vector<16xi32>
      %min3A_585 = arith.minsi %min3A_584, %get3A_494 : vector<16xi32>
      %min3A_586 = arith.minsi %min3A_585, %get3A_501 : vector<16xi32>
      %min3A_587 = arith.minsi %min3A_586, %get3A_508 : vector<16xi32>
      %min3A_588 = arith.minsi %min3A_587, %get3A_515 : vector<16xi32>
      %min3A_589 = arith.minsi %min3A_588, %get3A_522 : vector<16xi32>
      %min3A_590 = arith.minsi %min3A_589, %get3A_529 : vector<16xi32>
      %min3A_591 = arith.minsi %min3A_590, %get3A_536 : vector<16xi32>
      %min3A_592 = arith.minsi %min3A_591, %get3A_543 : vector<16xi32>
      %min3A_593 = arith.minsi %min3A_592, %get3A_550 : vector<16xi32>
      %min3A_594 = arith.minsi %min3A_593, %get3A_557 : vector<16xi32>
      %min3A_595 = arith.minsi %min3A_594, %get3A_564 : vector<16xi32>
      %xor3A_596 = arith.constant 8 : i32
      %xor3A_597 = vector.broadcast %xor3A_596 : i32 to vector<16xi32>
      %xor3A_598 = arith.xori %iota3A, %xor3A_597 : vector<16xi32>
      %reshape3A_599 = vector.shape_cast %xor3A_598 : vector<16xi32> to vector<16x1xi32>
      %gather3A_600 = vector.shape_cast %reshape3A_599 : vector<16x1xi32> to vector<16xi32>
      %gather3A_601 = tpu.dynamic_gather %min3A_595[%gather3A_600] in [0] : vector<16xi32>, vector<16xi32> -> vector<16xi32>
      %min3A_602 = arith.minsi %min3A_595, %gather3A_601 : vector<16xi32>
      %xor3A_603 = arith.constant 4 : i32
      %xor3A_604 = vector.broadcast %xor3A_603 : i32 to vector<16xi32>
      %xor3A_605 = arith.xori %iota3A, %xor3A_604 : vector<16xi32>
      %reshape3A_606 = vector.shape_cast %xor3A_605 : vector<16xi32> to vector<16x1xi32>
      %gather3A_607 = vector.shape_cast %reshape3A_606 : vector<16x1xi32> to vector<16xi32>
      %gather3A_608 = tpu.dynamic_gather %min3A_602[%gather3A_607] in [0] : vector<16xi32>, vector<16xi32> -> vector<16xi32>
      %min3A_609 = arith.minsi %min3A_602, %gather3A_608 : vector<16xi32>
      %xor3A_610 = arith.constant 2 : i32
      %xor3A_611 = vector.broadcast %xor3A_610 : i32 to vector<16xi32>
      %xor3A_612 = arith.xori %iota3A, %xor3A_611 : vector<16xi32>
      %reshape3A_613 = vector.shape_cast %xor3A_612 : vector<16xi32> to vector<16x1xi32>
      %gather3A_614 = vector.shape_cast %reshape3A_613 : vector<16x1xi32> to vector<16xi32>
      %gather3A_615 = tpu.dynamic_gather %min3A_609[%gather3A_614] in [0] : vector<16xi32>, vector<16xi32> -> vector<16xi32>
      %min3A_616 = arith.minsi %min3A_609, %gather3A_615 : vector<16xi32>
      %xor3A_617 = arith.constant 1 : i32
      %xor3A_618 = vector.broadcast %xor3A_617 : i32 to vector<16xi32>
      %xor3A_619 = arith.xori %iota3A, %xor3A_618 : vector<16xi32>
      %reshape3A_620 = vector.shape_cast %xor3A_619 : vector<16xi32> to vector<16x1xi32>
      %gather3A_621 = vector.shape_cast %reshape3A_620 : vector<16x1xi32> to vector<16xi32>
      %gather3A_622 = tpu.dynamic_gather %min3A_616[%gather3A_621] in [0] : vector<16xi32>, vector<16xi32> -> vector<16xi32>
      %min3A_623 = arith.minsi %min3A_616, %gather3A_622 : vector<16xi32>
      %slice3A_624 = vector.extract_strided_slice %min3A_623 {offsets = [0], sizes = [1], strides = [1]} : vector<16xi32> to vector<1xi32>
      %squeeze3A_625 = vector.extract %slice3A_624[0] : i32 from vector<1xi32>
      %eq3A_626 = arith.constant 0 : i32
      %eq3A_627 = arith.cmpi eq, %squeeze3A_625, %eq3A_626 : i32
      %convert_element_type3A_628 = arith.extui %eq3A_627 : i1 to i32
      %cond3A_629 = arith.constant 0 : i32
      %cond3A_630 = arith.cmpi ne, %convert_element_type3A_628, %cond3A_629 : i32
      scf.if %cond3A_630 {
        %scan3A_643 = arith.constant 0 : i32
        %scan3A_644 = arith.constant 0 : i32
        %scan3A_645 = arith.constant 32 : i32
        %scan3A_646 = arith.addi %scan3A_644, %scan3A_645 : i32
        %scan3A_647 = arith.constant 1 : i32
        scf.for %scan3A_649 = %scan3A_644 to %scan3A_646 step %scan3A_647  : i32 {
          %mul3A_650 = arith.constant 512 : i32
          %mul3A_651 = arith.muli %add3A_334, %mul3A_650 : i32
          %mul3A_652 = arith.constant 16 : i32
          %mul3A_653 = arith.muli %scan3A_649, %mul3A_652 : i32
          %add3A_654 = arith.addi %mul3A_651, %mul3A_653 : i32
          %get3A_655 = arith.index_cast %add3A_654 : i32 to index
          %get3A_656 = tpu.vector_load %arg5[%get3A_655] {strides = array<i32>} : memref<25600xi32, #tpu.memory_space<vmem>>, vector<16xi32>,
          %get3A_657 = vector.shape_cast %get3A_656 : vector<16xi32> to vector<16xi32>
          %slice3A_658 = vector.extract_strided_slice %get3A_657 {offsets = [0], sizes = [1], strides = [1]} : vector<16xi32> to vector<1xi32>
          %squeeze3A_659 = vector.extract %slice3A_658[0] : i32 from vector<1xi32>
          %eq3A_660 = arith.constant 0 : i32
          %eq3A_661 = arith.cmpi eq, %squeeze3A_659, %eq3A_660 : i32
          %mul3A_662 = arith.constant 16 : i32
          %mul3A_663 = arith.muli %scan3A_649, %mul3A_662 : i32
          %add3A_664 = arith.constant 0 : i32
          %add3A_665 = arith.addi %mul3A_663, %add3A_664 : i32
          %convert_element_type3A_666 = arith.extui %eq3A_661 : i1 to i32
          %cond3A_667 = arith.constant 0 : i32
          %cond3A_668 = arith.cmpi ne, %convert_element_type3A_666, %cond3A_667 : i32
          scf.if %cond3A_668 {
            %swap3A = arith.index_cast %add3A_665 : i32 to index
            %swap3A_834 = arith.constant 0 : index
            %swap3A_835 = tpu.vector_load %arg7[%swap3A, %swap3A_834] {strides = array<i32>} : memref<512x64xf32, #tpu.memory_space<vmem>>, vector<1x16xf32>,
            %swap3A_836 = vector.shape_cast %swap3A_835 : vector<1x16xf32> to vector<16xf32>
            %swap3A_837 = vector.shape_cast %broadcast_in_dim3A_12 : vector<16xf32> to vector<1x16xf32>
            tpu.vector_store %arg7[%swap3A, %swap3A_834], %swap3A_837 {strides = array<i32>} : memref<512x64xf32, #tpu.memory_space<vmem>>, vector<1x16xf32>,
            %swap3A_838 = arith.index_cast %add3A_665 : i32 to index
            %swap3A_839 = arith.constant 16 : index
            %swap3A_840 = tpu.vector_load %arg7[%swap3A_838, %swap3A_839] {strides = array<i32>} : memref<512x64xf32, #tpu.memory_space<vmem>>, vector<1x16xf32>,
            %swap3A_841 = vector.shape_cast %swap3A_840 : vector<1x16xf32> to vector<16xf32>
            %swap3A_842 = vector.shape_cast %broadcast_in_dim3A_12 : vector<16xf32> to vector<1x16xf32>
            tpu.vector_store %arg7[%swap3A_838, %swap3A_839], %swap3A_842 {strides = array<i32>} : memref<512x64xf32, #tpu.memory_space<vmem>>, vector<1x16xf32>,
            %swap3A_843 = arith.index_cast %add3A_665 : i32 to index
            %swap3A_844 = arith.constant 32 : index
            %swap3A_845 = tpu.vector_load %arg7[%swap3A_843, %swap3A_844] {strides = array<i32>} : memref<512x64xf32, #tpu.memory_space<vmem>>, vector<1x16xf32>,
            %swap3A_846 = vector.shape_cast %swap3A_845 : vector<1x16xf32> to vector<16xf32>
            %swap3A_847 = vector.shape_cast %broadcast_in_dim3A_12 : vector<16xf32> to vector<1x16xf32>
            tpu.vector_store %arg7[%swap3A_843, %swap3A_844], %swap3A_847 {strides = array<i32>} : memref<512x64xf32, #tpu.memory_space<vmem>>, vector<1x16xf32>,
            %swap3A_848 = arith.index_cast %add3A_665 : i32 to index
            %swap3A_849 = arith.constant 48 : index
            %swap3A_850 = tpu.vector_load %arg7[%swap3A_848, %swap3A_849] {strides = array<i32>} : memref<512x64xf32, #tpu.memory_space<vmem>>, vector<1x16xf32>,
            %swap3A_851 = vector.shape_cast %swap3A_850 : vector<1x16xf32> to vector<16xf32>
            %swap3A_852 = vector.shape_cast %broadcast_in_dim3A_12 : vector<16xf32> to vector<1x16xf32>
            tpu.vector_store %arg7[%swap3A_848, %swap3A_849], %swap3A_852 {strides = array<i32>} : memref<512x64xf32, #tpu.memory_space<vmem>>, vector<1x16xf32>,
          } else {
          }
          %slice3A_669 = vector.extract_strided_slice %get3A_657 {offsets = [1], sizes = [1], strides = [1]} : vector<16xi32> to vector<1xi32>
          %squeeze3A_670 = vector.extract %slice3A_669[0] : i32 from vector<1xi32>
          %eq3A_671 = arith.constant 0 : i32
          %eq3A_672 = arith.cmpi eq, %squeeze3A_670, %eq3A_671 : i32
          %mul3A_673 = arith.constant 16 : i32
          %mul3A_674 = arith.muli %scan3A_649, %mul3A_673 : i32
          %add3A_675 = arith.constant 1 : i32
          %add3A_676 = arith.addi %mul3A_674, %add3A_675 : i32
          %convert_element_type3A_677 = arith.extui %eq3A_672 : i1 to i32
          %cond3A_678 = arith.constant 0 : i32
          %cond3A_679 = arith.cmpi ne, %convert_element_type3A_677, %cond3A_678 : i32
          scf.if %cond3A_679 {
            %swap3A = arith.index_cast %add3A_676 : i32 to index
            %swap3A_834 = arith.constant 0 : index
            %swap3A_835 = tpu.vector_load %arg7[%swap3A, %swap3A_834] {strides = array<i32>} : memref<512x64xf32, #tpu.memory_space<vmem>>, vector<1x16xf32>,
            %swap3A_836 = vector.shape_cast %swap3A_835 : vector<1x16xf32> to vector<16xf32>
            %swap3A_837 = vector.shape_cast %broadcast_in_dim3A_12 : vector<16xf32> to vector<1x16xf32>
            tpu.vector_store %arg7[%swap3A, %swap3A_834], %swap3A_837 {strides = array<i32>} : memref<512x64xf32, #tpu.memory_space<vmem>>, vector<1x16xf32>,
            %swap3A_838 = arith.index_cast %add3A_676 : i32 to index
            %swap3A_839 = arith.constant 16 : index
            %swap3A_840 = tpu.vector_load %arg7[%swap3A_838, %swap3A_839] {strides = array<i32>} : memref<512x64xf32, #tpu.memory_space<vmem>>, vector<1x16xf32>,
            %swap3A_841 = vector.shape_cast %swap3A_840 : vector<1x16xf32> to vector<16xf32>
            %swap3A_842 = vector.shape_cast %broadcast_in_dim3A_12 : vector<16xf32> to vector<1x16xf32>
            tpu.vector_store %arg7[%swap3A_838, %swap3A_839], %swap3A_842 {strides = array<i32>} : memref<512x64xf32, #tpu.memory_space<vmem>>, vector<1x16xf32>,
            %swap3A_843 = arith.index_cast %add3A_676 : i32 to index
            %swap3A_844 = arith.constant 32 : index
            %swap3A_845 = tpu.vector_load %arg7[%swap3A_843, %swap3A_844] {strides = array<i32>} : memref<512x64xf32, #tpu.memory_space<vmem>>, vector<1x16xf32>,
            %swap3A_846 = vector.shape_cast %swap3A_845 : vector<1x16xf32> to vector<16xf32>
            %swap3A_847 = vector.shape_cast %broadcast_in_dim3A_12 : vector<16xf32> to vector<1x16xf32>
            tpu.vector_store %arg7[%swap3A_843, %swap3A_844], %swap3A_847 {strides = array<i32>} : memref<512x64xf32, #tpu.memory_space<vmem>>, vector<1x16xf32>,
            %swap3A_848 = arith.index_cast %add3A_676 : i32 to index
            %swap3A_849 = arith.constant 48 : index
            %swap3A_850 = tpu.vector_load %arg7[%swap3A_848, %swap3A_849] {strides = array<i32>} : memref<512x64xf32, #tpu.memory_space<vmem>>, vector<1x16xf32>,
            %swap3A_851 = vector.shape_cast %swap3A_850 : vector<1x16xf32> to vector<16xf32>
            %swap3A_852 = vector.shape_cast %broadcast_in_dim3A_12 : vector<16xf32> to vector<1x16xf32>
            tpu.vector_store %arg7[%swap3A_848, %swap3A_849], %swap3A_852 {strides = array<i32>} : memref<512x64xf32, #tpu.memory_space<vmem>>, vector<1x16xf32>,
          } else {
          }
          %slice3A_680 = vector.extract_strided_slice %get3A_657 {offsets = [2], sizes = [1], strides = [1]} : vector<16xi32> to vector<1xi32>
          %squeeze3A_681 = vector.extract %slice3A_680[0] : i32 from vector<1xi32>
          %eq3A_682 = arith.constant 0 : i32
          %eq3A_683 = arith.cmpi eq, %squeeze3A_681, %eq3A_682 : i32
          %mul3A_684 = arith.constant 16 : i32
          %mul3A_685 = arith.muli %scan3A_649, %mul3A_684 : i32
          %add3A_686 = arith.constant 2 : i32
          %add3A_687 = arith.addi %mul3A_685, %add3A_686 : i32
          %convert_element_type3A_688 = arith.extui %eq3A_683 : i1 to i32
          %cond3A_689 = arith.constant 0 : i32
          %cond3A_690 = arith.cmpi ne, %convert_element_type3A_688, %cond3A_689 : i32
          scf.if %cond3A_690 {
            %swap3A = arith.index_cast %add3A_687 : i32 to index
            %swap3A_834 = arith.constant 0 : index
            %swap3A_835 = tpu.vector_load %arg7[%swap3A, %swap3A_834] {strides = array<i32>} : memref<512x64xf32, #tpu.memory_space<vmem>>, vector<1x16xf32>,
            %swap3A_836 = vector.shape_cast %swap3A_835 : vector<1x16xf32> to vector<16xf32>
            %swap3A_837 = vector.shape_cast %broadcast_in_dim3A_12 : vector<16xf32> to vector<1x16xf32>
            tpu.vector_store %arg7[%swap3A, %swap3A_834], %swap3A_837 {strides = array<i32>} : memref<512x64xf32, #tpu.memory_space<vmem>>, vector<1x16xf32>,
            %swap3A_838 = arith.index_cast %add3A_687 : i32 to index
            %swap3A_839 = arith.constant 16 : index
            %swap3A_840 = tpu.vector_load %arg7[%swap3A_838, %swap3A_839] {strides = array<i32>} : memref<512x64xf32, #tpu.memory_space<vmem>>, vector<1x16xf32>,
            %swap3A_841 = vector.shape_cast %swap3A_840 : vector<1x16xf32> to vector<16xf32>
            %swap3A_842 = vector.shape_cast %broadcast_in_dim3A_12 : vector<16xf32> to vector<1x16xf32>
            tpu.vector_store %arg7[%swap3A_838, %swap3A_839], %swap3A_842 {strides = array<i32>} : memref<512x64xf32, #tpu.memory_space<vmem>>, vector<1x16xf32>,
            %swap3A_843 = arith.index_cast %add3A_687 : i32 to index
            %swap3A_844 = arith.constant 32 : index
            %swap3A_845 = tpu.vector_load %arg7[%swap3A_843, %swap3A_844] {strides = array<i32>} : memref<512x64xf32, #tpu.memory_space<vmem>>, vector<1x16xf32>,
            %swap3A_846 = vector.shape_cast %swap3A_845 : vector<1x16xf32> to vector<16xf32>
            %swap3A_847 = vector.shape_cast %broadcast_in_dim3A_12 : vector<16xf32> to vector<1x16xf32>
            tpu.vector_store %arg7[%swap3A_843, %swap3A_844], %swap3A_847 {strides = array<i32>} : memref<512x64xf32, #tpu.memory_space<vmem>>, vector<1x16xf32>,
            %swap3A_848 = arith.index_cast %add3A_687 : i32 to index
            %swap3A_849 = arith.constant 48 : index
            %swap3A_850 = tpu.vector_load %arg7[%swap3A_848, %swap3A_849] {strides = array<i32>} : memref<512x64xf32, #tpu.memory_space<vmem>>, vector<1x16xf32>,
            %swap3A_851 = vector.shape_cast %swap3A_850 : vector<1x16xf32> to vector<16xf32>
            %swap3A_852 = vector.shape_cast %broadcast_in_dim3A_12 : vector<16xf32> to vector<1x16xf32>
            tpu.vector_store %arg7[%swap3A_848, %swap3A_849], %swap3A_852 {strides = array<i32>} : memref<512x64xf32, #tpu.memory_space<vmem>>, vector<1x16xf32>,
          } else {
          }
          %slice3A_691 = vector.extract_strided_slice %get3A_657 {offsets = [3], sizes = [1], strides = [1]} : vector<16xi32> to vector<1xi32>
          %squeeze3A_692 = vector.extract %slice3A_691[0] : i32 from vector<1xi32>
          %eq3A_693 = arith.constant 0 : i32
          %eq3A_694 = arith.cmpi eq, %squeeze3A_692, %eq3A_693 : i32
          %mul3A_695 = arith.constant 16 : i32
          %mul3A_696 = arith.muli %scan3A_649, %mul3A_695 : i32
          %add3A_697 = arith.constant 3 : i32
          %add3A_698 = arith.addi %mul3A_696, %add3A_697 : i32
          %convert_element_type3A_699 = arith.extui %eq3A_694 : i1 to i32
          %cond3A_700 = arith.constant 0 : i32
          %cond3A_701 = arith.cmpi ne, %convert_element_type3A_699, %cond3A_700 : i32
          scf.if %cond3A_701 {
            %swap3A = arith.index_cast %add3A_698 : i32 to index
            %swap3A_834 = arith.constant 0 : index
            %swap3A_835 = tpu.vector_load %arg7[%swap3A, %swap3A_834] {strides = array<i32>} : memref<512x64xf32, #tpu.memory_space<vmem>>, vector<1x16xf32>,
            %swap3A_836 = vector.shape_cast %swap3A_835 : vector<1x16xf32> to vector<16xf32>
            %swap3A_837 = vector.shape_cast %broadcast_in_dim3A_12 : vector<16xf32> to vector<1x16xf32>
            tpu.vector_store %arg7[%swap3A, %swap3A_834], %swap3A_837 {strides = array<i32>} : memref<512x64xf32, #tpu.memory_space<vmem>>, vector<1x16xf32>,
            %swap3A_838 = arith.index_cast %add3A_698 : i32 to index
            %swap3A_839 = arith.constant 16 : index
            %swap3A_840 = tpu.vector_load %arg7[%swap3A_838, %swap3A_839] {strides = array<i32>} : memref<512x64xf32, #tpu.memory_space<vmem>>, vector<1x16xf32>,
            %swap3A_841 = vector.shape_cast %swap3A_840 : vector<1x16xf32> to vector<16xf32>
            %swap3A_842 = vector.shape_cast %broadcast_in_dim3A_12 : vector<16xf32> to vector<1x16xf32>
            tpu.vector_store %arg7[%swap3A_838, %swap3A_839], %swap3A_842 {strides = array<i32>} : memref<512x64xf32, #tpu.memory_space<vmem>>, vector<1x16xf32>,
            %swap3A_843 = arith.index_cast %add3A_698 : i32 to index
            %swap3A_844 = arith.constant 32 : index
            %swap3A_845 = tpu.vector_load %arg7[%swap3A_843, %swap3A_844] {strides = array<i32>} : memref<512x64xf32, #tpu.memory_space<vmem>>, vector<1x16xf32>,
            %swap3A_846 = vector.shape_cast %swap3A_845 : vector<1x16xf32> to vector<16xf32>
            %swap3A_847 = vector.shape_cast %broadcast_in_dim3A_12 : vector<16xf32> to vector<1x16xf32>
            tpu.vector_store %arg7[%swap3A_843, %swap3A_844], %swap3A_847 {strides = array<i32>} : memref<512x64xf32, #tpu.memory_space<vmem>>, vector<1x16xf32>,
            %swap3A_848 = arith.index_cast %add3A_698 : i32 to index
            %swap3A_849 = arith.constant 48 : index
            %swap3A_850 = tpu.vector_load %arg7[%swap3A_848, %swap3A_849] {strides = array<i32>} : memref<512x64xf32, #tpu.memory_space<vmem>>, vector<1x16xf32>,
            %swap3A_851 = vector.shape_cast %swap3A_850 : vector<1x16xf32> to vector<16xf32>
            %swap3A_852 = vector.shape_cast %broadcast_in_dim3A_12 : vector<16xf32> to vector<1x16xf32>
            tpu.vector_store %arg7[%swap3A_848, %swap3A_849], %swap3A_852 {strides = array<i32>} : memref<512x64xf32, #tpu.memory_space<vmem>>, vector<1x16xf32>,
          } else {
          }
          %slice3A_702 = vector.extract_strided_slice %get3A_657 {offsets = [4], sizes = [1], strides = [1]} : vector<16xi32> to vector<1xi32>
          %squeeze3A_703 = vector.extract %slice3A_702[0] : i32 from vector<1xi32>
          %eq3A_704 = arith.constant 0 : i32
          %eq3A_705 = arith.cmpi eq, %squeeze3A_703, %eq3A_704 : i32
          %mul3A_706 = arith.constant 16 : i32
          %mul3A_707 = arith.muli %scan3A_649, %mul3A_706 : i32
          %add3A_708 = arith.constant 4 : i32
          %add3A_709 = arith.addi %mul3A_707, %add3A_708 : i32
          %convert_element_type3A_710 = arith.extui %eq3A_705 : i1 to i32
          %cond3A_711 = arith.constant 0 : i32
          %cond3A_712 = arith.cmpi ne, %convert_element_type3A_710, %cond3A_711 : i32
          scf.if %cond3A_712 {
            %swap3A = arith.index_cast %add3A_709 : i32 to index
            %swap3A_834 = arith.constant 0 : index
            %swap3A_835 = tpu.vector_load %arg7[%swap3A, %swap3A_834] {strides = array<i32>} : memref<512x64xf32, #tpu.memory_space<vmem>>, vector<1x16xf32>,
            %swap3A_836 = vector.shape_cast %swap3A_835 : vector<1x16xf32> to vector<16xf32>
            %swap3A_837 = vector.shape_cast %broadcast_in_dim3A_12 : vector<16xf32> to vector<1x16xf32>
            tpu.vector_store %arg7[%swap3A, %swap3A_834], %swap3A_837 {strides = array<i32>} : memref<512x64xf32, #tpu.memory_space<vmem>>, vector<1x16xf32>,
            %swap3A_838 = arith.index_cast %add3A_709 : i32 to index
            %swap3A_839 = arith.constant 16 : index
            %swap3A_840 = tpu.vector_load %arg7[%swap3A_838, %swap3A_839] {strides = array<i32>} : memref<512x64xf32, #tpu.memory_space<vmem>>, vector<1x16xf32>,
            %swap3A_841 = vector.shape_cast %swap3A_840 : vector<1x16xf32> to vector<16xf32>
            %swap3A_842 = vector.shape_cast %broadcast_in_dim3A_12 : vector<16xf32> to vector<1x16xf32>
            tpu.vector_store %arg7[%swap3A_838, %swap3A_839], %swap3A_842 {strides = array<i32>} : memref<512x64xf32, #tpu.memory_space<vmem>>, vector<1x16xf32>,
            %swap3A_843 = arith.index_cast %add3A_709 : i32 to index
            %swap3A_844 = arith.constant 32 : index
            %swap3A_845 = tpu.vector_load %arg7[%swap3A_843, %swap3A_844] {strides = array<i32>} : memref<512x64xf32, #tpu.memory_space<vmem>>, vector<1x16xf32>,
            %swap3A_846 = vector.shape_cast %swap3A_845 : vector<1x16xf32> to vector<16xf32>
            %swap3A_847 = vector.shape_cast %broadcast_in_dim3A_12 : vector<16xf32> to vector<1x16xf32>
            tpu.vector_store %arg7[%swap3A_843, %swap3A_844], %swap3A_847 {strides = array<i32>} : memref<512x64xf32, #tpu.memory_space<vmem>>, vector<1x16xf32>,
            %swap3A_848 = arith.index_cast %add3A_709 : i32 to index
            %swap3A_849 = arith.constant 48 : index
            %swap3A_850 = tpu.vector_load %arg7[%swap3A_848, %swap3A_849] {strides = array<i32>} : memref<512x64xf32, #tpu.memory_space<vmem>>, vector<1x16xf32>,
            %swap3A_851 = vector.shape_cast %swap3A_850 : vector<1x16xf32> to vector<16xf32>
            %swap3A_852 = vector.shape_cast %broadcast_in_dim3A_12 : vector<16xf32> to vector<1x16xf32>
            tpu.vector_store %arg7[%swap3A_848, %swap3A_849], %swap3A_852 {strides = array<i32>} : memref<512x64xf32, #tpu.memory_space<vmem>>, vector<1x16xf32>,
          } else {
          }
          %slice3A_713 = vector.extract_strided_slice %get3A_657 {offsets = [5], sizes = [1], strides = [1]} : vector<16xi32> to vector<1xi32>
          %squeeze3A_714 = vector.extract %slice3A_713[0] : i32 from vector<1xi32>
          %eq3A_715 = arith.constant 0 : i32
          %eq3A_716 = arith.cmpi eq, %squeeze3A_714, %eq3A_715 : i32
          %mul3A_717 = arith.constant 16 : i32
          %mul3A_718 = arith.muli %scan3A_649, %mul3A_717 : i32
          %add3A_719 = arith.constant 5 : i32
          %add3A_720 = arith.addi %mul3A_718, %add3A_719 : i32
          %convert_element_type3A_721 = arith.extui %eq3A_716 : i1 to i32
          %cond3A_722 = arith.constant 0 : i32
          %cond3A_723 = arith.cmpi ne, %convert_element_type3A_721, %cond3A_722 : i32
          scf.if %cond3A_723 {
            %swap3A = arith.index_cast %add3A_720 : i32 to index
            %swap3A_834 = arith.constant 0 : index
            %swap3A_835 = tpu.vector_load %arg7[%swap3A, %swap3A_834] {strides = array<i32>} : memref<512x64xf32, #tpu.memory_space<vmem>>, vector<1x16xf32>,
            %swap3A_836 = vector.shape_cast %swap3A_835 : vector<1x16xf32> to vector<16xf32>
            %swap3A_837 = vector.shape_cast %broadcast_in_dim3A_12 : vector<16xf32> to vector<1x16xf32>
            tpu.vector_store %arg7[%swap3A, %swap3A_834], %swap3A_837 {strides = array<i32>} : memref<512x64xf32, #tpu.memory_space<vmem>>, vector<1x16xf32>,
            %swap3A_838 = arith.index_cast %add3A_720 : i32 to index
            %swap3A_839 = arith.constant 16 : index
            %swap3A_840 = tpu.vector_load %arg7[%swap3A_838, %swap3A_839] {strides = array<i32>} : memref<512x64xf32, #tpu.memory_space<vmem>>, vector<1x16xf32>,
            %swap3A_841 = vector.shape_cast %swap3A_840 : vector<1x16xf32> to vector<16xf32>
            %swap3A_842 = vector.shape_cast %broadcast_in_dim3A_12 : vector<16xf32> to vector<1x16xf32>
            tpu.vector_store %arg7[%swap3A_838, %swap3A_839], %swap3A_842 {strides = array<i32>} : memref<512x64xf32, #tpu.memory_space<vmem>>, vector<1x16xf32>,
            %swap3A_843 = arith.index_cast %add3A_720 : i32 to index
            %swap3A_844 = arith.constant 32 : index
            %swap3A_845 = tpu.vector_load %arg7[%swap3A_843, %swap3A_844] {strides = array<i32>} : memref<512x64xf32, #tpu.memory_space<vmem>>, vector<1x16xf32>,
            %swap3A_846 = vector.shape_cast %swap3A_845 : vector<1x16xf32> to vector<16xf32>
            %swap3A_847 = vector.shape_cast %broadcast_in_dim3A_12 : vector<16xf32> to vector<1x16xf32>
            tpu.vector_store %arg7[%swap3A_843, %swap3A_844], %swap3A_847 {strides = array<i32>} : memref<512x64xf32, #tpu.memory_space<vmem>>, vector<1x16xf32>,
            %swap3A_848 = arith.index_cast %add3A_720 : i32 to index
            %swap3A_849 = arith.constant 48 : index
            %swap3A_850 = tpu.vector_load %arg7[%swap3A_848, %swap3A_849] {strides = array<i32>} : memref<512x64xf32, #tpu.memory_space<vmem>>, vector<1x16xf32>,
            %swap3A_851 = vector.shape_cast %swap3A_850 : vector<1x16xf32> to vector<16xf32>
            %swap3A_852 = vector.shape_cast %broadcast_in_dim3A_12 : vector<16xf32> to vector<1x16xf32>
            tpu.vector_store %arg7[%swap3A_848, %swap3A_849], %swap3A_852 {strides = array<i32>} : memref<512x64xf32, #tpu.memory_space<vmem>>, vector<1x16xf32>,
          } else {
          }
          %slice3A_724 = vector.extract_strided_slice %get3A_657 {offsets = [6], sizes = [1], strides = [1]} : vector<16xi32> to vector<1xi32>
          %squeeze3A_725 = vector.extract %slice3A_724[0] : i32 from vector<1xi32>
          %eq3A_726 = arith.constant 0 : i32
          %eq3A_727 = arith.cmpi eq, %squeeze3A_725, %eq3A_726 : i32
          %mul3A_728 = arith.constant 16 : i32
          %mul3A_729 = arith.muli %scan3A_649, %mul3A_728 : i32
          %add3A_730 = arith.constant 6 : i32
          %add3A_731 = arith.addi %mul3A_729, %add3A_730 : i32
          %convert_element_type3A_732 = arith.extui %eq3A_727 : i1 to i32
          %cond3A_733 = arith.constant 0 : i32
          %cond3A_734 = arith.cmpi ne, %convert_element_type3A_732, %cond3A_733 : i32
          scf.if %cond3A_734 {
            %swap3A = arith.index_cast %add3A_731 : i32 to index
            %swap3A_834 = arith.constant 0 : index
            %swap3A_835 = tpu.vector_load %arg7[%swap3A, %swap3A_834] {strides = array<i32>} : memref<512x64xf32, #tpu.memory_space<vmem>>, vector<1x16xf32>,
            %swap3A_836 = vector.shape_cast %swap3A_835 : vector<1x16xf32> to vector<16xf32>
            %swap3A_837 = vector.shape_cast %broadcast_in_dim3A_12 : vector<16xf32> to vector<1x16xf32>
            tpu.vector_store %arg7[%swap3A, %swap3A_834], %swap3A_837 {strides = array<i32>} : memref<512x64xf32, #tpu.memory_space<vmem>>, vector<1x16xf32>,
            %swap3A_838 = arith.index_cast %add3A_731 : i32 to index
            %swap3A_839 = arith.constant 16 : index
            %swap3A_840 = tpu.vector_load %arg7[%swap3A_838, %swap3A_839] {strides = array<i32>} : memref<512x64xf32, #tpu.memory_space<vmem>>, vector<1x16xf32>,
            %swap3A_841 = vector.shape_cast %swap3A_840 : vector<1x16xf32> to vector<16xf32>
            %swap3A_842 = vector.shape_cast %broadcast_in_dim3A_12 : vector<16xf32> to vector<1x16xf32>
            tpu.vector_store %arg7[%swap3A_838, %swap3A_839], %swap3A_842 {strides = array<i32>} : memref<512x64xf32, #tpu.memory_space<vmem>>, vector<1x16xf32>,
            %swap3A_843 = arith.index_cast %add3A_731 : i32 to index
            %swap3A_844 = arith.constant 32 : index
            %swap3A_845 = tpu.vector_load %arg7[%swap3A_843, %swap3A_844] {strides = array<i32>} : memref<512x64xf32, #tpu.memory_space<vmem>>, vector<1x16xf32>,
            %swap3A_846 = vector.shape_cast %swap3A_845 : vector<1x16xf32> to vector<16xf32>
            %swap3A_847 = vector.shape_cast %broadcast_in_dim3A_12 : vector<16xf32> to vector<1x16xf32>
            tpu.vector_store %arg7[%swap3A_843, %swap3A_844], %swap3A_847 {strides = array<i32>} : memref<512x64xf32, #tpu.memory_space<vmem>>, vector<1x16xf32>,
            %swap3A_848 = arith.index_cast %add3A_731 : i32 to index
            %swap3A_849 = arith.constant 48 : index
            %swap3A_850 = tpu.vector_load %arg7[%swap3A_848, %swap3A_849] {strides = array<i32>} : memref<512x64xf32, #tpu.memory_space<vmem>>, vector<1x16xf32>,
            %swap3A_851 = vector.shape_cast %swap3A_850 : vector<1x16xf32> to vector<16xf32>
            %swap3A_852 = vector.shape_cast %broadcast_in_dim3A_12 : vector<16xf32> to vector<1x16xf32>
            tpu.vector_store %arg7[%swap3A_848, %swap3A_849], %swap3A_852 {strides = array<i32>} : memref<512x64xf32, #tpu.memory_space<vmem>>, vector<1x16xf32>,
          } else {
          }
          %slice3A_735 = vector.extract_strided_slice %get3A_657 {offsets = [7], sizes = [1], strides = [1]} : vector<16xi32> to vector<1xi32>
          %squeeze3A_736 = vector.extract %slice3A_735[0] : i32 from vector<1xi32>
          %eq3A_737 = arith.constant 0 : i32
          %eq3A_738 = arith.cmpi eq, %squeeze3A_736, %eq3A_737 : i32
          %mul3A_739 = arith.constant 16 : i32
          %mul3A_740 = arith.muli %scan3A_649, %mul3A_739 : i32
          %add3A_741 = arith.constant 7 : i32
          %add3A_742 = arith.addi %mul3A_740, %add3A_741 : i32
          %convert_element_type3A_743 = arith.extui %eq3A_738 : i1 to i32
          %cond3A_744 = arith.constant 0 : i32
          %cond3A_745 = arith.cmpi ne, %convert_element_type3A_743, %cond3A_744 : i32
          scf.if %cond3A_745 {
            %swap3A = arith.index_cast %add3A_742 : i32 to index
            %swap3A_834 = arith.constant 0 : index
            %swap3A_835 = tpu.vector_load %arg7[%swap3A, %swap3A_834] {strides = array<i32>} : memref<512x64xf32, #tpu.memory_space<vmem>>, vector<1x16xf32>,
            %swap3A_836 = vector.shape_cast %swap3A_835 : vector<1x16xf32> to vector<16xf32>
            %swap3A_837 = vector.shape_cast %broadcast_in_dim3A_12 : vector<16xf32> to vector<1x16xf32>
            tpu.vector_store %arg7[%swap3A, %swap3A_834], %swap3A_837 {strides = array<i32>} : memref<512x64xf32, #tpu.memory_space<vmem>>, vector<1x16xf32>,
            %swap3A_838 = arith.index_cast %add3A_742 : i32 to index
            %swap3A_839 = arith.constant 16 : index
            %swap3A_840 = tpu.vector_load %arg7[%swap3A_838, %swap3A_839] {strides = array<i32>} : memref<512x64xf32, #tpu.memory_space<vmem>>, vector<1x16xf32>,
            %swap3A_841 = vector.shape_cast %swap3A_840 : vector<1x16xf32> to vector<16xf32>
            %swap3A_842 = vector.shape_cast %broadcast_in_dim3A_12 : vector<16xf32> to vector<1x16xf32>
            tpu.vector_store %arg7[%swap3A_838, %swap3A_839], %swap3A_842 {strides = array<i32>} : memref<512x64xf32, #tpu.memory_space<vmem>>, vector<1x16xf32>,
            %swap3A_843 = arith.index_cast %add3A_742 : i32 to index
            %swap3A_844 = arith.constant 32 : index
            %swap3A_845 = tpu.vector_load %arg7[%swap3A_843, %swap3A_844] {strides = array<i32>} : memref<512x64xf32, #tpu.memory_space<vmem>>, vector<1x16xf32>,
            %swap3A_846 = vector.shape_cast %swap3A_845 : vector<1x16xf32> to vector<16xf32>
            %swap3A_847 = vector.shape_cast %broadcast_in_dim3A_12 : vector<16xf32> to vector<1x16xf32>
            tpu.vector_store %arg7[%swap3A_843, %swap3A_844], %swap3A_847 {strides = array<i32>} : memref<512x64xf32, #tpu.memory_space<vmem>>, vector<1x16xf32>,
            %swap3A_848 = arith.index_cast %add3A_742 : i32 to index
            %swap3A_849 = arith.constant 48 : index
            %swap3A_850 = tpu.vector_load %arg7[%swap3A_848, %swap3A_849] {strides = array<i32>} : memref<512x64xf32, #tpu.memory_space<vmem>>, vector<1x16xf32>,
            %swap3A_851 = vector.shape_cast %swap3A_850 : vector<1x16xf32> to vector<16xf32>
            %swap3A_852 = vector.shape_cast %broadcast_in_dim3A_12 : vector<16xf32> to vector<1x16xf32>
            tpu.vector_store %arg7[%swap3A_848, %swap3A_849], %swap3A_852 {strides = array<i32>} : memref<512x64xf32, #tpu.memory_space<vmem>>, vector<1x16xf32>,
          } else {
          }
          %slice3A_746 = vector.extract_strided_slice %get3A_657 {offsets = [8], sizes = [1], strides = [1]} : vector<16xi32> to vector<1xi32>
          %squeeze3A_747 = vector.extract %slice3A_746[0] : i32 from vector<1xi32>
          %eq3A_748 = arith.constant 0 : i32
          %eq3A_749 = arith.cmpi eq, %squeeze3A_747, %eq3A_748 : i32
          %mul3A_750 = arith.constant 16 : i32
          %mul3A_751 = arith.muli %scan3A_649, %mul3A_750 : i32
          %add3A_752 = arith.constant 8 : i32
          %add3A_753 = arith.addi %mul3A_751, %add3A_752 : i32
          %convert_element_type3A_754 = arith.extui %eq3A_749 : i1 to i32
          %cond3A_755 = arith.constant 0 : i32
          %cond3A_756 = arith.cmpi ne, %convert_element_type3A_754, %cond3A_755 : i32
          scf.if %cond3A_756 {
            %swap3A = arith.index_cast %add3A_753 : i32 to index
            %swap3A_834 = arith.constant 0 : index
            %swap3A_835 = tpu.vector_load %arg7[%swap3A, %swap3A_834] {strides = array<i32>} : memref<512x64xf32, #tpu.memory_space<vmem>>, vector<1x16xf32>,
            %swap3A_836 = vector.shape_cast %swap3A_835 : vector<1x16xf32> to vector<16xf32>
            %swap3A_837 = vector.shape_cast %broadcast_in_dim3A_12 : vector<16xf32> to vector<1x16xf32>
            tpu.vector_store %arg7[%swap3A, %swap3A_834], %swap3A_837 {strides = array<i32>} : memref<512x64xf32, #tpu.memory_space<vmem>>, vector<1x16xf32>,
            %swap3A_838 = arith.index_cast %add3A_753 : i32 to index
            %swap3A_839 = arith.constant 16 : index
            %swap3A_840 = tpu.vector_load %arg7[%swap3A_838, %swap3A_839] {strides = array<i32>} : memref<512x64xf32, #tpu.memory_space<vmem>>, vector<1x16xf32>,
            %swap3A_841 = vector.shape_cast %swap3A_840 : vector<1x16xf32> to vector<16xf32>
            %swap3A_842 = vector.shape_cast %broadcast_in_dim3A_12 : vector<16xf32> to vector<1x16xf32>
            tpu.vector_store %arg7[%swap3A_838, %swap3A_839], %swap3A_842 {strides = array<i32>} : memref<512x64xf32, #tpu.memory_space<vmem>>, vector<1x16xf32>,
            %swap3A_843 = arith.index_cast %add3A_753 : i32 to index
            %swap3A_844 = arith.constant 32 : index
            %swap3A_845 = tpu.vector_load %arg7[%swap3A_843, %swap3A_844] {strides = array<i32>} : memref<512x64xf32, #tpu.memory_space<vmem>>, vector<1x16xf32>,
            %swap3A_846 = vector.shape_cast %swap3A_845 : vector<1x16xf32> to vector<16xf32>
            %swap3A_847 = vector.shape_cast %broadcast_in_dim3A_12 : vector<16xf32> to vector<1x16xf32>
            tpu.vector_store %arg7[%swap3A_843, %swap3A_844], %swap3A_847 {strides = array<i32>} : memref<512x64xf32, #tpu.memory_space<vmem>>, vector<1x16xf32>,
            %swap3A_848 = arith.index_cast %add3A_753 : i32 to index
            %swap3A_849 = arith.constant 48 : index
            %swap3A_850 = tpu.vector_load %arg7[%swap3A_848, %swap3A_849] {strides = array<i32>} : memref<512x64xf32, #tpu.memory_space<vmem>>, vector<1x16xf32>,
            %swap3A_851 = vector.shape_cast %swap3A_850 : vector<1x16xf32> to vector<16xf32>
            %swap3A_852 = vector.shape_cast %broadcast_in_dim3A_12 : vector<16xf32> to vector<1x16xf32>
            tpu.vector_store %arg7[%swap3A_848, %swap3A_849], %swap3A_852 {strides = array<i32>} : memref<512x64xf32, #tpu.memory_space<vmem>>, vector<1x16xf32>,
          } else {
          }
          %slice3A_757 = vector.extract_strided_slice %get3A_657 {offsets = [9], sizes = [1], strides = [1]} : vector<16xi32> to vector<1xi32>
          %squeeze3A_758 = vector.extract %slice3A_757[0] : i32 from vector<1xi32>
          %eq3A_759 = arith.constant 0 : i32
          %eq3A_760 = arith.cmpi eq, %squeeze3A_758, %eq3A_759 : i32
          %mul3A_761 = arith.constant 16 : i32
          %mul3A_762 = arith.muli %scan3A_649, %mul3A_761 : i32
          %add3A_763 = arith.constant 9 : i32
          %add3A_764 = arith.addi %mul3A_762, %add3A_763 : i32
          %convert_element_type3A_765 = arith.extui %eq3A_760 : i1 to i32
          %cond3A_766 = arith.constant 0 : i32
          %cond3A_767 = arith.cmpi ne, %convert_element_type3A_765, %cond3A_766 : i32
          scf.if %cond3A_767 {
            %swap3A = arith.index_cast %add3A_764 : i32 to index
            %swap3A_834 = arith.constant 0 : index
            %swap3A_835 = tpu.vector_load %arg7[%swap3A, %swap3A_834] {strides = array<i32>} : memref<512x64xf32, #tpu.memory_space<vmem>>, vector<1x16xf32>,
            %swap3A_836 = vector.shape_cast %swap3A_835 : vector<1x16xf32> to vector<16xf32>
            %swap3A_837 = vector.shape_cast %broadcast_in_dim3A_12 : vector<16xf32> to vector<1x16xf32>
            tpu.vector_store %arg7[%swap3A, %swap3A_834], %swap3A_837 {strides = array<i32>} : memref<512x64xf32, #tpu.memory_space<vmem>>, vector<1x16xf32>,
            %swap3A_838 = arith.index_cast %add3A_764 : i32 to index
            %swap3A_839 = arith.constant 16 : index
            %swap3A_840 = tpu.vector_load %arg7[%swap3A_838, %swap3A_839] {strides = array<i32>} : memref<512x64xf32, #tpu.memory_space<vmem>>, vector<1x16xf32>,
            %swap3A_841 = vector.shape_cast %swap3A_840 : vector<1x16xf32> to vector<16xf32>
            %swap3A_842 = vector.shape_cast %broadcast_in_dim3A_12 : vector<16xf32> to vector<1x16xf32>
            tpu.vector_store %arg7[%swap3A_838, %swap3A_839], %swap3A_842 {strides = array<i32>} : memref<512x64xf32, #tpu.memory_space<vmem>>, vector<1x16xf32>,
            %swap3A_843 = arith.index_cast %add3A_764 : i32 to index
            %swap3A_844 = arith.constant 32 : index
            %swap3A_845 = tpu.vector_load %arg7[%swap3A_843, %swap3A_844] {strides = array<i32>} : memref<512x64xf32, #tpu.memory_space<vmem>>, vector<1x16xf32>,
            %swap3A_846 = vector.shape_cast %swap3A_845 : vector<1x16xf32> to vector<16xf32>
            %swap3A_847 = vector.shape_cast %broadcast_in_dim3A_12 : vector<16xf32> to vector<1x16xf32>
            tpu.vector_store %arg7[%swap3A_843, %swap3A_844], %swap3A_847 {strides = array<i32>} : memref<512x64xf32, #tpu.memory_space<vmem>>, vector<1x16xf32>,
            %swap3A_848 = arith.index_cast %add3A_764 : i32 to index
            %swap3A_849 = arith.constant 48 : index
            %swap3A_850 = tpu.vector_load %arg7[%swap3A_848, %swap3A_849] {strides = array<i32>} : memref<512x64xf32, #tpu.memory_space<vmem>>, vector<1x16xf32>,
            %swap3A_851 = vector.shape_cast %swap3A_850 : vector<1x16xf32> to vector<16xf32>
            %swap3A_852 = vector.shape_cast %broadcast_in_dim3A_12 : vector<16xf32> to vector<1x16xf32>
            tpu.vector_store %arg7[%swap3A_848, %swap3A_849], %swap3A_852 {strides = array<i32>} : memref<512x64xf32, #tpu.memory_space<vmem>>, vector<1x16xf32>,
          } else {
          }
          %slice3A_768 = vector.extract_strided_slice %get3A_657 {offsets = [10], sizes = [1], strides = [1]} : vector<16xi32> to vector<1xi32>
          %squeeze3A_769 = vector.extract %slice3A_768[0] : i32 from vector<1xi32>
          %eq3A_770 = arith.constant 0 : i32
          %eq3A_771 = arith.cmpi eq, %squeeze3A_769, %eq3A_770 : i32
          %mul3A_772 = arith.constant 16 : i32
          %mul3A_773 = arith.muli %scan3A_649, %mul3A_772 : i32
          %add3A_774 = arith.constant 10 : i32
          %add3A_775 = arith.addi %mul3A_773, %add3A_774 : i32
          %convert_element_type3A_776 = arith.extui %eq3A_771 : i1 to i32
          %cond3A_777 = arith.constant 0 : i32
          %cond3A_778 = arith.cmpi ne, %convert_element_type3A_776, %cond3A_777 : i32
          scf.if %cond3A_778 {
            %swap3A = arith.index_cast %add3A_775 : i32 to index
            %swap3A_834 = arith.constant 0 : index
            %swap3A_835 = tpu.vector_load %arg7[%swap3A, %swap3A_834] {strides = array<i32>} : memref<512x64xf32, #tpu.memory_space<vmem>>, vector<1x16xf32>,
            %swap3A_836 = vector.shape_cast %swap3A_835 : vector<1x16xf32> to vector<16xf32>
            %swap3A_837 = vector.shape_cast %broadcast_in_dim3A_12 : vector<16xf32> to vector<1x16xf32>
            tpu.vector_store %arg7[%swap3A, %swap3A_834], %swap3A_837 {strides = array<i32>} : memref<512x64xf32, #tpu.memory_space<vmem>>, vector<1x16xf32>,
            %swap3A_838 = arith.index_cast %add3A_775 : i32 to index
            %swap3A_839 = arith.constant 16 : index
            %swap3A_840 = tpu.vector_load %arg7[%swap3A_838, %swap3A_839] {strides = array<i32>} : memref<512x64xf32, #tpu.memory_space<vmem>>, vector<1x16xf32>,
            %swap3A_841 = vector.shape_cast %swap3A_840 : vector<1x16xf32> to vector<16xf32>
            %swap3A_842 = vector.shape_cast %broadcast_in_dim3A_12 : vector<16xf32> to vector<1x16xf32>
            tpu.vector_store %arg7[%swap3A_838, %swap3A_839], %swap3A_842 {strides = array<i32>} : memref<512x64xf32, #tpu.memory_space<vmem>>, vector<1x16xf32>,
            %swap3A_843 = arith.index_cast %add3A_775 : i32 to index
            %swap3A_844 = arith.constant 32 : index
            %swap3A_845 = tpu.vector_load %arg7[%swap3A_843, %swap3A_844] {strides = array<i32>} : memref<512x64xf32, #tpu.memory_space<vmem>>, vector<1x16xf32>,
            %swap3A_846 = vector.shape_cast %swap3A_845 : vector<1x16xf32> to vector<16xf32>
            %swap3A_847 = vector.shape_cast %broadcast_in_dim3A_12 : vector<16xf32> to vector<1x16xf32>
            tpu.vector_store %arg7[%swap3A_843, %swap3A_844], %swap3A_847 {strides = array<i32>} : memref<512x64xf32, #tpu.memory_space<vmem>>, vector<1x16xf32>,
            %swap3A_848 = arith.index_cast %add3A_775 : i32 to index
            %swap3A_849 = arith.constant 48 : index
            %swap3A_850 = tpu.vector_load %arg7[%swap3A_848, %swap3A_849] {strides = array<i32>} : memref<512x64xf32, #tpu.memory_space<vmem>>, vector<1x16xf32>,
            %swap3A_851 = vector.shape_cast %swap3A_850 : vector<1x16xf32> to vector<16xf32>
            %swap3A_852 = vector.shape_cast %broadcast_in_dim3A_12 : vector<16xf32> to vector<1x16xf32>
            tpu.vector_store %arg7[%swap3A_848, %swap3A_849], %swap3A_852 {strides = array<i32>} : memref<512x64xf32, #tpu.memory_space<vmem>>, vector<1x16xf32>,
          } else {
          }
          %slice3A_779 = vector.extract_strided_slice %get3A_657 {offsets = [11], sizes = [1], strides = [1]} : vector<16xi32> to vector<1xi32>
          %squeeze3A_780 = vector.extract %slice3A_779[0] : i32 from vector<1xi32>
          %eq3A_781 = arith.constant 0 : i32
          %eq3A_782 = arith.cmpi eq, %squeeze3A_780, %eq3A_781 : i32
          %mul3A_783 = arith.constant 16 : i32
          %mul3A_784 = arith.muli %scan3A_649, %mul3A_783 : i32
          %add3A_785 = arith.constant 11 : i32
          %add3A_786 = arith.addi %mul3A_784, %add3A_785 : i32
          %convert_element_type3A_787 = arith.extui %eq3A_782 : i1 to i32
          %cond3A_788 = arith.constant 0 : i32
          %cond3A_789 = arith.cmpi ne, %convert_element_type3A_787, %cond3A_788 : i32
          scf.if %cond3A_789 {
            %swap3A = arith.index_cast %add3A_786 : i32 to index
            %swap3A_834 = arith.constant 0 : index
            %swap3A_835 = tpu.vector_load %arg7[%swap3A, %swap3A_834] {strides = array<i32>} : memref<512x64xf32, #tpu.memory_space<vmem>>, vector<1x16xf32>,
            %swap3A_836 = vector.shape_cast %swap3A_835 : vector<1x16xf32> to vector<16xf32>
            %swap3A_837 = vector.shape_cast %broadcast_in_dim3A_12 : vector<16xf32> to vector<1x16xf32>
            tpu.vector_store %arg7[%swap3A, %swap3A_834], %swap3A_837 {strides = array<i32>} : memref<512x64xf32, #tpu.memory_space<vmem>>, vector<1x16xf32>,
            %swap3A_838 = arith.index_cast %add3A_786 : i32 to index
            %swap3A_839 = arith.constant 16 : index
            %swap3A_840 = tpu.vector_load %arg7[%swap3A_838, %swap3A_839] {strides = array<i32>} : memref<512x64xf32, #tpu.memory_space<vmem>>, vector<1x16xf32>,
            %swap3A_841 = vector.shape_cast %swap3A_840 : vector<1x16xf32> to vector<16xf32>
            %swap3A_842 = vector.shape_cast %broadcast_in_dim3A_12 : vector<16xf32> to vector<1x16xf32>
            tpu.vector_store %arg7[%swap3A_838, %swap3A_839], %swap3A_842 {strides = array<i32>} : memref<512x64xf32, #tpu.memory_space<vmem>>, vector<1x16xf32>,
            %swap3A_843 = arith.index_cast %add3A_786 : i32 to index
            %swap3A_844 = arith.constant 32 : index
            %swap3A_845 = tpu.vector_load %arg7[%swap3A_843, %swap3A_844] {strides = array<i32>} : memref<512x64xf32, #tpu.memory_space<vmem>>, vector<1x16xf32>,
            %swap3A_846 = vector.shape_cast %swap3A_845 : vector<1x16xf32> to vector<16xf32>
            %swap3A_847 = vector.shape_cast %broadcast_in_dim3A_12 : vector<16xf32> to vector<1x16xf32>
            tpu.vector_store %arg7[%swap3A_843, %swap3A_844], %swap3A_847 {strides = array<i32>} : memref<512x64xf32, #tpu.memory_space<vmem>>, vector<1x16xf32>,
            %swap3A_848 = arith.index_cast %add3A_786 : i32 to index
            %swap3A_849 = arith.constant 48 : index
            %swap3A_850 = tpu.vector_load %arg7[%swap3A_848, %swap3A_849] {strides = array<i32>} : memref<512x64xf32, #tpu.memory_space<vmem>>, vector<1x16xf32>,
            %swap3A_851 = vector.shape_cast %swap3A_850 : vector<1x16xf32> to vector<16xf32>
            %swap3A_852 = vector.shape_cast %broadcast_in_dim3A_12 : vector<16xf32> to vector<1x16xf32>
            tpu.vector_store %arg7[%swap3A_848, %swap3A_849], %swap3A_852 {strides = array<i32>} : memref<512x64xf32, #tpu.memory_space<vmem>>, vector<1x16xf32>,
          } else {
          }
          %slice3A_790 = vector.extract_strided_slice %get3A_657 {offsets = [12], sizes = [1], strides = [1]} : vector<16xi32> to vector<1xi32>
          %squeeze3A_791 = vector.extract %slice3A_790[0] : i32 from vector<1xi32>
          %eq3A_792 = arith.constant 0 : i32
          %eq3A_793 = arith.cmpi eq, %squeeze3A_791, %eq3A_792 : i32
          %mul3A_794 = arith.constant 16 : i32
          %mul3A_795 = arith.muli %scan3A_649, %mul3A_794 : i32
          %add3A_796 = arith.constant 12 : i32
          %add3A_797 = arith.addi %mul3A_795, %add3A_796 : i32
          %convert_element_type3A_798 = arith.extui %eq3A_793 : i1 to i32
          %cond3A_799 = arith.constant 0 : i32
          %cond3A_800 = arith.cmpi ne, %convert_element_type3A_798, %cond3A_799 : i32
          scf.if %cond3A_800 {
            %swap3A = arith.index_cast %add3A_797 : i32 to index
            %swap3A_834 = arith.constant 0 : index
            %swap3A_835 = tpu.vector_load %arg7[%swap3A, %swap3A_834] {strides = array<i32>} : memref<512x64xf32, #tpu.memory_space<vmem>>, vector<1x16xf32>,
            %swap3A_836 = vector.shape_cast %swap3A_835 : vector<1x16xf32> to vector<16xf32>
            %swap3A_837 = vector.shape_cast %broadcast_in_dim3A_12 : vector<16xf32> to vector<1x16xf32>
            tpu.vector_store %arg7[%swap3A, %swap3A_834], %swap3A_837 {strides = array<i32>} : memref<512x64xf32, #tpu.memory_space<vmem>>, vector<1x16xf32>,
            %swap3A_838 = arith.index_cast %add3A_797 : i32 to index
            %swap3A_839 = arith.constant 16 : index
            %swap3A_840 = tpu.vector_load %arg7[%swap3A_838, %swap3A_839] {strides = array<i32>} : memref<512x64xf32, #tpu.memory_space<vmem>>, vector<1x16xf32>,
            %swap3A_841 = vector.shape_cast %swap3A_840 : vector<1x16xf32> to vector<16xf32>
            %swap3A_842 = vector.shape_cast %broadcast_in_dim3A_12 : vector<16xf32> to vector<1x16xf32>
            tpu.vector_store %arg7[%swap3A_838, %swap3A_839], %swap3A_842 {strides = array<i32>} : memref<512x64xf32, #tpu.memory_space<vmem>>, vector<1x16xf32>,
            %swap3A_843 = arith.index_cast %add3A_797 : i32 to index
            %swap3A_844 = arith.constant 32 : index
            %swap3A_845 = tpu.vector_load %arg7[%swap3A_843, %swap3A_844] {strides = array<i32>} : memref<512x64xf32, #tpu.memory_space<vmem>>, vector<1x16xf32>,
            %swap3A_846 = vector.shape_cast %swap3A_845 : vector<1x16xf32> to vector<16xf32>
            %swap3A_847 = vector.shape_cast %broadcast_in_dim3A_12 : vector<16xf32> to vector<1x16xf32>
            tpu.vector_store %arg7[%swap3A_843, %swap3A_844], %swap3A_847 {strides = array<i32>} : memref<512x64xf32, #tpu.memory_space<vmem>>, vector<1x16xf32>,
            %swap3A_848 = arith.index_cast %add3A_797 : i32 to index
            %swap3A_849 = arith.constant 48 : index
            %swap3A_850 = tpu.vector_load %arg7[%swap3A_848, %swap3A_849] {strides = array<i32>} : memref<512x64xf32, #tpu.memory_space<vmem>>, vector<1x16xf32>,
            %swap3A_851 = vector.shape_cast %swap3A_850 : vector<1x16xf32> to vector<16xf32>
            %swap3A_852 = vector.shape_cast %broadcast_in_dim3A_12 : vector<16xf32> to vector<1x16xf32>
            tpu.vector_store %arg7[%swap3A_848, %swap3A_849], %swap3A_852 {strides = array<i32>} : memref<512x64xf32, #tpu.memory_space<vmem>>, vector<1x16xf32>,
          } else {
          }
          %slice3A_801 = vector.extract_strided_slice %get3A_657 {offsets = [13], sizes = [1], strides = [1]} : vector<16xi32> to vector<1xi32>
          %squeeze3A_802 = vector.extract %slice3A_801[0] : i32 from vector<1xi32>
          %eq3A_803 = arith.constant 0 : i32
          %eq3A_804 = arith.cmpi eq, %squeeze3A_802, %eq3A_803 : i32
          %mul3A_805 = arith.constant 16 : i32
          %mul3A_806 = arith.muli %scan3A_649, %mul3A_805 : i32
          %add3A_807 = arith.constant 13 : i32
          %add3A_808 = arith.addi %mul3A_806, %add3A_807 : i32
          %convert_element_type3A_809 = arith.extui %eq3A_804 : i1 to i32
          %cond3A_810 = arith.constant 0 : i32
          %cond3A_811 = arith.cmpi ne, %convert_element_type3A_809, %cond3A_810 : i32
          scf.if %cond3A_811 {
            %swap3A = arith.index_cast %add3A_808 : i32 to index
            %swap3A_834 = arith.constant 0 : index
            %swap3A_835 = tpu.vector_load %arg7[%swap3A, %swap3A_834] {strides = array<i32>} : memref<512x64xf32, #tpu.memory_space<vmem>>, vector<1x16xf32>,
            %swap3A_836 = vector.shape_cast %swap3A_835 : vector<1x16xf32> to vector<16xf32>
            %swap3A_837 = vector.shape_cast %broadcast_in_dim3A_12 : vector<16xf32> to vector<1x16xf32>
            tpu.vector_store %arg7[%swap3A, %swap3A_834], %swap3A_837 {strides = array<i32>} : memref<512x64xf32, #tpu.memory_space<vmem>>, vector<1x16xf32>,
            %swap3A_838 = arith.index_cast %add3A_808 : i32 to index
            %swap3A_839 = arith.constant 16 : index
            %swap3A_840 = tpu.vector_load %arg7[%swap3A_838, %swap3A_839] {strides = array<i32>} : memref<512x64xf32, #tpu.memory_space<vmem>>, vector<1x16xf32>,
            %swap3A_841 = vector.shape_cast %swap3A_840 : vector<1x16xf32> to vector<16xf32>
            %swap3A_842 = vector.shape_cast %broadcast_in_dim3A_12 : vector<16xf32> to vector<1x16xf32>
            tpu.vector_store %arg7[%swap3A_838, %swap3A_839], %swap3A_842 {strides = array<i32>} : memref<512x64xf32, #tpu.memory_space<vmem>>, vector<1x16xf32>,
            %swap3A_843 = arith.index_cast %add3A_808 : i32 to index
            %swap3A_844 = arith.constant 32 : index
            %swap3A_845 = tpu.vector_load %arg7[%swap3A_843, %swap3A_844] {strides = array<i32>} : memref<512x64xf32, #tpu.memory_space<vmem>>, vector<1x16xf32>,
            %swap3A_846 = vector.shape_cast %swap3A_845 : vector<1x16xf32> to vector<16xf32>
            %swap3A_847 = vector.shape_cast %broadcast_in_dim3A_12 : vector<16xf32> to vector<1x16xf32>
            tpu.vector_store %arg7[%swap3A_843, %swap3A_844], %swap3A_847 {strides = array<i32>} : memref<512x64xf32, #tpu.memory_space<vmem>>, vector<1x16xf32>,
            %swap3A_848 = arith.index_cast %add3A_808 : i32 to index
            %swap3A_849 = arith.constant 48 : index
            %swap3A_850 = tpu.vector_load %arg7[%swap3A_848, %swap3A_849] {strides = array<i32>} : memref<512x64xf32, #tpu.memory_space<vmem>>, vector<1x16xf32>,
            %swap3A_851 = vector.shape_cast %swap3A_850 : vector<1x16xf32> to vector<16xf32>
            %swap3A_852 = vector.shape_cast %broadcast_in_dim3A_12 : vector<16xf32> to vector<1x16xf32>
            tpu.vector_store %arg7[%swap3A_848, %swap3A_849], %swap3A_852 {strides = array<i32>} : memref<512x64xf32, #tpu.memory_space<vmem>>, vector<1x16xf32>,
          } else {
          }
          %slice3A_812 = vector.extract_strided_slice %get3A_657 {offsets = [14], sizes = [1], strides = [1]} : vector<16xi32> to vector<1xi32>
          %squeeze3A_813 = vector.extract %slice3A_812[0] : i32 from vector<1xi32>
          %eq3A_814 = arith.constant 0 : i32
          %eq3A_815 = arith.cmpi eq, %squeeze3A_813, %eq3A_814 : i32
          %mul3A_816 = arith.constant 16 : i32
          %mul3A_817 = arith.muli %scan3A_649, %mul3A_816 : i32
          %add3A_818 = arith.constant 14 : i32
          %add3A_819 = arith.addi %mul3A_817, %add3A_818 : i32
          %convert_element_type3A_820 = arith.extui %eq3A_815 : i1 to i32
          %cond3A_821 = arith.constant 0 : i32
          %cond3A_822 = arith.cmpi ne, %convert_element_type3A_820, %cond3A_821 : i32
          scf.if %cond3A_822 {
            %swap3A = arith.index_cast %add3A_819 : i32 to index
            %swap3A_834 = arith.constant 0 : index
            %swap3A_835 = tpu.vector_load %arg7[%swap3A, %swap3A_834] {strides = array<i32>} : memref<512x64xf32, #tpu.memory_space<vmem>>, vector<1x16xf32>,
            %swap3A_836 = vector.shape_cast %swap3A_835 : vector<1x16xf32> to vector<16xf32>
            %swap3A_837 = vector.shape_cast %broadcast_in_dim3A_12 : vector<16xf32> to vector<1x16xf32>
            tpu.vector_store %arg7[%swap3A, %swap3A_834], %swap3A_837 {strides = array<i32>} : memref<512x64xf32, #tpu.memory_space<vmem>>, vector<1x16xf32>,
            %swap3A_838 = arith.index_cast %add3A_819 : i32 to index
            %swap3A_839 = arith.constant 16 : index
            %swap3A_840 = tpu.vector_load %arg7[%swap3A_838, %swap3A_839] {strides = array<i32>} : memref<512x64xf32, #tpu.memory_space<vmem>>, vector<1x16xf32>,
            %swap3A_841 = vector.shape_cast %swap3A_840 : vector<1x16xf32> to vector<16xf32>
            %swap3A_842 = vector.shape_cast %broadcast_in_dim3A_12 : vector<16xf32> to vector<1x16xf32>
            tpu.vector_store %arg7[%swap3A_838, %swap3A_839], %swap3A_842 {strides = array<i32>} : memref<512x64xf32, #tpu.memory_space<vmem>>, vector<1x16xf32>,
            %swap3A_843 = arith.index_cast %add3A_819 : i32 to index
            %swap3A_844 = arith.constant 32 : index
            %swap3A_845 = tpu.vector_load %arg7[%swap3A_843, %swap3A_844] {strides = array<i32>} : memref<512x64xf32, #tpu.memory_space<vmem>>, vector<1x16xf32>,
            %swap3A_846 = vector.shape_cast %swap3A_845 : vector<1x16xf32> to vector<16xf32>
            %swap3A_847 = vector.shape_cast %broadcast_in_dim3A_12 : vector<16xf32> to vector<1x16xf32>
            tpu.vector_store %arg7[%swap3A_843, %swap3A_844], %swap3A_847 {strides = array<i32>} : memref<512x64xf32, #tpu.memory_space<vmem>>, vector<1x16xf32>,
            %swap3A_848 = arith.index_cast %add3A_819 : i32 to index
            %swap3A_849 = arith.constant 48 : index
            %swap3A_850 = tpu.vector_load %arg7[%swap3A_848, %swap3A_849] {strides = array<i32>} : memref<512x64xf32, #tpu.memory_space<vmem>>, vector<1x16xf32>,
            %swap3A_851 = vector.shape_cast %swap3A_850 : vector<1x16xf32> to vector<16xf32>
            %swap3A_852 = vector.shape_cast %broadcast_in_dim3A_12 : vector<16xf32> to vector<1x16xf32>
            tpu.vector_store %arg7[%swap3A_848, %swap3A_849], %swap3A_852 {strides = array<i32>} : memref<512x64xf32, #tpu.memory_space<vmem>>, vector<1x16xf32>,
          } else {
          }
          %slice3A_823 = vector.extract_strided_slice %get3A_657 {offsets = [15], sizes = [1], strides = [1]} : vector<16xi32> to vector<1xi32>
          %squeeze3A_824 = vector.extract %slice3A_823[0] : i32 from vector<1xi32>
          %eq3A_825 = arith.constant 0 : i32
          %eq3A_826 = arith.cmpi eq, %squeeze3A_824, %eq3A_825 : i32
          %mul3A_827 = arith.constant 16 : i32
          %mul3A_828 = arith.muli %scan3A_649, %mul3A_827 : i32
          %add3A_829 = arith.constant 15 : i32
          %add3A_830 = arith.addi %mul3A_828, %add3A_829 : i32
          %convert_element_type3A_831 = arith.extui %eq3A_826 : i1 to i32
          %cond3A_832 = arith.constant 0 : i32
          %cond3A_833 = arith.cmpi ne, %convert_element_type3A_831, %cond3A_832 : i32
          scf.if %cond3A_833 {
            %swap3A = arith.index_cast %add3A_830 : i32 to index
            %swap3A_834 = arith.constant 0 : index
            %swap3A_835 = tpu.vector_load %arg7[%swap3A, %swap3A_834] {strides = array<i32>} : memref<512x64xf32, #tpu.memory_space<vmem>>, vector<1x16xf32>,
            %swap3A_836 = vector.shape_cast %swap3A_835 : vector<1x16xf32> to vector<16xf32>
            %swap3A_837 = vector.shape_cast %broadcast_in_dim3A_12 : vector<16xf32> to vector<1x16xf32>
            tpu.vector_store %arg7[%swap3A, %swap3A_834], %swap3A_837 {strides = array<i32>} : memref<512x64xf32, #tpu.memory_space<vmem>>, vector<1x16xf32>,
            %swap3A_838 = arith.index_cast %add3A_830 : i32 to index
            %swap3A_839 = arith.constant 16 : index
            %swap3A_840 = tpu.vector_load %arg7[%swap3A_838, %swap3A_839] {strides = array<i32>} : memref<512x64xf32, #tpu.memory_space<vmem>>, vector<1x16xf32>,
            %swap3A_841 = vector.shape_cast %swap3A_840 : vector<1x16xf32> to vector<16xf32>
            %swap3A_842 = vector.shape_cast %broadcast_in_dim3A_12 : vector<16xf32> to vector<1x16xf32>
            tpu.vector_store %arg7[%swap3A_838, %swap3A_839], %swap3A_842 {strides = array<i32>} : memref<512x64xf32, #tpu.memory_space<vmem>>, vector<1x16xf32>,
            %swap3A_843 = arith.index_cast %add3A_830 : i32 to index
            %swap3A_844 = arith.constant 32 : index
            %swap3A_845 = tpu.vector_load %arg7[%swap3A_843, %swap3A_844] {strides = array<i32>} : memref<512x64xf32, #tpu.memory_space<vmem>>, vector<1x16xf32>,
            %swap3A_846 = vector.shape_cast %swap3A_845 : vector<1x16xf32> to vector<16xf32>
            %swap3A_847 = vector.shape_cast %broadcast_in_dim3A_12 : vector<16xf32> to vector<1x16xf32>
            tpu.vector_store %arg7[%swap3A_843, %swap3A_844], %swap3A_847 {strides = array<i32>} : memref<512x64xf32, #tpu.memory_space<vmem>>, vector<1x16xf32>,
            %swap3A_848 = arith.index_cast %add3A_830 : i32 to index
            %swap3A_849 = arith.constant 48 : index
            %swap3A_850 = tpu.vector_load %arg7[%swap3A_848, %swap3A_849] {strides = array<i32>} : memref<512x64xf32, #tpu.memory_space<vmem>>, vector<1x16xf32>,
            %swap3A_851 = vector.shape_cast %swap3A_850 : vector<1x16xf32> to vector<16xf32>
            %swap3A_852 = vector.shape_cast %broadcast_in_dim3A_12 : vector<16xf32> to vector<1x16xf32>
            tpu.vector_store %arg7[%swap3A_848, %swap3A_849], %swap3A_852 {strides = array<i32>} : memref<512x64xf32, #tpu.memory_space<vmem>>, vector<1x16xf32>,
          } else {
          }
        }
        %scan3A_648 = arith.constant 32 : i32
      } else {
      }
      %mul3A_631 = arith.constant 512 : i32
      %mul3A_632 = arith.muli %add3A_334, %mul3A_631 : i32
      %add3A_633 = arith.addi %mul3A_2, %mul3A_632 : i32
      %dma_start3A_634 = arith.constant 0 : i32
      %dma_start3A_635 = tpu.memref_slice %arg4[%add3A_633, %dma_start3A_634] : memref<819200x64xf32, #tpu.memory_space<hbm>> -> memref<512x64xf32, #tpu.memory_space<hbm>>
      %dma_start3A_636 = arith.constant 0 : i32
      %dma_start3A_637 = tpu.memref_slice %arg4[%add3A_633, %dma_start3A_636] : memref<819200x64xf32, #tpu.memory_space<hbm>> -> memref<512x64xf32, #tpu.memory_space<hbm>>
      tpu.enqueue_dma source(%arg7 : memref<512x64xf32, #tpu.memory_space<vmem>>) target(%dma_start3A_637 : memref<512x64xf32, #tpu.memory_space<hbm>>) target_semaphore(%arg11 : memref<!tpu.dma_semaphore, #tpu.memory_space<semaphore_mem>>)
      %lt3A_638 = arith.constant 48 : i32
      %lt3A_639 = arith.cmpi slt, %add3A_334, %lt3A_638 : i32
      %convert_element_type3A_640 = arith.extui %lt3A_639 : i1 to i32
      %cond3A_641 = arith.constant 0 : i32
      %cond3A_642 = arith.cmpi ne, %convert_element_type3A_640, %cond3A_641 : i32
      scf.if %cond3A_642 {
        %mul3A_643 = arith.constant 512 : i32
        %mul3A_644 = arith.muli %add3A_334, %mul3A_643 : i32
        %add3A_645 = arith.addi %mul3A_2, %mul3A_644 : i32
        %dma_wait3A_646 = arith.constant 0 : i32
        %dma_wait3A_647 = tpu.memref_slice %arg4[%add3A_645, %dma_wait3A_646] : memref<819200x64xf32, #tpu.memory_space<hbm>> -> memref<512x64xf32, #tpu.memory_space<hbm>>
        %dma_wait3A_648 = arith.constant 0 : i32
        %dma_wait3A_649 = tpu.memref_slice %arg4[%add3A_645, %dma_wait3A_648] : memref<819200x64xf32, #tpu.memory_space<hbm>> -> memref<512x64xf32, #tpu.memory_space<hbm>>
        tpu.wait_dma2 semaphore(%arg11 : memref<!tpu.dma_semaphore, #tpu.memory_space<semaphore_mem>>) src(%arg7 : memref<512x64xf32, #tpu.memory_space<vmem>>) dst(%dma_wait3A_649 : memref<512x64xf32, #tpu.memory_space<hbm>>)
        %add3A_650 = arith.constant 2 : i32
        %add3A_651 = arith.addi %add3A_334, %add3A_650 : i32
        %mul3A_652 = arith.constant 512 : i32
        %mul3A_653 = arith.muli %add3A_651, %mul3A_652 : i32
        %dma_start3A_654 = tpu.memref_slice %arg5[%mul3A_653] : memref<25600xi32, #tpu.memory_space<vmem>> -> memref<512xi32, #tpu.memory_space<vmem>>
        %dma_start3A_655 = arith.constant 0 : i32
        %dma_start3A_656 = arith.constant 0 : i32
        %dma_start3A_657 = tpu.memref_slice %arg3[%dma_start3A_655, %dma_start3A_656] : memref<1024000x64xf32, #tpu.memory_space<hbm>> -> memref<1024000x64xf32, #tpu.memory_space<hbm>>
        tpu.enqueue_indirect_dma source(%dma_start3A_657 : memref<1024000x64xf32, #tpu.memory_space<hbm>>) target(%arg7 : memref<512x64xf32, #tpu.memory_space<vmem>>) offsets(%dma_start3A_654 : memref<512xi32, #tpu.memory_space<vmem>>) semaphore(%arg9 : memref<!tpu.dma_semaphore, #tpu.memory_space<semaphore_mem>>)
      } else {
      }
    }
    %scan3A_17 = arith.constant 25 : i32
    %add3A_18 = arith.constant 24576 : i32
    %add3A_19 = arith.addi %mul3A_2, %add3A_18 : i32
    %dma_wait3A = arith.constant 0 : i32
    %dma_wait3A_20 = tpu.memref_slice %arg4[%add3A_19, %dma_wait3A] : memref<819200x64xf32, #tpu.memory_space<hbm>> -> memref<512x64xf32, #tpu.memory_space<hbm>>
    %dma_wait3A_21 = arith.constant 0 : i32
    %dma_wait3A_22 = tpu.memref_slice %arg4[%add3A_19, %dma_wait3A_21] : memref<819200x64xf32, #tpu.memory_space<hbm>> -> memref<512x64xf32, #tpu.memory_space<hbm>>
    tpu.wait_dma2 semaphore(%arg10 : memref<!tpu.dma_semaphore, #tpu.memory_space<semaphore_mem>>) src(%arg6 : memref<512x64xf32, #tpu.memory_space<vmem>>) dst(%dma_wait3A_22 : memref<512x64xf32, #tpu.memory_space<hbm>>)
    %add3A_23 = arith.constant 25088 : i32
    %add3A_24 = arith.addi %mul3A_2, %add3A_23 : i32
    %dma_wait3A_25 = arith.constant 0 : i32
    %dma_wait3A_26 = tpu.memref_slice %arg4[%add3A_24, %dma_wait3A_25] : memref<819200x64xf32, #tpu.memory_space<hbm>> -> memref<512x64xf32, #tpu.memory_space<hbm>>
    %dma_wait3A_27 = arith.constant 0 : i32
    %dma_wait3A_28 = tpu.memref_slice %arg4[%add3A_24, %dma_wait3A_27] : memref<819200x64xf32, #tpu.memory_space<hbm>> -> memref<512x64xf32, #tpu.memory_space<hbm>>
    tpu.wait_dma2 semaphore(%arg11 : memref<!tpu.dma_semaphore, #tpu.memory_space<semaphore_mem>>) src(%arg7 : memref<512x64xf32, #tpu.memory_space<vmem>>) dst(%dma_wait3A_28 : memref<512x64xf32, #tpu.memory_space<hbm>>)
    return
  }
}

module attributes {stable_mosaic.version = 14 : i64} {
  func.func @_tp_body(%arg0: i32, %arg1: memref<64x12800xf32, #tpu.memory_space<vmem>>, %arg2: memref<64x12800xf32, #tpu.memory_space<vmem>>, %arg3: memref<12800x128xf32, #tpu.memory_space<vmem>>) attributes {dimension_semantics = [#tpu.dimension_semantics<arbitrary>], iteration_bounds = array<i64: 40>, scalar_prefetch = 0 : i64, scratch_operands = 0 : i64, tpu.core_type = #tpu.core_type<tc>, window_params = [{transform_indices = @transform_0, window_bounds = array<i64: 64, 12800>}, {transform_indices = @transform_1, window_bounds = array<i64: 64, 12800>}, {transform_indices = @transform_2, window_bounds = array<i64: 12800, 128>}]} {
    %get3A = arith.constant 0 : index
    %get3A_0 = arith.constant 0 : index
    %get3A_1 = vector.load %arg1[%get3A, %get3A_0] : memref<64x12800xf32, #tpu.memory_space<vmem>>, vector<64x12800xf32>
    %transpose3A = tpu.transpose %get3A_1, [1, 0] : vector<64x12800xf32> -> vector<12800x64xf32>
    %swap3A = arith.constant 0 : index
    %swap3A_2 = arith.constant 0 : index
    %swap3A_3 = vector.load %arg3[%swap3A, %swap3A_2] : memref<12800x128xf32, #tpu.memory_space<vmem>>, vector<12800x64xf32>
    tpu.vector_store %arg3[%swap3A, %swap3A_2], %transpose3A {strides = array<i32>} : memref<12800x128xf32, #tpu.memory_space<vmem>>, vector<12800x64xf32>,
    %get3A_4 = arith.constant 0 : index
    %get3A_5 = arith.constant 0 : index
    %get3A_6 = vector.load %arg2[%get3A_4, %get3A_5] : memref<64x12800xf32, #tpu.memory_space<vmem>>, vector<64x12800xf32>
    %transpose3A_7 = tpu.transpose %get3A_6, [1, 0] : vector<64x12800xf32> -> vector<12800x64xf32>
    %swap3A_8 = arith.constant 0 : index
    %swap3A_9 = arith.constant 64 : index
    %swap3A_10 = vector.load %arg3[%swap3A_8, %swap3A_9] : memref<12800x128xf32, #tpu.memory_space<vmem>>, vector<12800x64xf32>
    tpu.vector_store %arg3[%swap3A_8, %swap3A_9], %transpose3A_7 {strides = array<i32>} : memref<12800x128xf32, #tpu.memory_space<vmem>>, vector<12800x64xf32>,
    return
  }
  func.func @transform_0(%arg0: i32) -> (i32, i32) {
    %mul3A = arith.constant 2 : i32
    %mul3A_0 = arith.muli %mul3A, %arg0 : i32
    %min3A = arith.constant 78 : i32
    %min3A_1 = arith.minsi %mul3A_0, %min3A : i32
    %c0_i32 = arith.constant 0 : i32
    %c0_i32_2 = arith.constant 0 : i32
    return %c0_i32, %min3A_1 : i32, i32
  }
  func.func @transform_1(%arg0: i32) -> (i32, i32) {
    %mul3A = arith.constant 2 : i32
    %mul3A_0 = arith.muli %mul3A, %arg0 : i32
    %add3A = arith.constant 1 : i32
    %add3A_1 = arith.addi %mul3A_0, %add3A : i32
    %min3A = arith.constant 78 : i32
    %min3A_2 = arith.minsi %add3A_1, %min3A : i32
    %c0_i32 = arith.constant 0 : i32
    %c0_i32_3 = arith.constant 0 : i32
    return %c0_i32, %min3A_2 : i32, i32
  }
  func.func @transform_2(%arg0: i32) -> (i32, i32) {
    %c0_i32 = arith.constant 0 : i32
    %c0_i32_0 = arith.constant 0 : i32
    return %arg0, %c0_i32 : i32, i32
  }
}

module attributes {stable_mosaic.version = 14 : i64} {
  func.func @_fmt_body(%arg0: i32, %arg1: memref<128x100x128xf32, #tpu.memory_space<vmem>>, %arg2: memref<200x8x1x8x128xf32, #tpu.memory_space<vmem>>) attributes {dimension_semantics = [#tpu.dimension_semantics<arbitrary>], iteration_bounds = array<i64: 32>, scalar_prefetch = 0 : i64, scratch_operands = 0 : i64, tpu.core_type = #tpu.core_type<tc>, window_params = [{transform_indices = @transform_0, window_bounds = array<i64: 128, 100, 128>}, {transform_indices = @transform_1, window_bounds = array<i64: 200, 8, 1, 8, 128>}]} {
    %get3A = arith.constant 0 : index
    %get3A_0 = arith.constant 0 : index
    %get3A_1 = arith.constant 0 : index
    %get3A_2 = vector.load %arg1[%get3A, %get3A_0, %get3A_1] : memref<128x100x128xf32, #tpu.memory_space<vmem>>, vector<128x100x128xf32>
    %transpose3A = tpu.transpose %get3A_2, [1, 2, 0] : vector<128x100x128xf32> -> vector<100x128x128xf32>
    %reshape3A = vector.shape_cast %transpose3A : vector<100x128x128xf32> to vector<200x8x1x8x128xf32>
    %swap3A = arith.constant 0 : index
    %swap3A_3 = arith.constant 0 : index
    %swap3A_4 = arith.constant 0 : index
    %swap3A_5 = arith.constant 0 : index
    %swap3A_6 = arith.constant 0 : index
    %swap3A_7 = vector.load %arg2[%swap3A, %swap3A_3, %swap3A_4, %swap3A_5, %swap3A_6] : memref<200x8x1x8x128xf32, #tpu.memory_space<vmem>>, vector<200x8x1x8x128xf32>
    tpu.vector_store %arg2[%swap3A, %swap3A_3, %swap3A_4, %swap3A_5, %swap3A_6], %reshape3A {strides = array<i32>} : memref<200x8x1x8x128xf32, #tpu.memory_space<vmem>>, vector<200x8x1x8x128xf32>,
    return
  }
  func.func @transform_0(%arg0: i32) -> (i32, i32, i32) {
    %c0_i32 = arith.constant 0 : i32
    %c0_i32_0 = arith.constant 0 : i32
    %c0_i32_1 = arith.constant 0 : i32
    return %arg0, %c0_i32, %c0_i32_0 : i32, i32, i32
  }
  func.func @transform_1(%arg0: i32) -> (i32, i32, i32, i32, i32) {
    %c0_i32 = arith.constant 0 : i32
    %c0_i32_0 = arith.constant 0 : i32
    %c0_i32_1 = arith.constant 0 : i32
    %c0_i32_2 = arith.constant 0 : i32
    %c0_i32_3 = arith.constant 0 : i32
    return %c0_i32, %c0_i32_0, %arg0, %c0_i32_1, %c0_i32_2 : i32, i32, i32, i32, i32
  }
}

</mosaic_0001>

<sc_bundles>
// kernel: kernel.5.cloned.1.call-start
scs
__scs_entry_jumppad:
0x0: {  	(pc) =	sbr.rel $0x88, $3  }
0x1: {  	(tag) =	ssettag $0x0;
	lr =	simm.s32 $0x1  }
0x2: {  	[smem:$0x3F9F] =	sst lr;
	_ =	strace $0xD0000000  }
0x3: {  	_ = 	snop  }
0x4: {  	_ = 	snop  }
0x5: {  	_ = 	snop  }
0x6: {  	_ = 	snop  }
0x7: {  	_ = 	snop  }
__scs_overlays_trampoline_lowered:
0x8: {  	[smem:$0x3FAE] =	sst s0  }
0x9: {  	[smem:$0x3FAF] =	sst s1  }
0xa: {  	[smem:$0x3FB0] =	sst s2  }
0xb: {  	[smem:$0x3FB1] =	sst s3  }
0xc: {  	[smem:$0x3FB2] =	sst s4  }
0xd: {  	[smem:$0x3FB3] =	sst s5  }
0xe: {  	[smem:$0x3FB4] =	sst s6  }
0xf: {  	[smem:$0x3FB5] =	sst s7  }
0x10: {  	[smem:$0x3FB6] =	sst s8  }
0x11: {  	[smem:$0x3FB7] =	sst s9;
	s0 =	simm.s32 @!p0 $0x0  }
0x12: {  	s1 =	sld [smem:$0x3F9D];
	s0 =	simm.s32 @p0 $0x1  }
0x13: {  	[smem:$0x3FB8] =	sst s0;
	s0 =	simm.s32 @!p1 $0x0  }
0x14: {  	s2 =	sld [smem:$0x3F9C];
	s0 =	simm.s32 @p1 $0x1  }
0x15: {  	[smem:$0x3FB9] =	sst s0;
	s0 =	simm.s32 @!p2 $0x0  }
0x16: {  	s3 =	sld [smem:$0x3FDB];
	s0 =	simm.s32 @p2 $0x1  }
0x17: {  	s4 =	simm.s32 $0x1BF5;
	[smem:$0x3FBB] =	sst s0  }
0x18: {  	s0 =	sld [smem:$0x3F9E];
	_ =	swait.ge [sflag:s4], $0x0  }
0x19: {  	s7 =	sld [smem:$0x3F9F]  }
0x1a: {  	s8 =	sadd.s32 $0xFFFFE003, lr  }
0x1b: {  	s9 =	sadd.s32 $0xFFFFFEF7, lr;
	s5 =	simm.s32 $0xFFFFFFFF;
	p2 =	slt.u32 s8, $0xFFFFF086  }
0x1c: {  	p1 =	slt.u32 s9, $0xF7A;
	s5 =	simm.s32 @!p2 $0x0  }
0x1d: {  	s5 =	simm.s32 @p1 $0x1;
	p0 =	seq.s32 s7, s2  }
0x1e: {  	s7 =	smul.u32 @!p0 $0xF7A, s2;
	p2 =	seq.s32 @!p0 s5, $0x0  }
0x1f: {  	s9 =	smul.u32 $0xF7A, s1;
	s8 =	simm.s32 @!p0 $0x1BF5;
	p2 =	por !p2, p0  }
0x20: {  	[sflag:s8] =	ssyncset.s32 @!p0 $0xFFFFF086;
	s6 =	sadd.s32 @!p0 s3, s7;
	s7 =	simm.s32 @!p0 $0x108  }
0x21: {  	s3 =	sadd.s32 s3, s9;
	s6 =	sadd.s32 @!p0 $0x88, s6;
	s7 =	simm.s32 @p2 $0x1082  }
0x22: {  	[simem:s7], [sflag:s8] =	dma.local @!p0 [hbm:s6], $0xF7A  }
0x23: {  	s9 =	sor.u32 $0xD0000000, s2;
	s6 =	simm.s32 $0x108;
	_ =	swait.ge @!p0 [sflag:s8], $0x0  }
0x24: {  	s3 =	sadd.s32 $0x88, s3;
	s6 =	simm.s32 @!p1 $0x1082;
	[sflag:s4] =	ssyncset.s32 $0xFFFFF086  }
0x25: {  	[simem:s6], [sflag:s4] =	dma.local [hbm:s3], $0xF7A  }
0x26: {  	[smem:$0x3F9F] =	sst s1;
	(tag) =	ssettag s2;
	_ =	strace s9  }
0x27: {  	s1 =	sld [smem:$0x3FAF]  }
0x28: {  	s2 =	sld [smem:$0x3FB0]  }
0x29: {  	s4 =	sld [smem:$0x3FB2]  }
0x2a: {  	p0 =	seq.s32 s5, $0x0;
	s5 =	sld [smem:$0x3FB3]  }
0x2b: {  	s6 =	sld [smem:$0x3FB4]  }
0x2c: {  	s7 =	sld [smem:$0x3FB5]  }
0x2d: {  	s3 =	simm.s32 $0x108;
	s8 =	sld [smem:$0x3FB6]  }
0x2e: {  	s3 =	simm.s32 @!p0 $0x1082;
	s9 =	sld [smem:$0x3FB7]  }
0x2f: {  	lr =	sadd.s32 s0, s3;
	s0 =	sld [smem:$0x3FAE]  }
0x30: {  	s3 =	sld [smem:$0x3FB1]  }
0x31: {  	[smem:$0x3FBA] =	sst s10  }
0x32: {  	s10 =	sld [smem:$0x3FB8];
	_ =	sdelay $0x3  }
0x33: {  	p0 =	seq.s32 s10, $0x1;
	s10 =	sld [smem:$0x3FBA];
	_ =	sdelay $0x3  }
0x34: {  	[smem:$0x3FBA] =	sst s10  }
0x35: {  	s10 =	sld [smem:$0x3FB9];
	_ =	sdelay $0x3  }
0x36: {  	p1 =	seq.s32 s10, $0x1;
	s10 =	sld [smem:$0x3FBA];
	_ =	sdelay $0x3  }
0x37: {  	[smem:$0x3FBA] =	sst s10  }
0x38: {  	s10 =	sld [smem:$0x3FBB]  }
0x39: {  	_ = 	snop;
	(pc) =	sbr.ind lr, $3  }
0x3a: {  	_ = 	snop  }
0x3b: {  	_ = 	snop  }
0x3c: {  	p2 =	seq.s32 s10, $0x1;
	s10 =	sld [smem:$0x3FBA]  }
0x3d: {  	_ =	shalt  }
0x3e: {  	_ =	shalt  }
0x3f: {  	_ =	shalt  }
0x40: {  	_ =	shalt  }
0x41: {  	_ =	shalt  }
0x42: {  	_ =	shalt  }
0x43: {  	_ =	shalt  }
0x44: {  	_ =	shalt  }
0x45: {  	_ =	shalt  }
0x46: {  	_ =	shalt  }
0x47: {  	_ =	shalt  }
0x48: {  	_ =	shalt  }
0x49: {  	_ =	shalt  }
0x4a: {  	_ =	shalt  }
0x4b: {  	_ =	shalt  }
0x4c: {  	_ =	shalt  }
0x4d: {  	_ =	shalt  }
0x4e: {  	_ =	shalt  }
0x4f: {  	_ =	shalt  }
0x50: {  	_ =	shalt  }
0x51: {  	_ =	shalt  }
0x52: {  	_ =	shalt  }
0x53: {  	_ =	shalt  }
0x54: {  	_ =	shalt  }
0x55: {  	_ =	shalt  }
0x56: {  	_ =	shalt  }
0x57: {  	_ =	shalt  }
0x58: {  	_ =	shalt  }
0x59: {  	_ =	shalt  }
0x5a: {  	_ =	shalt  }
0x5b: {  	_ =	shalt  }
0x5c: {  	_ =	shalt  }
0x5d: {  	_ =	shalt  }
0x5e: {  	_ =	shalt  }
0x5f: {  	_ =	shalt  }
0x60: {  	_ =	shalt  }
0x61: {  	_ =	shalt  }
0x62: {  	_ =	shalt  }
0x63: {  	_ =	shalt  }
0x64: {  	_ =	shalt  }
0x65: {  	_ =	shalt  }
0x66: {  	_ =	shalt  }
0x67: {  	_ =	shalt  }
0x68: {  	_ =	shalt  }
0x69: {  	_ =	shalt  }
0x6a: {  	_ =	shalt  }
0x6b: {  	_ =	shalt  }
0x6c: {  	_ =	shalt  }
0x6d: {  	_ =	shalt  }
0x6e: {  	_ =	shalt  }
0x6f: {  	_ =	shalt  }
0x70: {  	_ =	shalt  }
0x71: {  	_ =	shalt  }
0x72: {  	_ =	shalt  }
0x73: {  	_ =	shalt  }
0x74: {  	_ =	shalt  }
0x75: {  	_ =	shalt  }
0x76: {  	_ =	shalt  }
0x77: {  	_ =	shalt  }
0x78: {  	_ =	shalt  }
0x79: {  	_ =	shalt  }
0x7a: {  	_ =	shalt  }
0x7b: {  	_ =	shalt  }
0x7c: {  	_ =	shalt  }
0x7d: {  	_ =	shalt  }
0x7e: {  	_ =	shalt  }
0x7f: {  	_ =	shalt  }
0x80: {  	_ =	shalt  }
0x81: {  	_ =	shalt  }
0x82: {  	_ =	shalt  }
0x83: {  	_ =	shalt  }
0x84: {  	_ =	shalt  }
0x85: {  	_ =	shalt  }
0x86: {  	_ =	shalt  }
0x87: {  	_ =	shalt  }
.Lfunc_end0:
.L_simem_size_0:
called_computation_lowered:
.L_overlay_start_0:
0x88: {  	s2 =	sld [smem:$0x3FD9]  }
0x89: {  	s3 =	sld [smem:$0x3FFE];
	_ =	sdelay $0x1  }
0x8a: {  	s1 =	srdreg.scid  }
0x8b: {  	s0 =	sand.u32 $0x1, s1  }
0x8c: {  	s17 =	sshll.u32 s0, $0xA;
	s2 =	sadd.s32 s3, s2  }
0x8d: {  	s2 =	sadd.s32 s2, s17  }
0x8e: {  	[smem:$0x3FC6] =	sst s2  }
0x8f: {  	_ = 	snop  }
0x90: {  	s2 =	sld [smem:$0x3FD0];
	(tm) =	ssettm $0x1  }
0x91: {  	s18 =	sld [smem:$0x3FFB];
	_ =	sdelay $0x3  }
0x92: {  	_ =	strace s18  }
0x93: {  	s3 =	sld [smem:$0x3FFC];
	_ =	sdelay $0x3  }
0x94: {  	_ =	strace s3  }
0x95: {  	s3 =	sld [smem:$0x3FFD];
	_ =	sdelay $0x3  }
0x96: {  	_ =	strace s3  }
0x97: {  	_ =	strace $0x8FFFFFFF  }
0x98: {  	s19 =	sld [smem:$0x3FDB];
	_ =	sdelay $0x1  }
0x99: {  	s4 =	simm.s32 $_scs_section_size  }
0x9a: {  	s5 =	simm.s32 $_size__tile_overlayer_lowered;
	s6 =	simm.s32 $_tile_overlayer_lowered  }
0x9b: {  	s22 =	simm.s32 $0x1BFF;
	s21 =	sshll.u32 s6, $0x1;
	s3 =	sadd.s32 s4, s19  }
0x9c: {  	s7 =	simm.s32 $0x0;
	s20 =	sshll.u32 s5, $0x1;
	s5 =	sadd.s32 s21, s3  }
0x9d: {  	[timem:s7], [sflag:s22] =	dma.local [hbm:s5], s20  }
0x9e: {  	_ =	swait.ge [sflag:s22], s20  }
0x9f: {  	s4 =	ssub.s32 $0x0, s20;
	[sflag:s22] =	ssyncset.done $0x0  }
0xa0: {  	[sflag:s22] =	ssyncadd.s32 s4;
	_ =	sdelay $0x1  }
0xa1: {  	s23 =	simm.s32 $0x1B8B  }
0xa2: {  	_ =	swait.ge [sflag:s23], $0x1  }
0xa3: {  	[sflag:s23] =	ssyncset.done $0x0  }
0xa4: {  	s25 =	simm.s32 $0x1B8E;
	s24 =	sld [smem:$0x3FFE];
	[sflag:s23] =	ssyncadd.s32 $0xFFFFFFFF  }
0xa5: {  	s26 =	simm.s32 $execute0_lowered;
	[smem:$0x3FD2] =	sst s25  }
0xa6: {  	s5 =	sshll.u32 s26, $0x1;
	_ =	strace $0x80000046;
	[dreg:$0x1] =	wrdreg $0xFFFFFFFF  }
0xa7: {  	s28 =	simm.s32 $_size_execute0_lowered;
	s3 =	sadd.s32 s3, s5;
	[dreg:$0x0] =	wrdreg $0x0  }
0xa8: {  	s5 =	sshll.u32 s28, $0x1;
	[dreg:$0x2] =	wrdreg s3  }
0xa9: {  	[dreg:$0x3] =	wrdreg s5  }
0xaa: {  	[dreg:$0x4] =	wrdreg $0xC0  }
0xab: {  	_ =	task [dreg:s7], $0x5FFFF  }
0xac: {  	[dreg:$0x1] =	wrdreg $0xFFFFFFFF  }
0xad: {  	[dreg:$0x0] =	wrdreg $0x60  }
0xae: {  	[dreg:$0x2] =	wrdreg s24  }
0xaf: {  	[dreg:$0x3] =	wrdreg s2  }
0xb0: {  	[dreg:$0x4] =	wrdreg $0x9  }
0xb1: {  	_ =	task.clear_ibuf [dreg:s7], $0x5FFFF;
	_ =	strace $0x90000046  }
0xb2: {  	s29 =	simm.s32 $0x9;
	_ =	strace $0x80000048  }
0xb3: {  	_ =	swait.ge [sflag:s29], $0x1  }
0xb4: {  	[sflag:s29] =	ssyncadd.s32 $0xFFFFFFFF  }
0xb5: {  	_ =	strace $0x90000048  }
0xb6: {  	_ =	sfence  }
0xb7: {  	s30 =	sld [smem:$0x0];
	_ =	sdelay $0x2  }
0xb8: {  	s31 =	sshll.u32 s1, $0xD;
	s1 =	sshrl.u32 s1, $0x2  }
0xb9: {  	s3 =	sand.u32 $0x4000, s31;
	s1 =	sadd.s32 s1, s30  }
0xba: {  	s0 =	sor.u32 s3, s0;
	s1 =	sshll.u32 s1, $0x11  }
0xbb: {  	s0 =	sor.u32 s1, s0  }
0xbc: {  	s0 =	sadd.s32 $0x8F2B, s0  }
0xbd: {  	[sflag:s0] =	ssyncadd.remote.s32 $0x1  }
0xbe: {  	_ =	sfence.sel $0xFFFF  }
0xbf: {  	[dreg:$0x0] =	wrdreg $0xFFFFFFFF;
	(pc) =	sbr.abs _section_cstart, $3  }
0xc0: {  	[dreg:$0x1] =	wrdreg $0xFFFFFFFF  }
0xc1: {  	_ =	task.clear_ibuf [dreg:s7], $0x2FFFF;
	_ =	strace $0x9FFFFFFF  }
0xc2: {  	(tm) =	ssettm $0x7FFFFFFF  }
0xc3: {  	_ =	shalt  }
tec
execute0_lowered:
.L_overlay_start_1:
0x0: {  	(tag) =	ssettag $0x1  }
0x1: {  	v0 =	vimm.s32 $0xFEDCBA98;
	s1 =	srdreg.scid;
	v1 =	vimm.s32 $0x76543210  }
0x2: {  	s0 =	stileid.u32;
	s5 =	rddreg [dreg:$0x0];
	v2 =	vimm.s32 $0xBA98FEDC;
	v3 =	vimm.s32 $0x32107654;
	v4 =	vimm.s32 $0xDCFE98BA  }
0x3: {  	s2 =	rddreg [dreg:$0x1];
	s3 =	simm.s32 $0x0;
	v5 =	vimm.s32 $0x54761032;
	v6 =	vimm.s32 $0xEFCDAB89;
	s9 =	simm.s32 $0x6400  }
0x4: {  	v7 =	vimm.s32 $0x67452301;
	s10 =	simm.s32 $0xE400;
	v0 =	vunpack.c.l.s4.s8 v0;
	s4 =	sand.u32 $0x1, s1;
	s31 =	sshll.u32 s0, $0x1;
	v1 =	vunpack.c.l.s4.s8 v1  }
0x5: {  	s11 =	simm.s32 $0x1;
	s12 =	simm.s32 $0x2;
	v2 =	vunpack.c.l.s4.s8 v2;
	v3 =	vunpack.c.l.s4.s8 v3;
	v4 =	vunpack.c.l.s4.s8 v4;
	s1 =	sor.u32 s4, s31  }
0x6: {  	s13 =	simm.s32 $0x3;
	s14 =	simm.s32 $0x4;
	v5 =	vunpack.c.l.s4.s8 v5;
	v6 =	vunpack.c.l.s4.s8 v6;
	v7 =	vunpack.c.l.s4.s8 v7;
	s1 =	smul.u32 $0x6400, s1  }
.Ltmp0:
0x7: {  	s15 =	simm.s32 $0x200;
	[smem:$0x7FF] =	sst s3;
	v0 =	vunpack.c.0.s8.s32 v0;
	v1 =	vunpack.c.0.s8.s32 v1;
	v2 =	vunpack.c.0.s8.s32 v2;
	(pc) =	sbr.rel .LBB2_1-.Ltmp0, $4  }
0x8: {  	s16 =	simm.s32 $0x0;
	s6 =	ssub.s32 $0x2, s4;
	s4 =	rddreg [dreg:$0x2];
	v3 =	vunpack.c.0.s8.s32 v3;
	v4 =	vunpack.c.0.s8.s32 v4;
	v5 =	vunpack.c.0.s8.s32 v5  }
0x9: {  	_ =	strace $0x80000047;
	s8 =	sshrl.u32 s6, $0x1;
	v6 =	vunpack.c.0.s8.s32 v6;
	v7 =	vunpack.c.0.s8.s32 v7;
	v0 =	vand.u32 $0xF, v0;
	s7 =	sshrl.u32 s1, $0x3  }
0xa: {  	s8 =	ssub.s32 s6, s8;
	s7 =	sadd.s32 s7, s5;
	s5 =	sadd.s32 $0x19400, s5;
	v0 =	vcombine.low v0, v1;
	v1 =	vcombine.low v3, v2  }
0xb: {  	v2 =	vcombine.low v5, v4;
	v3 =	vcombine.low v7, v6;
	s6 =	sadd.s32 $0x400, s7;
	s7 =	smax.u32 s8, $0x1;
	s8 =	simm.s32 $0x5  }
.LBB2_12:
0xc: {  	s16 =	sadd.s32 $0x1, s16  }
0xd: {  	_ =	swait.ge [sflag:s13], $0x8000;
	p0 =	sne.s32 s16, s7  }
.Ltmp1:
0xe: {  	[sflag:s13] =	ssyncset.done $0x0;
	(pc) =	sbr.rel @!p0 .LBB2_13-.Ltmp1, $4  }
0xf: {  	[sflag:s13] =	ssyncadd.s32 $0xFFFF8000  }
0x10: {  	_ =	swait.ge [sflag:s14], $0x8000  }
0x11: {  	[sflag:s14] =	ssyncset.done $0x0  }
0x12: {  	[sflag:s14] =	ssyncadd.s32 $0xFFFF8000  }
.LBB2_1:
0x13: {  	[tilespmem:s3], [sflag:$0x5] =	stream.linear.gather [hbm4b:s6+s3], $0x6400, $0x38;
	[tilespmem:$0x16400] =	vst v63  }
0x14: {  	_ =	swait.ge [sflag:s8], $0x6400  }
0x15: {  	[sflag:s8] =	ssyncset.done $0x0  }
0x16: {  	[sflag:s8] =	ssyncadd.s32 $0xFFFF9C00  }
0x17: {  	[tilespmem:s9], [sflag:$0x1] =	stream.indirect.gather [hbm4b:s5+s15], $0x40, s3, s15, $0xb8;
	[tilespmem:$0x16400] =	vst v63  }
0x18: {  	s17 =	simm.s32 $0x200;
	s18 =	simm.s32 $0x0;
	s19 =	simm.s32 $0x0  }
0x19: {  	[tilespmem:s10], [sflag:$0x2] =	stream.indirect.gather [hbm4b:s5+s15], $0x40, s15, s15, $0xb8;
	[tilespmem:$0x16400] =	vst v63  }
.LBB2_2:
0x1a: {  	_ =	swait.ge [sflag:s11], $0x8000  }
0x1b: {  	[sflag:s11] =	ssyncset.done $0x0  }
0x1c: {  	s20 =	sshll.u32 s19, $0xA;
	[sflag:s11] =	ssyncadd.s32 $0xFFFF8000  }
0x1d: {  	v4 =	vld [tilespmem:s20+$0x0]  }
0x1e: {  	v5 =	vld [tilespmem:s20+$0x10];
	_ =	sdelay $0x1  }
0x1f: {  	v6 =	vld [tilespmem:s20+$0x20];
	_ =	sdelay $0x1  }
0x20: {  	v7 =	vld [tilespmem:s20+$0x30]  }
0x21: {  	vm0 =	vlt.s32 v4, v5  }
0x22: {  	v8 =	vld [tilespmem:s20+$0x40];
	v4 =	vsel vm0, v4, v5  }
0x23: {  	vm0 =	vlt.s32 v4, v6  }
0x24: {  	v5 =	vld [tilespmem:s20+$0x50];
	v4 =	vsel vm0, v4, v6  }
0x25: {  	vm0 =	vlt.s32 v4, v7  }
0x26: {  	v44 =	vld [tilespmem:s20+$0x60];
	v4 =	vsel vm0, v4, v7  }
0x27: {  	vm0 =	vlt.s32 v4, v8  }
0x28: {  	v45 =	vld [tilespmem:s20+$0x70];
	v4 =	vsel vm0, v4, v8  }
0x29: {  	vm0 =	vlt.s32 v4, v5  }
0x2a: {  	v46 =	vld [tilespmem:s20+$0x80];
	v4 =	vsel vm0, v4, v5  }
0x2b: {  	vm0 =	vlt.s32 v4, v44  }
0x2c: {  	v5 =	vld [tilespmem:s20+$0x90];
	v4 =	vsel vm0, v4, v44  }
0x2d: {  	vm0 =	vlt.s32 v4, v45  }
0x2e: {  	v47 =	vld [tilespmem:s20+$0xA0];
	v4 =	vsel vm0, v4, v45  }
0x2f: {  	vm0 =	vlt.s32 v4, v46  }
0x30: {  	v48 =	vld [tilespmem:s20+$0xB0];
	v4 =	vsel vm0, v4, v46  }
0x31: {  	vm0 =	vlt.s32 v4, v5  }
0x32: {  	v49 =	vld [tilespmem:s20+$0xC0];
	v4 =	vsel vm0, v4, v5  }
0x33: {  	vm0 =	vlt.s32 v4, v47  }
0x34: {  	v5 =	vld [tilespmem:s20+$0xD0];
	v4 =	vsel vm0, v4, v47  }
0x35: {  	vm0 =	vlt.s32 v4, v48  }
0x36: {  	v50 =	vld [tilespmem:s20+$0xE0];
	v4 =	vsel vm0, v4, v48  }
0x37: {  	vm0 =	vlt.s32 v4, v49  }
0x38: {  	v51 =	vld [tilespmem:s20+$0xF0];
	v4 =	vsel vm0, v4, v49  }
0x39: {  	vm0 =	vlt.s32 v4, v5  }
0x3a: {  	v52 =	vld [tilespmem:s20+$0x100];
	v4 =	vsel vm0, v4, v5  }
0x3b: {  	vm0 =	vlt.s32 v4, v50  }
0x3c: {  	v5 =	vld [tilespmem:s20+$0x110];
	v4 =	vsel vm0, v4, v50  }
0x3d: {  	vm0 =	vlt.s32 v4, v51  }
0x3e: {  	v53 =	vld [tilespmem:s20+$0x120];
	v4 =	vsel vm0, v4, v51  }
0x3f: {  	vm0 =	vlt.s32 v4, v52  }
0x40: {  	v54 =	vld [tilespmem:s20+$0x130];
	v4 =	vsel vm0, v4, v52  }
0x41: {  	vm0 =	vlt.s32 v4, v5  }
0x42: {  	v55 =	vld [tilespmem:s20+$0x140];
	v4 =	vsel vm0, v4, v5  }
0x43: {  	vm0 =	vlt.s32 v4, v53  }
0x44: {  	v5 =	vld [tilespmem:s20+$0x150];
	v4 =	vsel vm0, v4, v53  }
0x45: {  	vm0 =	vlt.s32 v4, v54  }
0x46: {  	v56 =	vld [tilespmem:s20+$0x160];
	v4 =	vsel vm0, v4, v54  }
0x47: {  	vm0 =	vlt.s32 v4, v55  }
0x48: {  	v57 =	vld [tilespmem:s20+$0x170];
	v4 =	vsel vm0, v4, v55  }
0x49: {  	vm0 =	vlt.s32 v4, v5  }
0x4a: {  	v58 =	vld [tilespmem:s20+$0x180];
	v4 =	vsel vm0, v4, v5  }
0x4b: {  	vm0 =	vlt.s32 v4, v56  }
0x4c: {  	v5 =	vld [tilespmem:s20+$0x190];
	v4 =	vsel vm0, v4, v56  }
0x4d: {  	vm0 =	vlt.s32 v4, v57  }
0x4e: {  	v59 =	vld [tilespmem:s20+$0x1A0];
	v4 =	vsel vm0, v4, v57  }
0x4f: {  	vm0 =	vlt.s32 v4, v58  }
0x50: {  	v60 =	vld [tilespmem:s20+$0x1B0];
	v4 =	vsel vm0, v4, v58  }
0x51: {  	vm0 =	vlt.s32 v4, v5  }
0x52: {  	v61 =	vld [tilespmem:s20+$0x1C0];
	v4 =	vsel vm0, v4, v5  }
0x53: {  	vm0 =	vlt.s32 v4, v59  }
0x54: {  	v5 =	vld [tilespmem:s20+$0x1D0];
	v4 =	vsel vm0, v4, v59  }
0x55: {  	vm0 =	vlt.s32 v4, v60  }
0x56: {  	v62 =	vld [tilespmem:s20+$0x1E0];
	v4 =	vsel vm0, v4, v60  }
0x57: {  	vm0 =	vlt.s32 v4, v61  }
0x58: {  	v63 =	vld [tilespmem:s20+$0x1F0];
	v4 =	vsel vm0, v4, v61  }
0x59: {  	vm0 =	vlt.s32 v4, v5  }
0x5a: {  	v4 =	vsel vm0, v4, v5  }
0x5b: {  	vm0 =	vlt.s32 v4, v62  }
0x5c: {  	v4 =	vsel vm0, v4, v62  }
0x5d: {  	vm0 =	vlt.s32 v4, v63  }
0x5e: {  	v4 =	vsel vm0, v4, v63  }
0x5f: {  	v5 =	vperm.xlane v4, v0;
	_ =	sdelay $0x1  }
0x60: {  	vm0 =	vlt.s32 v4, v5  }
0x61: {  	v4 =	vsel vm0, v4, v5  }
0x62: {  	v5 =	vperm.xlane v4, v1;
	_ =	sdelay $0x1  }
0x63: {  	vm0 =	vlt.s32 v4, v5  }
0x64: {  	v4 =	vsel vm0, v4, v5  }
0x65: {  	v5 =	vperm.xlane v4, v2;
	_ =	sdelay $0x1  }
0x66: {  	vm0 =	vlt.s32 v4, v5  }
0x67: {  	v4 =	vsel vm0, v4, v5  }
0x68: {  	v5 =	vperm.xlane v4, v3;
	_ =	sdelay $0x1  }
0x69: {  	vm0 =	vlt.s32 v4, v5  }
0x6a: {  	v4 =	vsel vm0, v4, v5  }
0x6b: {  	(v2sf) =	vpush v4, $0x0;
	_ =	sdelay $0xe  }
0x6c: {  	s21 =	spop (v2sf)  }
0x6d: {  	p0 =	sne.s32 s21, $0x0  }
.Ltmp2:
0x6e: {  	_ = 	snop;
	(pc) =	sbr.rel @p0 .LBB2_6-.Ltmp2, $1  }
0x6f: {  	_ =	sdelay $0x3  }
0x70: {  	v4 =	vmov s18;
	_ =	sdelay $0x3  }
0x71: {  	s21 =	simm.s32 $0x0  }
0x72: {  	v5 =	vld.idx.msk [tilespmem:v4+s21+$0x0 ss:$0x1], $0xffff;
	_ =	sdelay $0x4  }
0x73: {  	(v2sf) =	vpush v5, $0x0;
	_ =	sdelay $0x3  }
0x74: {  	(v2sf) =	vpush v5, $0x1;
	_ =	sdelay $0x3  }
0x75: {  	(v2sf) =	vpush v5, $0x2;
	_ =	sdelay $0x3  }
0x76: {  	(v2sf) =	vpush v5, $0x3;
	_ =	sdelay $0x2  }
0x77: {  	s24 =	spop (v2sf)  }
0x78: {  	(v2sf) =	vpush v5, $0x4;
	p0 =	sne.s32 s24, $0x0  }
0x79: {  	s21 =	simm.s32 $0x6600;
	v6 =	vimm.f32 @!p0 $0.0e+00  }
0x7a: {  	[tilespmem:s21+$0xFFFFFE00] =	vst @!p0 v6  }
0x7b: {  	s22 =	spop (v2sf);
	[tilespmem:s21+$0xFFFFFE10] =	vst @!p0 v6  }
0x7c: {  	(v2sf) =	vpush v5, $0x5;
	p1 =	sne.s32 s22, $0x0;
	[tilespmem:s21+$0xFFFFFE20] =	vst @!p0 v6  }
0x7d: {  	v7 =	vimm.f32 @!p1 $0.0e+00;
	[tilespmem:s21+$0xFFFFFE30] =	vst @!p0 v6  }
0x7e: {  	[tilespmem:s21+$0xFFFFFE40] =	vst @!p1 v7  }
0x7f: {  	s25 =	spop (v2sf);
	[tilespmem:s21+$0xFFFFFE50] =	vst @!p1 v7  }
0x80: {  	(v2sf) =	vpush v5, $0x6;
	p0 =	sne.s32 s25, $0x0;
	[tilespmem:s21+$0xFFFFFE60] =	vst @!p1 v7  }
0x81: {  	v6 =	vimm.f32 @!p0 $0.0e+00;
	[tilespmem:s21+$0xFFFFFE70] =	vst @!p1 v7  }
0x82: {  	[tilespmem:s21+$0xFFFFFE80] =	vst @!p0 v6  }
0x83: {  	s26 =	spop (v2sf);
	[tilespmem:s21+$0xFFFFFE90] =	vst @!p0 v6  }
0x84: {  	(v2sf) =	vpush v5, $0x7;
	p1 =	sne.s32 s26, $0x0;
	[tilespmem:s21+$0xFFFFFEA0] =	vst @!p0 v6  }
0x85: {  	v7 =	vimm.f32 @!p1 $0.0e+00;
	[tilespmem:s21+$0xFFFFFEB0] =	vst @!p0 v6  }
0x86: {  	[tilespmem:s21+$0xFFFFFEC0] =	vst @!p1 v7  }
0x87: {  	[tilespmem:s21+$0xFFFFFED0] =	vst @!p1 v7;
	s28 =	spop (v2sf)  }
0x88: {  	[tilespmem:s21+$0xFFFFFEE0] =	vst @!p1 v7;
	(v2sf) =	vpush v5, $0x8;
	p0 =	sne.s32 s28, $0x0  }
0x89: {  	[tilespmem:s21+$0xFFFFFEF0] =	vst @!p1 v7;
	v6 =	vimm.f32 @!p0 $0.0e+00  }
0x8a: {  	[tilespmem:s21+$0xFFFFFF00] =	vst @!p0 v6  }
0x8b: {  	s29 =	spop (v2sf);
	[tilespmem:s21+$0xFFFFFF10] =	vst @!p0 v6  }
0x8c: {  	(v2sf) =	vpush v5, $0x9;
	p1 =	sne.s32 s29, $0x0;
	[tilespmem:s21+$0xFFFFFF20] =	vst @!p0 v6  }
0x8d: {  	v7 =	vimm.f32 @!p1 $0.0e+00;
	[tilespmem:s21+$0xFFFFFF30] =	vst @!p0 v6  }
0x8e: {  	[tilespmem:s21+$0xFFFFFF40] =	vst @!p1 v7  }
0x8f: {  	s30 =	spop (v2sf);
	[tilespmem:s21+$0xFFFFFF50] =	vst @!p1 v7  }
0x90: {  	(v2sf) =	vpush v5, $0xA;
	p0 =	sne.s32 s30, $0x0;
	[tilespmem:s21+$0xFFFFFF60] =	vst @!p1 v7  }
0x91: {  	v6 =	vimm.f32 @!p0 $0.0e+00;
	[tilespmem:s21+$0xFFFFFF70] =	vst @!p1 v7  }
0x92: {  	[tilespmem:s21+$0xFFFFFF80] =	vst @!p0 v6  }
0x93: {  	s31 =	spop (v2sf);
	[tilespmem:s21+$0xFFFFFF90] =	vst @!p0 v6  }
0x94: {  	(v2sf) =	vpush v5, $0xB;
	p1 =	sne.s32 s31, $0x0;
	[tilespmem:s21+$0xFFFFFFA0] =	vst @!p0 v6  }
0x95: {  	v7 =	vimm.f32 @!p1 $0.0e+00;
	[tilespmem:s21+$0xFFFFFFB0] =	vst @!p0 v6  }
0x96: {  	[tilespmem:s21+$0xFFFFFFC0] =	vst @!p1 v7  }
0x97: {  	[tilespmem:s21+$0xFFFFFFD0] =	vst @!p1 v7;
	s23 =	spop (v2sf)  }
0x98: {  	[tilespmem:s21+$0xFFFFFFE0] =	vst @!p1 v7;
	(v2sf) =	vpush v5, $0xC;
	p0 =	sne.s32 s23, $0x0  }
0x99: {  	[tilespmem:s21+$0xFFFFFFF0] =	vst @!p1 v7;
	v6 =	vimm.f32 @!p0 $0.0e+00  }
0x9a: {  	[tilespmem:s21+$0x0] =	vst @!p0 v6  }
0x9b: {  	s24 =	spop (v2sf);
	[tilespmem:s21+$0x10] =	vst @!p0 v6  }
0x9c: {  	(v2sf) =	vpush v5, $0xD;
	p1 =	sne.s32 s24, $0x0;
	[tilespmem:s21+$0x20] =	vst @!p0 v6  }
0x9d: {  	v7 =	vimm.f32 @!p1 $0.0e+00;
	[tilespmem:s21+$0x30] =	vst @!p0 v6  }
0x9e: {  	[tilespmem:s21+$0x40] =	vst @!p1 v7  }
0x9f: {  	s25 =	spop (v2sf);
	[tilespmem:s21+$0x50] =	vst @!p1 v7  }
0xa0: {  	(v2sf) =	vpush v5, $0xE;
	p0 =	sne.s32 s25, $0x0;
	[tilespmem:s21+$0x60] =	vst @!p1 v7  }
0xa1: {  	v6 =	vimm.f32 @!p0 $0.0e+00;
	[tilespmem:s21+$0x70] =	vst @!p1 v7  }
0xa2: {  	[tilespmem:s21+$0x80] =	vst @!p0 v6  }
0xa3: {  	s26 =	spop (v2sf);
	[tilespmem:s21+$0x90] =	vst @!p0 v6  }
0xa4: {  	(v2sf) =	vpush v5, $0xF;
	p1 =	sne.s32 s26, $0x0;
	[tilespmem:s21+$0xA0] =	vst @!p0 v6  }
0xa5: {  	v5 =	vimm.f32 @!p1 $0.0e+00;
	[tilespmem:s21+$0xB0] =	vst @!p0 v6  }
0xa6: {  	[tilespmem:s21+$0xC0] =	vst @!p1 v5  }
0xa7: {  	[tilespmem:s21+$0xD0] =	vst @!p1 v5;
	s28 =	spop (v2sf)  }
0xa8: {  	[tilespmem:s21+$0xE0] =	vst @!p1 v5;
	p0 =	sne.s32 s28, $0x0  }
0xa9: {  	[tilespmem:s21+$0xF0] =	vst @!p1 v5;
	v6 =	vimm.f32 @!p0 $0.0e+00  }
0xaa: {  	[tilespmem:s21+$0x100] =	vst @!p0 v6  }
0xab: {  	s29 =	spop (v2sf);
	[tilespmem:s21+$0x110] =	vst @!p0 v6  }
0xac: {  	p1 =	sne.s32 s29, $0x0;
	[tilespmem:s21+$0x120] =	vst @!p0 v6  }
0xad: {  	v5 =	vimm.f32 @!p1 $0.0e+00;
	[tilespmem:s21+$0x130] =	vst @!p0 v6  }
0xae: {  	[tilespmem:s21+$0x140] =	vst @!p1 v5  }
0xaf: {  	s30 =	spop (v2sf);
	[tilespmem:s21+$0x150] =	vst @!p1 v5  }
0xb0: {  	p0 =	sne.s32 s30, $0x0;
	[tilespmem:s21+$0x160] =	vst @!p1 v5  }
0xb1: {  	v6 =	vimm.f32 @!p0 $0.0e+00;
	[tilespmem:s21+$0x170] =	vst @!p1 v5  }
0xb2: {  	[tilespmem:s21+$0x180] =	vst @!p0 v6  }
0xb3: {  	s31 =	spop (v2sf);
	[tilespmem:s21+$0x190] =	vst @!p0 v6  }
0xb4: {  	p3 =	sne.s32 s31, $0x0;
	[tilespmem:s21+$0x1A0] =	vst @!p0 v6  }
0xb5: {  	[tilespmem:s21+$0x1B0] =	vst @!p0 v6;
	v5 =	vimm.f32 @!p3 $0.0e+00  }
0xb6: {  	[tilespmem:s21+$0x1C0] =	vst @!p3 v5  }
0xb7: {  	[tilespmem:s21+$0x1D0] =	vst @!p3 v5  }
0xb8: {  	s22 =	simm.s32 $0x40;
	[tilespmem:s21+$0x1E0] =	vst @!p3 v5  }
.LBB2_4:
0xb9: {  	s23 =	sshra.s32 s22, $0x2;
	[tilespmem:s21+$0x1F0] =	vst @!p3 v5  }
0xba: {  	v5 =	vld.idx.msk [tilespmem:v4+s23+$0x0 ss:$0x1], $0xffff;
	_ =	sdelay $0x4  }
0xbb: {  	(v2sf) =	vpush v5, $0x0;
	_ =	sdelay $0x2  }
0xbc: {  	(v2sf) =	vpush v5, $0x1  }
0xbd: {  	(v2sf) =	vpush v5, $0x2  }
0xbe: {  	(v2sf) =	vpush v5, $0x3  }
0xbf: {  	(v2sf) =	vpush v5, $0x4  }
0xc0: {  	(v2sf) =	vpush v5, $0x5  }
0xc1: {  	(v2sf) =	vpush v5, $0x6  }
0xc2: {  	(v2sf) =	vpush v5, $0x7  }
0xc3: {  	(v2sf) =	vpush v5, $0x8  }
0xc4: {  	(v2sf) =	vpush v5, $0x9  }
0xc5: {  	(v2sf) =	vpush v5, $0xA  }
0xc6: {  	(v2sf) =	vpush v5, $0xB  }
0xc7: {  	(v2sf) =	vpush v5, $0xC  }
0xc8: {  	(v2sf) =	vpush v5, $0xD;
	s30 =	spop (v2sf)  }
0xc9: {  	(v2sf) =	vpush v5, $0xE;
	p1 =	sne.s32 s30, $0x0  }
0xca: {  	s21 =	sadd.s32 $0x400, s21;
	(v2sf) =	vpush v5, $0xF;
	v5 =	vimm.f32 @!p1 $0.0e+00  }
0xcb: {  	[tilespmem:s21+$0xFFFFFE00] =	vst @!p1 v5  }
0xcc: {  	s31 =	spop (v2sf);
	[tilespmem:s21+$0xFFFFFE10] =	vst @!p1 v5  }
0xcd: {  	p2 =	sne.s32 s31, $0x0;
	[tilespmem:s21+$0xFFFFFE20] =	vst @!p1 v5  }
0xce: {  	v6 =	vimm.f32 @!p2 $0.0e+00;
	[tilespmem:s21+$0xFFFFFE30] =	vst @!p1 v5  }
0xcf: {  	[tilespmem:s21+$0xFFFFFE40] =	vst @!p2 v6  }
0xd0: {  	s24 =	spop (v2sf);
	[tilespmem:s21+$0xFFFFFE50] =	vst @!p2 v6  }
0xd1: {  	p3 =	sne.s32 s24, $0x0;
	[tilespmem:s21+$0xFFFFFE60] =	vst @!p2 v6  }
0xd2: {  	v7 =	vimm.f32 @!p3 $0.0e+00;
	[tilespmem:s21+$0xFFFFFE70] =	vst @!p2 v6  }
0xd3: {  	[tilespmem:s21+$0xFFFFFE80] =	vst @!p3 v7  }
0xd4: {  	s25 =	spop (v2sf);
	[tilespmem:s21+$0xFFFFFE90] =	vst @!p3 v7  }
0xd5: {  	p6 =	sne.s32 s25, $0x0;
	[tilespmem:s21+$0xFFFFFEA0] =	vst @!p3 v7  }
0xd6: {  	v8 =	vimm.f32 @!p6 $0.0e+00;
	[tilespmem:s21+$0xFFFFFEB0] =	vst @!p3 v7  }
0xd7: {  	[tilespmem:s21+$0xFFFFFEC0] =	vst @!p6 v8  }
0xd8: {  	s26 =	spop (v2sf);
	[tilespmem:s21+$0xFFFFFED0] =	vst @!p6 v8  }
0xd9: {  	p5 =	sne.s32 s26, $0x0;
	[tilespmem:s21+$0xFFFFFEE0] =	vst @!p6 v8  }
0xda: {  	v9 =	vimm.f32 @!p5 $0.0e+00;
	[tilespmem:s21+$0xFFFFFEF0] =	vst @!p6 v8  }
0xdb: {  	[tilespmem:s21+$0xFFFFFF00] =	vst @!p5 v9  }
0xdc: {  	s28 =	spop (v2sf);
	[tilespmem:s21+$0xFFFFFF10] =	vst @!p5 v9  }
0xdd: {  	p4 =	sne.s32 s28, $0x0;
	[tilespmem:s21+$0xFFFFFF20] =	vst @!p5 v9  }
0xde: {  	v10 =	vimm.f32 @!p4 $0.0e+00;
	[tilespmem:s21+$0xFFFFFF30] =	vst @!p5 v9  }
0xdf: {  	[tilespmem:s21+$0xFFFFFF40] =	vst @!p4 v10  }
0xe0: {  	s22 =	sadd.s32 $0x40, s22;
	s29 =	spop (v2sf);
	[tilespmem:s21+$0xFFFFFF50] =	vst @!p4 v10  }
0xe1: {  	p0 =	sne.s32 s22, $0x800;
	p1 =	sne.s32 s29, $0x0;
	[tilespmem:s21+$0xFFFFFF60] =	vst @!p4 v10  }
0xe2: {  	s23 =	simm.s32 @!p0 $0x0;
	s30 =	spop (v2sf);
	v11 =	vimm.f32 @!p1 $0.0e+00;
	[tilespmem:s21+$0xFFFFFF70] =	vst @!p4 v10  }
0xe3: {  	s23 =	simm.s32 @p0 $0x1;
	p0 =	sne.s32 s30, $0x0;
	s31 =	spop (v2sf);
	[tilespmem:s21+$0xFFFFFF80] =	vst @!p1 v11  }
0xe4: {  	[smem:$0x7FD] =	sst s23;
	s23 =	simm.s32 @!p0 $0x0;
	s24 =	spop (v2sf);
	[tilespmem:s21+$0xFFFFFF90] =	vst @!p1 v11  }
0xe5: {  	[tilespmem:s21+$0xFFFFFFA0] =	vst @!p1 v11;
	s23 =	simm.s32 @p0 $0x1;
	p2 =	sne.s32 s24, $0x0  }
0xe6: {  	[tilespmem:s21+$0xFFFFFFB0] =	vst @!p1 v11;
	[smem:$0x7F7] =	sst s23;
	v13 =	vimm.f32 @!p2 $0.0e+00  }
0xe7: {  	v12 =	vimm.f32 @!p0 $0.0e+00;
	p0 =	sne.s32 s31, $0x0;
	s24 =	sld [smem:$0x7F7];
	[tilespmem:s21+$0x40] =	vst @!p2 v13  }
0xe8: {  	s23 =	simm.s32 @!p0 $0x0;
	[tilespmem:s21+$0x50] =	vst @!p2 v13  }
0xe9: {  	s23 =	simm.s32 @p0 $0x1;
	[tilespmem:s21+$0x60] =	vst @!p2 v13  }
0xea: {  	s25 =	spop (v2sf);
	[tilespmem:s21+$0x70] =	vst @!p2 v13;
	[smem:$0x7F8] =	sst s23;
	p1 =	seq.s32 s24, $0x1  }
0xeb: {  	v6 =	vimm.f32 @!p0 $0.0e+00;
	p0 =	sne.s32 s25, $0x0;
	s25 =	sld [smem:$0x7F8];
	[tilespmem:s21+$0xFFFFFFC0] =	vst @!p1 v12  }
0xec: {  	s26 =	spop (v2sf);
	[tilespmem:s21+$0xFFFFFFD0] =	vst @!p1 v12  }
0xed: {  	s28 =	spop (v2sf);
	[tilespmem:s21+$0xFFFFFFE0] =	vst @!p1 v12  }
0xee: {  	s29 =	spop (v2sf);
	[tilespmem:s21+$0xFFFFFFF0] =	vst @!p1 v12;
	p1 =	seq.s32 s25, $0x1  }
0xef: {  	s23 =	simm.s32 @!p0 $0x0;
	s30 =	spop (v2sf);
	[tilespmem:s21+$0x0] =	vst @!p1 v6  }
0xf0: {  	s23 =	simm.s32 @p0 $0x1;
	s31 =	spop (v2sf);
	[tilespmem:s21+$0x10] =	vst @!p1 v6  }
0xf1: {  	[smem:$0x7F9] =	sst s23;
	p3 =	sne.s32 s31, $0x0;
	[tilespmem:s21+$0x20] =	vst @!p1 v6  }
0xf2: {  	v14 =	vimm.f32 @!p0 $0.0e+00;
	p0 =	sne.s32 s26, $0x0;
	s26 =	sld [smem:$0x7F9];
	v5 =	vimm.f32 @!p3 $0.0e+00;
	[tilespmem:s21+$0x30] =	vst @!p1 v6  }
0xf3: {  	s23 =	simm.s32 @!p0 $0x0;
	[tilespmem:s21+$0x1C0] =	vst @!p3 v5  }
0xf4: {  	s23 =	simm.s32 @p0 $0x1;
	[tilespmem:s21+$0x1D0] =	vst @!p3 v5  }
0xf5: {  	[smem:$0x7FA] =	sst s23;
	[tilespmem:s21+$0x1E0] =	vst @!p3 v5;
	p1 =	seq.s32 s26, $0x1  }
0xf6: {  	v15 =	vimm.f32 @!p0 $0.0e+00;
	p0 =	sne.s32 s28, $0x0;
	s28 =	sld [smem:$0x7FA];
	[tilespmem:s21+$0x80] =	vst @!p1 v14  }
0xf7: {  	[tilespmem:s21+$0x90] =	vst @!p1 v14  }
0xf8: {  	[tilespmem:s21+$0xA0] =	vst @!p1 v14  }
0xf9: {  	s23 =	simm.s32 @!p0 $0x0;
	[tilespmem:s21+$0xB0] =	vst @!p1 v14;
	p1 =	seq.s32 s28, $0x1  }
0xfa: {  	v7 =	vimm.f32 @!p0 $0.0e+00;
	s23 =	simm.s32 @p0 $0x1;
	p0 =	sne.s32 s29, $0x0;
	[tilespmem:s21+$0xC0] =	vst @!p1 v15  }
0xfb: {  	[smem:$0x7FB] =	sst s23;
	s23 =	simm.s32 @!p0 $0x0;
	[tilespmem:s21+$0xD0] =	vst @!p1 v15  }
0xfc: {  	v16 =	vimm.f32 @!p0 $0.0e+00;
	s23 =	simm.s32 @p0 $0x1;
	p0 =	sne.s32 s30, $0x0;
	[tilespmem:s21+$0xE0] =	vst @!p1 v15  }
0xfd: {  	v17 =	vimm.f32 @!p0 $0.0e+00;
	[tilespmem:s21+$0xF0] =	vst @!p1 v15  }
0xfe: {  	s29 =	sld [smem:$0x7FB];
	[tilespmem:s21+$0x180] =	vst @!p0 v17  }
0xff: {  	[tilespmem:s21+$0x190] =	vst @!p0 v17  }
0x100: {  	s31 =	sld [smem:$0x7FD];
	[tilespmem:s21+$0x1A0] =	vst @!p0 v17  }
0x101: {  	[smem:$0x7FC] =	sst s23;
	[tilespmem:s21+$0x1B0] =	vst @!p0 v17;
	p1 =	seq.s32 s29, $0x1  }
0x102: {  	s30 =	sld [smem:$0x7FC];
	[tilespmem:s21+$0x100] =	vst @!p1 v7  }
0x103: {  	[tilespmem:s21+$0x110] =	vst @!p1 v7  }
0x104: {  	p0 =	seq.s32 s31, $0x1;
	[tilespmem:s21+$0x120] =	vst @!p1 v7  }
.Ltmp3:
0x105: {  	[tilespmem:s21+$0x130] =	vst @!p1 v7;
	p1 =	seq.s32 s30, $0x1;
	(pc) =	sbr.rel @p0 .LBB2_4-.Ltmp3, $4  }
0x106: {  	[tilespmem:s21+$0x140] =	vst @!p1 v16  }
0x107: {  	[tilespmem:s21+$0x150] =	vst @!p1 v16  }
0x108: {  	[tilespmem:s21+$0x160] =	vst @!p1 v16  }
0x109: {  	[tilespmem:s21+$0x170] =	vst @!p1 v16  }
0x10a: {  	[tilespmem:s21+$0x1F0] =	vst @!p3 v5  }
.LBB2_6:
0x10b: {  	s21 =	sadd.s32 s1, s20  }
0x10c: {  	s21 =	sshll.u32 s21, $0x3  }
0x10d: {  	p1 =	seq.s32 s19, $0x18;
	s21 =	sadd.s32 s2, s21  }
0x10e: {  	[hbm4b:s21+s3] =	stream.linear.scatter [tilespmem:s9], [sflag:$0x3], $0x8000, $0x38;
	[tilespmem:$0x16400] =	vst v63  }
0x10f: {  	s21 =	simm.s32 @!p1 $0x3  }
0x110: {  	_ =	swait.ge @!p1 [sflag:s21], $0x8000  }
0x111: {  	s22 =	sshll.u32 @!p1 s19, $0xA;
	[sflag:s21] =	ssyncset.done @!p1 $0x0  }
0x112: {  	[sflag:s21] =	ssyncadd.s32 @!p1 $0xFFFF8000;
	s21 =	sand.u32 @!p1 $0x3FFFFC00, s22  }
0x113: {  	s23 =	simm.s32 @!p1 $0x6400;
	s22 =	simm.s32 @!p1 $0x200;
	s21 =	sadd.s32 @!p1 $0x400, s21  }
0x114: {  	[tilespmem:s23], [sflag:$0x1] =	stream.indirect.gather @!p1 [hbm4b:s5+s22], $0x40, s21, s22, $0xb8;
	[tilespmem:$0x16400] =	vst v63  }
0x115: {  	_ =	swait.ge [sflag:s12], $0x8000  }
0x116: {  	[sflag:s12] =	ssyncset.done $0x0  }
0x117: {  	s21 =	sor.u32 $0x200, s20;
	[sflag:s12] =	ssyncadd.s32 $0xFFFF8000  }
0x118: {  	v4 =	vld [tilespmem:s21+$0x0]  }
0x119: {  	v5 =	vld [tilespmem:s20+$0x210];
	_ =	sdelay $0x1  }
0x11a: {  	v6 =	vld [tilespmem:s20+$0x220];
	_ =	sdelay $0x1  }
0x11b: {  	v7 =	vld [tilespmem:s20+$0x230]  }
0x11c: {  	vm0 =	vlt.s32 v4, v5  }
0x11d: {  	v8 =	vld [tilespmem:s20+$0x240];
	v4 =	vsel vm0, v4, v5  }
0x11e: {  	vm0 =	vlt.s32 v4, v6  }
0x11f: {  	v5 =	vld [tilespmem:s20+$0x250];
	v4 =	vsel vm0, v4, v6  }
0x120: {  	vm0 =	vlt.s32 v4, v7  }
0x121: {  	v44 =	vld [tilespmem:s20+$0x260];
	v4 =	vsel vm0, v4, v7  }
0x122: {  	vm0 =	vlt.s32 v4, v8  }
0x123: {  	v45 =	vld [tilespmem:s20+$0x270];
	v4 =	vsel vm0, v4, v8  }
0x124: {  	vm0 =	vlt.s32 v4, v5  }
0x125: {  	v46 =	vld [tilespmem:s20+$0x280];
	v4 =	vsel vm0, v4, v5  }
0x126: {  	vm0 =	vlt.s32 v4, v44  }
0x127: {  	v5 =	vld [tilespmem:s20+$0x290];
	v4 =	vsel vm0, v4, v44  }
0x128: {  	vm0 =	vlt.s32 v4, v45  }
0x129: {  	v47 =	vld [tilespmem:s20+$0x2A0];
	v4 =	vsel vm0, v4, v45  }
0x12a: {  	vm0 =	vlt.s32 v4, v46  }
0x12b: {  	v48 =	vld [tilespmem:s20+$0x2B0];
	v4 =	vsel vm0, v4, v46  }
0x12c: {  	vm0 =	vlt.s32 v4, v5  }
0x12d: {  	v49 =	vld [tilespmem:s20+$0x2C0];
	v4 =	vsel vm0, v4, v5  }
0x12e: {  	vm0 =	vlt.s32 v4, v47  }
0x12f: {  	v5 =	vld [tilespmem:s20+$0x2D0];
	v4 =	vsel vm0, v4, v47  }
0x130: {  	vm0 =	vlt.s32 v4, v48  }
0x131: {  	v50 =	vld [tilespmem:s20+$0x2E0];
	v4 =	vsel vm0, v4, v48  }
0x132: {  	vm0 =	vlt.s32 v4, v49  }
0x133: {  	v51 =	vld [tilespmem:s20+$0x2F0];
	v4 =	vsel vm0, v4, v49  }
0x134: {  	vm0 =	vlt.s32 v4, v5  }
0x135: {  	v52 =	vld [tilespmem:s20+$0x300];
	v4 =	vsel vm0, v4, v5  }
0x136: {  	vm0 =	vlt.s32 v4, v50  }
0x137: {  	v5 =	vld [tilespmem:s20+$0x310];
	v4 =	vsel vm0, v4, v50  }
0x138: {  	vm0 =	vlt.s32 v4, v51  }
0x139: {  	v53 =	vld [tilespmem:s20+$0x320];
	v4 =	vsel vm0, v4, v51  }
0x13a: {  	vm0 =	vlt.s32 v4, v52  }
0x13b: {  	v54 =	vld [tilespmem:s20+$0x330];
	v4 =	vsel vm0, v4, v52  }
0x13c: {  	vm0 =	vlt.s32 v4, v5  }
0x13d: {  	v55 =	vld [tilespmem:s20+$0x340];
	v4 =	vsel vm0, v4, v5  }
0x13e: {  	vm0 =	vlt.s32 v4, v53  }
0x13f: {  	v5 =	vld [tilespmem:s20+$0x350];
	v4 =	vsel vm0, v4, v53  }
0x140: {  	vm0 =	vlt.s32 v4, v54  }
0x141: {  	v56 =	vld [tilespmem:s20+$0x360];
	v4 =	vsel vm0, v4, v54  }
0x142: {  	vm0 =	vlt.s32 v4, v55  }
0x143: {  	v57 =	vld [tilespmem:s20+$0x370];
	v4 =	vsel vm0, v4, v55  }
0x144: {  	vm0 =	vlt.s32 v4, v5  }
0x145: {  	v58 =	vld [tilespmem:s20+$0x380];
	v4 =	vsel vm0, v4, v5  }
0x146: {  	vm0 =	vlt.s32 v4, v56  }
0x147: {  	v5 =	vld [tilespmem:s20+$0x390];
	v4 =	vsel vm0, v4, v56  }
0x148: {  	vm0 =	vlt.s32 v4, v57  }
0x149: {  	v59 =	vld [tilespmem:s20+$0x3A0];
	v4 =	vsel vm0, v4, v57  }
0x14a: {  	vm0 =	vlt.s32 v4, v58  }
0x14b: {  	v60 =	vld [tilespmem:s20+$0x3B0];
	v4 =	vsel vm0, v4, v58  }
0x14c: {  	vm0 =	vlt.s32 v4, v5  }
0x14d: {  	v61 =	vld [tilespmem:s20+$0x3C0];
	v4 =	vsel vm0, v4, v5  }
0x14e: {  	vm0 =	vlt.s32 v4, v59  }
0x14f: {  	v5 =	vld [tilespmem:s20+$0x3D0];
	v4 =	vsel vm0, v4, v59  }
0x150: {  	vm0 =	vlt.s32 v4, v60  }
0x151: {  	v62 =	vld [tilespmem:s20+$0x3E0];
	v4 =	vsel vm0, v4, v60  }
0x152: {  	vm0 =	vlt.s32 v4, v61  }
0x153: {  	v63 =	vld [tilespmem:s20+$0x3F0];
	v4 =	vsel vm0, v4, v61  }
0x154: {  	vm0 =	vlt.s32 v4, v5  }
0x155: {  	v4 =	vsel vm0, v4, v5  }
0x156: {  	vm0 =	vlt.s32 v4, v62  }
0x157: {  	v4 =	vsel vm0, v4, v62  }
0x158: {  	vm0 =	vlt.s32 v4, v63  }
0x159: {  	v4 =	vsel vm0, v4, v63  }
0x15a: {  	v5 =	vperm.xlane v4, v0;
	_ =	sdelay $0x1  }
0x15b: {  	vm0 =	vlt.s32 v4, v5  }
0x15c: {  	v4 =	vsel vm0, v4, v5  }
0x15d: {  	v5 =	vperm.xlane v4, v1;
	_ =	sdelay $0x1  }
0x15e: {  	vm0 =	vlt.s32 v4, v5  }
0x15f: {  	v4 =	vsel vm0, v4, v5  }
0x160: {  	v5 =	vperm.xlane v4, v2;
	_ =	sdelay $0x1  }
0x161: {  	vm0 =	vlt.s32 v4, v5  }
0x162: {  	v4 =	vsel vm0, v4, v5  }
0x163: {  	v5 =	vperm.xlane v4, v3;
	_ =	sdelay $0x1  }
0x164: {  	vm0 =	vlt.s32 v4, v5  }
0x165: {  	v4 =	vsel vm0, v4, v5  }
0x166: {  	(v2sf) =	vpush v4, $0x0;
	_ =	sdelay $0xe  }
0x167: {  	s31 =	spop (v2sf)  }
0x168: {  	p0 =	sne.s32 s31, $0x0  }
.Ltmp4:
0x169: {  	_ = 	snop;
	(pc) =	sbr.rel @p0 .LBB2_10-.Ltmp4, $1  }
0x16a: {  	_ =	sdelay $0x3  }
0x16b: {  	v4 =	vmov s17;
	_ =	sdelay $0x3  }
0x16c: {  	s31 =	simm.s32 $0x0  }
0x16d: {  	v5 =	vld.idx.msk [tilespmem:v4+s31+$0x0 ss:$0x1], $0xffff;
	_ =	sdelay $0x4  }
0x16e: {  	(v2sf) =	vpush v5, $0x0;
	_ =	sdelay $0x3  }
0x16f: {  	(v2sf) =	vpush v5, $0x1;
	_ =	sdelay $0x3  }
0x170: {  	(v2sf) =	vpush v5, $0x2;
	_ =	sdelay $0x3  }
0x171: {  	(v2sf) =	vpush v5, $0x3;
	_ =	sdelay $0x2  }
0x172: {  	s22 =	simm.s32 @!p1 $0x0;
	s23 =	spop (v2sf)  }
0x173: {  	s22 =	simm.s32 @p1 $0x1;
	(v2sf) =	vpush v5, $0x4;
	p0 =	sne.s32 s23, $0x0  }
0x174: {  	[smem:$0x7F6] =	sst s22;
	s22 =	simm.s32 $0xE600;
	v6 =	vimm.f32 @!p0 $0.0e+00  }
0x175: {  	[tilespmem:s22+$0xFFFFFE00] =	vst @!p0 v6  }
0x176: {  	s23 =	spop (v2sf);
	[tilespmem:s22+$0xFFFFFE10] =	vst @!p0 v6  }
0x177: {  	(v2sf) =	vpush v5, $0x5;
	p1 =	sne.s32 s23, $0x0;
	[tilespmem:s22+$0xFFFFFE20] =	vst @!p0 v6  }
0x178: {  	v7 =	vimm.f32 @!p1 $0.0e+00;
	[tilespmem:s22+$0xFFFFFE30] =	vst @!p0 v6  }
0x179: {  	[tilespmem:s22+$0xFFFFFE40] =	vst @!p1 v7  }
0x17a: {  	s24 =	spop (v2sf);
	[tilespmem:s22+$0xFFFFFE50] =	vst @!p1 v7  }
0x17b: {  	(v2sf) =	vpush v5, $0x6;
	p0 =	sne.s32 s24, $0x0;
	[tilespmem:s22+$0xFFFFFE60] =	vst @!p1 v7  }
0x17c: {  	v6 =	vimm.f32 @!p0 $0.0e+00;
	[tilespmem:s22+$0xFFFFFE70] =	vst @!p1 v7  }
0x17d: {  	[tilespmem:s22+$0xFFFFFE80] =	vst @!p0 v6  }
0x17e: {  	s25 =	spop (v2sf);
	[tilespmem:s22+$0xFFFFFE90] =	vst @!p0 v6  }
0x17f: {  	(v2sf) =	vpush v5, $0x7;
	p1 =	sne.s32 s25, $0x0;
	[tilespmem:s22+$0xFFFFFEA0] =	vst @!p0 v6  }
0x180: {  	v7 =	vimm.f32 @!p1 $0.0e+00;
	[tilespmem:s22+$0xFFFFFEB0] =	vst @!p0 v6  }
0x181: {  	[tilespmem:s22+$0xFFFFFEC0] =	vst @!p1 v7  }
0x182: {  	[tilespmem:s22+$0xFFFFFED0] =	vst @!p1 v7;
	s26 =	spop (v2sf)  }
0x183: {  	[tilespmem:s22+$0xFFFFFEE0] =	vst @!p1 v7;
	(v2sf) =	vpush v5, $0x8;
	p0 =	sne.s32 s26, $0x0  }
0x184: {  	[tilespmem:s22+$0xFFFFFEF0] =	vst @!p1 v7;
	v6 =	vimm.f32 @!p0 $0.0e+00  }
0x185: {  	[tilespmem:s22+$0xFFFFFF00] =	vst @!p0 v6  }
0x186: {  	s28 =	spop (v2sf);
	[tilespmem:s22+$0xFFFFFF10] =	vst @!p0 v6  }
0x187: {  	(v2sf) =	vpush v5, $0x9;
	p1 =	sne.s32 s28, $0x0;
	[tilespmem:s22+$0xFFFFFF20] =	vst @!p0 v6  }
0x188: {  	v7 =	vimm.f32 @!p1 $0.0e+00;
	[tilespmem:s22+$0xFFFFFF30] =	vst @!p0 v6  }
0x189: {  	[tilespmem:s22+$0xFFFFFF40] =	vst @!p1 v7  }
0x18a: {  	s29 =	spop (v2sf);
	[tilespmem:s22+$0xFFFFFF50] =	vst @!p1 v7  }
0x18b: {  	(v2sf) =	vpush v5, $0xA;
	p0 =	sne.s32 s29, $0x0;
	[tilespmem:s22+$0xFFFFFF60] =	vst @!p1 v7  }
0x18c: {  	v6 =	vimm.f32 @!p0 $0.0e+00;
	[tilespmem:s22+$0xFFFFFF70] =	vst @!p1 v7  }
0x18d: {  	[tilespmem:s22+$0xFFFFFF80] =	vst @!p0 v6  }
0x18e: {  	s30 =	spop (v2sf);
	[tilespmem:s22+$0xFFFFFF90] =	vst @!p0 v6  }
0x18f: {  	(v2sf) =	vpush v5, $0xB;
	p1 =	sne.s32 s30, $0x0;
	[tilespmem:s22+$0xFFFFFFA0] =	vst @!p0 v6  }
0x190: {  	v7 =	vimm.f32 @!p1 $0.0e+00;
	[tilespmem:s22+$0xFFFFFFB0] =	vst @!p0 v6  }
0x191: {  	[tilespmem:s22+$0xFFFFFFC0] =	vst @!p1 v7  }
0x192: {  	[tilespmem:s22+$0xFFFFFFD0] =	vst @!p1 v7;
	s31 =	spop (v2sf)  }
0x193: {  	[tilespmem:s22+$0xFFFFFFE0] =	vst @!p1 v7;
	(v2sf) =	vpush v5, $0xC;
	p0 =	sne.s32 s31, $0x0  }
0x194: {  	[tilespmem:s22+$0xFFFFFFF0] =	vst @!p1 v7;
	v6 =	vimm.f32 @!p0 $0.0e+00  }
0x195: {  	[tilespmem:s22+$0x0] =	vst @!p0 v6  }
0x196: {  	s24 =	spop (v2sf);
	[tilespmem:s22+$0x10] =	vst @!p0 v6  }
0x197: {  	(v2sf) =	vpush v5, $0xD;
	p1 =	sne.s32 s24, $0x0;
	[tilespmem:s22+$0x20] =	vst @!p0 v6  }
0x198: {  	v7 =	vimm.f32 @!p1 $0.0e+00;
	[tilespmem:s22+$0x30] =	vst @!p0 v6  }
0x199: {  	[tilespmem:s22+$0x40] =	vst @!p1 v7  }
0x19a: {  	s25 =	spop (v2sf);
	[tilespmem:s22+$0x50] =	vst @!p1 v7  }
0x19b: {  	(v2sf) =	vpush v5, $0xE;
	p0 =	sne.s32 s25, $0x0;
	[tilespmem:s22+$0x60] =	vst @!p1 v7  }
0x19c: {  	v6 =	vimm.f32 @!p0 $0.0e+00;
	[tilespmem:s22+$0x70] =	vst @!p1 v7  }
0x19d: {  	[tilespmem:s22+$0x80] =	vst @!p0 v6  }
0x19e: {  	s26 =	spop (v2sf);
	[tilespmem:s22+$0x90] =	vst @!p0 v6  }
0x19f: {  	(v2sf) =	vpush v5, $0xF;
	p1 =	sne.s32 s26, $0x0;
	[tilespmem:s22+$0xA0] =	vst @!p0 v6  }
0x1a0: {  	v5 =	vimm.f32 @!p1 $0.0e+00;
	[tilespmem:s22+$0xB0] =	vst @!p0 v6  }
0x1a1: {  	[tilespmem:s22+$0xC0] =	vst @!p1 v5  }
0x1a2: {  	[tilespmem:s22+$0xD0] =	vst @!p1 v5;
	s28 =	spop (v2sf)  }
0x1a3: {  	[tilespmem:s22+$0xE0] =	vst @!p1 v5;
	p0 =	sne.s32 s28, $0x0  }
0x1a4: {  	[tilespmem:s22+$0xF0] =	vst @!p1 v5;
	v6 =	vimm.f32 @!p0 $0.0e+00  }
0x1a5: {  	[tilespmem:s22+$0x100] =	vst @!p0 v6  }
0x1a6: {  	s29 =	spop (v2sf);
	[tilespmem:s22+$0x110] =	vst @!p0 v6  }
0x1a7: {  	p1 =	sne.s32 s29, $0x0;
	[tilespmem:s22+$0x120] =	vst @!p0 v6  }
0x1a8: {  	v5 =	vimm.f32 @!p1 $0.0e+00;
	[tilespmem:s22+$0x130] =	vst @!p0 v6  }
0x1a9: {  	[tilespmem:s22+$0x140] =	vst @!p1 v5  }
0x1aa: {  	s30 =	spop (v2sf);
	[tilespmem:s22+$0x150] =	vst @!p1 v5  }
0x1ab: {  	p0 =	sne.s32 s30, $0x0;
	[tilespmem:s22+$0x160] =	vst @!p1 v5  }
0x1ac: {  	v6 =	vimm.f32 @!p0 $0.0e+00;
	[tilespmem:s22+$0x170] =	vst @!p1 v5  }
0x1ad: {  	[tilespmem:s22+$0x180] =	vst @!p0 v6  }
0x1ae: {  	s31 =	spop (v2sf);
	[tilespmem:s22+$0x190] =	vst @!p0 v6  }
0x1af: {  	p3 =	sne.s32 s31, $0x0;
	[tilespmem:s22+$0x1A0] =	vst @!p0 v6  }
0x1b0: {  	[tilespmem:s22+$0x1B0] =	vst @!p0 v6;
	v5 =	vimm.f32 @!p3 $0.0e+00  }
0x1b1: {  	[tilespmem:s22+$0x1C0] =	vst @!p3 v5  }
0x1b2: {  	[tilespmem:s22+$0x1D0] =	vst @!p3 v5  }
0x1b3: {  	s23 =	simm.s32 $0x40;
	[tilespmem:s22+$0x1E0] =	vst @!p3 v5  }
.LBB2_8:
0x1b4: {  	s24 =	sshra.s32 s23, $0x2;
	[tilespmem:s22+$0x1F0] =	vst @!p3 v5  }
0x1b5: {  	v5 =	vld.idx.msk [tilespmem:v4+s24+$0x0 ss:$0x1], $0xffff;
	_ =	sdelay $0x4  }
0x1b6: {  	(v2sf) =	vpush v5, $0x0;
	_ =	sdelay $0x2  }
0x1b7: {  	(v2sf) =	vpush v5, $0x1  }
0x1b8: {  	(v2sf) =	vpush v5, $0x2  }
0x1b9: {  	(v2sf) =	vpush v5, $0x3  }
0x1ba: {  	(v2sf) =	vpush v5, $0x4  }
0x1bb: {  	(v2sf) =	vpush v5, $0x5  }
0x1bc: {  	(v2sf) =	vpush v5, $0x6  }
0x1bd: {  	(v2sf) =	vpush v5, $0x7  }
0x1be: {  	(v2sf) =	vpush v5, $0x8  }
0x1bf: {  	(v2sf) =	vpush v5, $0x9  }
0x1c0: {  	(v2sf) =	vpush v5, $0xA  }
0x1c1: {  	(v2sf) =	vpush v5, $0xB  }
0x1c2: {  	(v2sf) =	vpush v5, $0xC  }
0x1c3: {  	(v2sf) =	vpush v5, $0xD;
	s26 =	spop (v2sf)  }
0x1c4: {  	(v2sf) =	vpush v5, $0xE;
	p1 =	sne.s32 s26, $0x0  }
0x1c5: {  	s22 =	sadd.s32 $0x400, s22;
	(v2sf) =	vpush v5, $0xF;
	v5 =	vimm.f32 @!p1 $0.0e+00  }
0x1c6: {  	[tilespmem:s22+$0xFFFFFE00] =	vst @!p1 v5  }
0x1c7: {  	s28 =	spop (v2sf);
	[tilespmem:s22+$0xFFFFFE10] =	vst @!p1 v5  }
0x1c8: {  	p2 =	sne.s32 s28, $0x0;
	[tilespmem:s22+$0xFFFFFE20] =	vst @!p1 v5  }
0x1c9: {  	v6 =	vimm.f32 @!p2 $0.0e+00;
	[tilespmem:s22+$0xFFFFFE30] =	vst @!p1 v5  }
0x1ca: {  	[tilespmem:s22+$0xFFFFFE40] =	vst @!p2 v6  }
0x1cb: {  	s29 =	spop (v2sf);
	[tilespmem:s22+$0xFFFFFE50] =	vst @!p2 v6  }
0x1cc: {  	p3 =	sne.s32 s29, $0x0;
	[tilespmem:s22+$0xFFFFFE60] =	vst @!p2 v6  }
0x1cd: {  	v7 =	vimm.f32 @!p3 $0.0e+00;
	[tilespmem:s22+$0xFFFFFE70] =	vst @!p2 v6  }
0x1ce: {  	[tilespmem:s22+$0xFFFFFE80] =	vst @!p3 v7  }
0x1cf: {  	s30 =	spop (v2sf);
	[tilespmem:s22+$0xFFFFFE90] =	vst @!p3 v7  }
0x1d0: {  	p4 =	sne.s32 s30, $0x0;
	[tilespmem:s22+$0xFFFFFEA0] =	vst @!p3 v7  }
0x1d1: {  	v8 =	vimm.f32 @!p4 $0.0e+00;
	[tilespmem:s22+$0xFFFFFEB0] =	vst @!p3 v7  }
0x1d2: {  	[tilespmem:s22+$0xFFFFFEC0] =	vst @!p4 v8  }
0x1d3: {  	s31 =	spop (v2sf);
	[tilespmem:s22+$0xFFFFFED0] =	vst @!p4 v8  }
0x1d4: {  	p6 =	sne.s32 s31, $0x0;
	[tilespmem:s22+$0xFFFFFEE0] =	vst @!p4 v8  }
0x1d5: {  	v9 =	vimm.f32 @!p6 $0.0e+00;
	[tilespmem:s22+$0xFFFFFEF0] =	vst @!p4 v8  }
0x1d6: {  	[tilespmem:s22+$0xFFFFFF00] =	vst @!p6 v9  }
0x1d7: {  	s25 =	spop (v2sf);
	[tilespmem:s22+$0xFFFFFF10] =	vst @!p6 v9  }
0x1d8: {  	p5 =	sne.s32 s25, $0x0;
	[tilespmem:s22+$0xFFFFFF20] =	vst @!p6 v9  }
0x1d9: {  	v10 =	vimm.f32 @!p5 $0.0e+00;
	[tilespmem:s22+$0xFFFFFF30] =	vst @!p6 v9  }
0x1da: {  	[tilespmem:s22+$0xFFFFFF40] =	vst @!p5 v10  }
0x1db: {  	s23 =	sadd.s32 $0x40, s23;
	s26 =	spop (v2sf);
	[tilespmem:s22+$0xFFFFFF50] =	vst @!p5 v10  }
0x1dc: {  	p0 =	sne.s32 s23, $0x800;
	p1 =	sne.s32 s26, $0x0;
	[tilespmem:s22+$0xFFFFFF60] =	vst @!p5 v10  }
0x1dd: {  	s24 =	simm.s32 @!p0 $0x0;
	s28 =	spop (v2sf);
	v11 =	vimm.f32 @!p1 $0.0e+00;
	[tilespmem:s22+$0xFFFFFF70] =	vst @!p5 v10  }
0x1de: {  	s24 =	simm.s32 @p0 $0x1;
	p0 =	sne.s32 s28, $0x0;
	s29 =	spop (v2sf);
	[tilespmem:s22+$0xFFFFFF80] =	vst @!p1 v11  }
0x1df: {  	[smem:$0x7F5] =	sst s24;
	s24 =	simm.s32 @!p0 $0x0;
	s30 =	spop (v2sf);
	[tilespmem:s22+$0xFFFFFF90] =	vst @!p1 v11  }
0x1e0: {  	v12 =	vimm.f32 @!p0 $0.0e+00;
	[tilespmem:s22+$0xFFFFFFA0] =	vst @!p1 v11;
	s24 =	simm.s32 @p0 $0x1;
	p0 =	sne.s32 s29, $0x0;
	p2 =	sne.s32 s30, $0x0  }
0x1e1: {  	[tilespmem:s22+$0xFFFFFFB0] =	vst @!p1 v11;
	s31 =	spop (v2sf);
	[smem:$0x7EF] =	sst s24;
	s24 =	simm.s32 @!p0 $0x0;
	v13 =	vimm.f32 @!p2 $0.0e+00  }
0x1e2: {  	v6 =	vimm.f32 @!p0 $0.0e+00;
	s24 =	simm.s32 @p0 $0x1;
	p0 =	sne.s32 s31, $0x0;
	s31 =	sld [smem:$0x7EF];
	[tilespmem:s22+$0x40] =	vst @!p2 v13  }
0x1e3: {  	[tilespmem:s22+$0x50] =	vst @!p2 v13  }
0x1e4: {  	s25 =	spop (v2sf);
	[tilespmem:s22+$0x60] =	vst @!p2 v13  }
0x1e5: {  	[tilespmem:s22+$0x70] =	vst @!p2 v13;
	[smem:$0x7F0] =	sst s24;
	s24 =	simm.s32 @!p0 $0x0;
	p1 =	seq.s32 s31, $0x1  }
0x1e6: {  	v14 =	vimm.f32 @!p0 $0.0e+00;
	s24 =	simm.s32 @p0 $0x1;
	p0 =	sne.s32 s25, $0x0;
	s25 =	sld [smem:$0x7F0];
	[tilespmem:s22+$0xFFFFFFC0] =	vst @!p1 v12  }
0x1e7: {  	[tilespmem:s22+$0xFFFFFFD0] =	vst @!p1 v12  }
0x1e8: {  	s26 =	spop (v2sf);
	[tilespmem:s22+$0xFFFFFFE0] =	vst @!p1 v12  }
0x1e9: {  	s28 =	spop (v2sf);
	[tilespmem:s22+$0xFFFFFFF0] =	vst @!p1 v12;
	p1 =	seq.s32 s25, $0x1  }
0x1ea: {  	s29 =	spop (v2sf);
	[tilespmem:s22+$0x0] =	vst @!p1 v6  }
0x1eb: {  	s30 =	spop (v2sf);
	[tilespmem:s22+$0x10] =	vst @!p1 v6  }
0x1ec: {  	[smem:$0x7F1] =	sst s24;
	s24 =	simm.s32 @!p0 $0x0;
	p3 =	sne.s32 s30, $0x0;
	[tilespmem:s22+$0x20] =	vst @!p1 v6  }
0x1ed: {  	v15 =	vimm.f32 @!p0 $0.0e+00;
	s24 =	simm.s32 @p0 $0x1;
	p0 =	sne.s32 s26, $0x0;
	s26 =	sld [smem:$0x7F1];
	v5 =	vimm.f32 @!p3 $0.0e+00;
	[tilespmem:s22+$0x30] =	vst @!p1 v6  }
0x1ee: {  	[tilespmem:s22+$0x1C0] =	vst @!p3 v5  }
0x1ef: {  	[tilespmem:s22+$0x1D0] =	vst @!p3 v5  }
0x1f0: {  	[smem:$0x7F2] =	sst s24;
	s24 =	simm.s32 @!p0 $0x0;
	[tilespmem:s22+$0x1E0] =	vst @!p3 v5;
	p1 =	seq.s32 s26, $0x1  }
0x1f1: {  	v7 =	vimm.f32 @!p0 $0.0e+00;
	s24 =	simm.s32 @p0 $0x1;
	p0 =	sne.s32 s28, $0x0;
	s28 =	sld [smem:$0x7F2];
	[tilespmem:s22+$0x80] =	vst @!p1 v14  }
0x1f2: {  	[tilespmem:s22+$0x90] =	vst @!p1 v14  }
0x1f3: {  	[tilespmem:s22+$0xA0] =	vst @!p1 v14  }
0x1f4: {  	[tilespmem:s22+$0xB0] =	vst @!p1 v14;
	p1 =	seq.s32 s28, $0x1  }
0x1f5: {  	[tilespmem:s22+$0xC0] =	vst @!p1 v15  }
0x1f6: {  	[smem:$0x7F3] =	sst s24;
	s24 =	simm.s32 @!p0 $0x0;
	[tilespmem:s22+$0xD0] =	vst @!p1 v15  }
0x1f7: {  	v16 =	vimm.f32 @!p0 $0.0e+00;
	s24 =	simm.s32 @p0 $0x1;
	p0 =	sne.s32 s29, $0x0;
	[tilespmem:s22+$0xE0] =	vst @!p1 v15  }
0x1f8: {  	v17 =	vimm.f32 @!p0 $0.0e+00;
	[tilespmem:s22+$0xF0] =	vst @!p1 v15  }
0x1f9: {  	s29 =	sld [smem:$0x7F3];
	[tilespmem:s22+$0x180] =	vst @!p0 v17  }
0x1fa: {  	[tilespmem:s22+$0x190] =	vst @!p0 v17  }
0x1fb: {  	s31 =	sld [smem:$0x7F5];
	[tilespmem:s22+$0x1A0] =	vst @!p0 v17  }
0x1fc: {  	[smem:$0x7F4] =	sst s24;
	[tilespmem:s22+$0x1B0] =	vst @!p0 v17;
	p1 =	seq.s32 s29, $0x1  }
0x1fd: {  	s30 =	sld [smem:$0x7F4];
	[tilespmem:s22+$0x100] =	vst @!p1 v7  }
0x1fe: {  	[tilespmem:s22+$0x110] =	vst @!p1 v7  }
0x1ff: {  	p0 =	seq.s32 s31, $0x1;
	[tilespmem:s22+$0x120] =	vst @!p1 v7  }
.Ltmp5:
0x200: {  	[tilespmem:s22+$0x130] =	vst @!p1 v7;
	p1 =	seq.s32 s30, $0x1;
	(pc) =	sbr.rel @p0 .LBB2_8-.Ltmp5, $4  }
0x201: {  	[tilespmem:s22+$0x140] =	vst @!p1 v16  }
0x202: {  	[tilespmem:s22+$0x150] =	vst @!p1 v16  }
0x203: {  	[tilespmem:s22+$0x160] =	vst @!p1 v16  }
0x204: {  	[tilespmem:s22+$0x170] =	vst @!p1 v16  }
0x205: {  	s31 =	sld [smem:$0x7F6];
	_ =	sdelay $0x2  }
0x206: {  	[tilespmem:s22+$0x1F0] =	vst @!p3 v5;
	p1 =	seq.s32 s31, $0x1  }
.LBB2_10:
.Ltmp6:
0x207: {  	s21 =	sadd.s32 s1, s21;
	(pc) =	sbr.rel @p1 .LBB2_12-.Ltmp6, $4  }
0x208: {  	s21 =	sshll.u32 s21, $0x3  }
0x209: {  	s21 =	sand.u32 $0x1FFFF000, s21  }
0x20a: {  	s21 =	sadd.s32 s2, s21  }
0x20b: {  	[hbm4b:s21+s3] =	stream.linear.scatter [tilespmem:s10], [sflag:$0x4], $0x8000, $0x38;
	[tilespmem:$0x16400] =	vst v63  }
.Ltmp7:
0x20c: {  	(pc) =	sbr.rel .LBB2_2-.Ltmp7, $4  }
0x20d: {  	_ =	swait.ge [sflag:s14], $0x8000;
	s20 =	sand.u32 $0x3FFFFC00, s20  }
0x20e: {  	s19 =	sadd.s32 $0x1, s19;
	s18 =	sadd.s32 $0x400, s18;
	[sflag:s14] =	ssyncset.done $0x0  }
0x20f: {  	s17 =	sadd.s32 $0x400, s17;
	s20 =	sadd.s32 $0x600, s20;
	[sflag:s14] =	ssyncadd.s32 $0xFFFF8000  }
0x210: {  	[tilespmem:s10], [sflag:$0x2] =	stream.indirect.gather [hbm4b:s5+s15], $0x40, s20, s15, $0xb8;
	[tilespmem:$0x16400] =	vst v63  }
.LBB2_13:
0x211: {  	_ =	sfence.sel $0x180000  }
0x212: {  	[bflag:$0x0] =	sbarrier.arrive $0xFFFF  }
0x213: {  	p0 =	sne.s32 s0, $0x0;
	_ =	strace $0x90000047  }
0x214: {  	s0 =	sadd.s32 @!p0 $0x100000, s4;
	[bflag:$0x2] =	sbarrier.arrive $0xFFFF  }
0x215: {  	[sflag:s0] =	ssyncadd.tile.s32 @!p0 $0x1;
	_ =	shalt  }
.Lfunc_end2:
_tile_overlayer_lowered:
.L_overlay_start_2:
0x216: {  	(tag) =	ssettag $0x2  }
0x217: {  	s0 =	rddreg [dreg:$0x0];
	s2 =	stileid.u32  }
0x218: {  	s1 =	rddreg [dreg:$0x1];
	p0 =	sne.s32 s2, $0x0  }
0x219: {  	s3 =	rddreg [dreg:$0x2];
	[bflag:$0x3] =	sbarrier.arrive $0xFFFF;
	s2 =	simm.s32 @!p0 $0x1C05  }
0x21a: {  	[timem:s3], [sflag:s2] =	dma.local @!p0 [hbm:s0], s1  }
0x21b: {  	s0 =	simm.s32 @!p0 $0x5  }
0x21c: {  	_ =	swait.ge @!p0 [sflag:s0], s1  }
0x21d: {  	s1 =	ssub.s32 @!p0 $0x0, s1;
	[sflag:s0] =	ssyncset.done @!p0 $0x0  }
0x21e: {  	[sflag:s0] =	ssyncadd.s32 @!p0 s1  }
0x21f: {  	[bflag:$0x3] =	sbarrier.arrive $0xFFFF  }
0x220: {  	_ =	shalt  }

</sc_bundles>
